<compile_context>
chip_gen: v7x
topology: tpu7x:2x2x1
jax: 0.10.2.dev20260603
libtpu: 0.0.44.dev20260713+nightly
codegen_flags: <defaults>
</compile_context>

<pallas_src>
import jax
import jax.numpy as jnp
from jax import lax
from jax.experimental import pallas as pl
from jax.experimental.pallas import tpu as pltpu
from jax.experimental.pallas import tpu_sc as plsc

BATCH = 4
SEQ = 4096
EMBED = 128
LANES = 16
NC, NS = 2, 16
NW = NC * NS
S_PER_W = SEQ // NW
NCHUNK = 4
CS = S_PER_W // NCHUNK


def _emb_body(ids_hbm, tok_tab_hbm, pos_tab_hbm, out_hbm,
              idx_v, pos_v, tok_v, gsems, psem, osem):
    wid = lax.axis_index("s") * NC + lax.axis_index("c")
    s0 = wid * S_PER_W
    pltpu.sync_copy(ids_hbm.at[:, pl.ds(s0, S_PER_W)], idx_v)

    def fire_chunk(k):
        return [pltpu.async_copy(
            tok_tab_hbm.at[idx_v.at[b, pl.ds(k * CS, CS)]],
            tok_v.at[b, pl.ds(k * CS, CS)],
            gsems.at[k])
            for b in range(BATCH)]

    gathers = [fire_chunk(0)]
    pos_copy = pltpu.async_copy(pos_tab_hbm.at[pl.ds(s0, S_PER_W)], pos_v, psem)
    gathers += [fire_chunk(k) for k in range(1, NCHUNK)]
    pos_copy.wait()

    out_copies = []
    for k in range(NCHUNK):
        for c in gathers[k]:
            c.wait()

        def body(i, carry):
            for j in range(EMBED // LANES):
                sl = pl.ds(j * LANES, LANES)
                p = pos_v[i, sl]
                for b in range(BATCH):
                    plsc.addupdate(tok_v.at[b, i, sl], p)
            return carry

        lax.fori_loop(k * CS, (k + 1) * CS, body, 0)
        out_copies.extend(
            pltpu.async_copy(tok_v.at[b, pl.ds(k * CS, CS)],
                             out_hbm.at[b, pl.ds(s0 + k * CS, CS)], osem)
            for b in range(BATCH))
    for c in out_copies:
        c.wait()


def kernel(token_ids, token_table, pos_table):
    token_ids = token_ids.astype(jnp.int32)
    f = pl.kernel(
        _emb_body,
        mesh=plsc.VectorSubcoreMesh(core_axis_name="c", subcore_axis_name="s"),
        out_type=jax.ShapeDtypeStruct((BATCH, SEQ, EMBED), jnp.float32),
        scratch_types=[
            pltpu.VMEM((BATCH, S_PER_W), jnp.int32),
            pltpu.VMEM((S_PER_W, EMBED), jnp.float32),
            pltpu.VMEM((BATCH, S_PER_W, EMBED), jnp.float32),
            pltpu.SemaphoreType.DMA((NCHUNK + 1,)),
            pltpu.SemaphoreType.DMA,
            pltpu.SemaphoreType.DMA,
        ],
    )
    return f(token_ids, token_table, pos_table)

# --- scband reference (transcript-rebuilt; emitter-appended) ---
"""Pipeline reference for scband-embedding-layer-17746804867134 (READ-ONLY COPY).

The authoritative reference and input builder live on the scoring server;
editing this copy changes nothing except your own understanding.
"""

import jax, jax.numpy as jnp
import numpy as np

VOCAB = 100000
EMBED_DIM = 128
MAX_SEQ = 4096
BATCH = 4
SEQ = 4096


def setup_inputs(seed: int = 0) -> dict:
    key = jax.random.key(seed)
    k1, k2, k3 = jax.random.split(key, 3)
    token_ids = jax.random.randint(k1, (BATCH, SEQ), 0, VOCAB, dtype=jnp.int32).astype(jnp.int64) if False else jax.random.randint(k1, (BATCH, SEQ), 0, VOCAB)
    token_table = jax.random.normal(k2, (VOCAB, EMBED_DIM), dtype=jnp.float32)
    pos_table = jax.random.normal(k3, (MAX_SEQ, EMBED_DIM), dtype=jnp.float32)
    return {"token_ids": token_ids, "token_table": token_table, "pos_table": pos_table}


def reference(token_ids, token_table, pos_table):
    # TokenEmbedding: gather rows from the token embedding table
    token_emb = jnp.take(token_table, token_ids, axis=0)  # (B, S, D)
    # PositionalEmbedding (learnable): gather positions 0..seq_len-1
    seq_len = token_ids.shape[1]
    pos_ids = jnp.arange(seq_len)
    pos_emb = jnp.take(pos_table, pos_ids, axis=0)[None, :, :]  # (1, S, D)
    out = token_emb + pos_emb
    # Dropout is identity in eval / p=0.0
    return out

if __name__ == "__main__":
    import jax
    _d = setup_inputs()
    print(jax.jit(kernel)(*tuple(_d.values())))

</pallas_src>

<mosaic_0001>
#map = affine_map<(d0, d1) -> (0, 0)>
#map1 = affine_map<(d0, d1) -> (0, 0, 0)>
module attributes {stable_mosaic.version = 14 : i64} {
  func.func @_emb_body(%arg0: i32, %arg1: i32, %arg2: memref<4x4096xi32, #tpu.memory_space<hbm>>, %arg3: memref<100000x128xf32, #tpu.memory_space<hbm>>, %arg4: memref<4096x128xf32, #tpu.memory_space<hbm>>, %arg5: memref<4x4096x128xf32, #tpu.memory_space<hbm>>, %arg6: memref<4x128xi32, #tpu.memory_space<vmem>>, %arg7: memref<128x128xf32, #tpu.memory_space<vmem>>, %arg8: memref<4x128x128xf32, #tpu.memory_space<vmem>>, %arg9: memref<5x!tpu.dma_semaphore, #tpu.memory_space<semaphore_mem>>, %arg10: memref<!tpu.dma_semaphore, #tpu.memory_space<semaphore_mem>>, %arg11: memref<!tpu.dma_semaphore, #tpu.memory_space<semaphore_mem>>) attributes {dimension_semantics = [#tpu.dimension_semantics<core_parallel>, #tpu.dimension_semantics<subcore_parallel>], iteration_bounds = array<i64: 2, 16>, scalar_prefetch = 0 : i64, scratch_operands = 6 : i64, tpu.core_type = #tpu.core_type<sc_vector_subcore>, window_params = [{transform_indices = #map}, {transform_indices = #map}, {transform_indices = #map}, {transform_indices = #map1}]} {
    %mul3A = arith.constant 2 : i32
    %mul3A_0 = arith.muli %arg1, %mul3A : i32
    %add3A = arith.addi %mul3A_0, %arg0 : i32
    %mul3A_1 = arith.constant 128 : i32
    %mul3A_2 = arith.muli %add3A, %mul3A_1 : i32
    "tpu.region"() ({
      %run_scoped3A = tpu.sem_alloc : memref<!tpu.dma_semaphore, #tpu.memory_space<semaphore_mem>>
      %dma_start3A_1056 = arith.constant 0 : i32
      %dma_start3A_1057 = tpu.memref_slice %arg2[%dma_start3A_1056, %mul3A_2] : memref<4x4096xi32, #tpu.memory_space<hbm>> -> memref<4x128xi32, #tpu.memory_space<hbm>>
      %dma_start3A_1058 = arith.constant 0 : i32
      %dma_start3A_1059 = tpu.memref_slice %arg2[%dma_start3A_1058, %mul3A_2] : memref<4x4096xi32, #tpu.memory_space<hbm>> -> memref<4x128xi32, #tpu.memory_space<hbm>>
      tpu.enqueue_dma source(%dma_start3A_1059 : memref<4x128xi32, #tpu.memory_space<hbm>>) target(%arg6 : memref<4x128xi32, #tpu.memory_space<vmem>>) target_semaphore(%run_scoped3A : memref<!tpu.dma_semaphore, #tpu.memory_space<semaphore_mem>>)
      %dma_wait3A_1060 = arith.constant 0 : i32
      %dma_wait3A_1061 = tpu.memref_slice %arg2[%dma_wait3A_1060, %mul3A_2] : memref<4x4096xi32, #tpu.memory_space<hbm>> -> memref<4x128xi32, #tpu.memory_space<hbm>>
      %dma_wait3A_1062 = arith.constant 0 : i32
      %dma_wait3A_1063 = tpu.memref_slice %arg2[%dma_wait3A_1062, %mul3A_2] : memref<4x4096xi32, #tpu.memory_space<hbm>> -> memref<4x128xi32, #tpu.memory_space<hbm>>
      tpu.wait_dma2 semaphore(%run_scoped3A : memref<!tpu.dma_semaphore, #tpu.memory_space<semaphore_mem>>) src(%dma_wait3A_1063 : memref<4x128xi32, #tpu.memory_space<hbm>>) dst(%arg6 : memref<4x128xi32, #tpu.memory_space<vmem>>)
      tpu.yield
    }) : () -> ()
    %dma_start3A = arith.constant 0 : i32
    %dma_start3A_3 = arith.constant 0 : i32
    %dma_start3A_4 = arith.constant 0 : i32
    %dma_start3A_5 = arith.constant 0 : i32
    %dma_start3A_6 = arith.constant 0 : i32
    %dma_start3A_7 = tpu.memref_slice %arg8[%dma_start3A_3, %dma_start3A_5, %dma_start3A_6] : memref<4x128x128xf32, #tpu.memory_space<vmem>> -> memref<1x32x128xf32, #tpu.memory_space<vmem>>
    %dma_start3A_8 = tpu.memref_squeeze %dma_start3A_7 : memref<1x32x128xf32, #tpu.memory_space<vmem>> -> memref<32x128xf32, #tpu.memory_space<vmem>>
    %dma_start3A_9 = arith.constant 0 : i32
    %dma_start3A_10 = tpu.memref_slice %arg6[%dma_start3A, %dma_start3A_9] : memref<4x128xi32, #tpu.memory_space<vmem>> -> memref<1x32xi32, #tpu.memory_space<vmem>>
    %dma_start3A_11 = tpu.memref_squeeze %dma_start3A_10 : memref<1x32xi32, #tpu.memory_space<vmem>> -> memref<32xi32, #tpu.memory_space<vmem>>
    %dma_start3A_12 = arith.constant 0 : i32
    %dma_start3A_13 = arith.constant 0 : i32
    %dma_start3A_14 = tpu.memref_slice %arg3[%dma_start3A_12, %dma_start3A_13] : memref<100000x128xf32, #tpu.memory_space<hbm>> -> memref<100000x128xf32, #tpu.memory_space<hbm>>
    %dma_start3A_15 = tpu.memref_slice %arg9[%dma_start3A_4] : memref<5x!tpu.dma_semaphore, #tpu.memory_space<semaphore_mem>> -> memref<1x!tpu.dma_semaphore, #tpu.memory_space<semaphore_mem>>
    %dma_start3A_16 = tpu.memref_squeeze %dma_start3A_15 : memref<1x!tpu.dma_semaphore, #tpu.memory_space<semaphore_mem>> -> memref<!tpu.dma_semaphore, #tpu.memory_space<semaphore_mem>>
    tpu.enqueue_indirect_dma source(%dma_start3A_14 : memref<100000x128xf32, #tpu.memory_space<hbm>>) target(%dma_start3A_8 : memref<32x128xf32, #tpu.memory_space<vmem>>) offsets(%dma_start3A_11 : memref<32xi32, #tpu.memory_space<vmem>>) semaphore(%dma_start3A_16 : memref<!tpu.dma_semaphore, #tpu.memory_space<semaphore_mem>>)
    %dma_start3A_17 = arith.constant 1 : i32
    %dma_start3A_18 = arith.constant 1 : i32
    %dma_start3A_19 = arith.constant 0 : i32
    %dma_start3A_20 = arith.constant 0 : i32
    %dma_start3A_21 = arith.constant 0 : i32
    %dma_start3A_22 = tpu.memref_slice %arg8[%dma_start3A_18, %dma_start3A_20, %dma_start3A_21] : memref<4x128x128xf32, #tpu.memory_space<vmem>> -> memref<1x32x128xf32, #tpu.memory_space<vmem>>
    %dma_start3A_23 = tpu.memref_squeeze %dma_start3A_22 : memref<1x32x128xf32, #tpu.memory_space<vmem>> -> memref<32x128xf32, #tpu.memory_space<vmem>>
    %dma_start3A_24 = arith.constant 0 : i32
    %dma_start3A_25 = tpu.memref_slice %arg6[%dma_start3A_17, %dma_start3A_24] : memref<4x128xi32, #tpu.memory_space<vmem>> -> memref<1x32xi32, #tpu.memory_space<vmem>>
    %dma_start3A_26 = tpu.memref_squeeze %dma_start3A_25 : memref<1x32xi32, #tpu.memory_space<vmem>> -> memref<32xi32, #tpu.memory_space<vmem>>
    %dma_start3A_27 = arith.constant 0 : i32
    %dma_start3A_28 = arith.constant 0 : i32
    %dma_start3A_29 = tpu.memref_slice %arg3[%dma_start3A_27, %dma_start3A_28] : memref<100000x128xf32, #tpu.memory_space<hbm>> -> memref<100000x128xf32, #tpu.memory_space<hbm>>
    %dma_start3A_30 = tpu.memref_slice %arg9[%dma_start3A_19] : memref<5x!tpu.dma_semaphore, #tpu.memory_space<semaphore_mem>> -> memref<1x!tpu.dma_semaphore, #tpu.memory_space<semaphore_mem>>
    %dma_start3A_31 = tpu.memref_squeeze %dma_start3A_30 : memref<1x!tpu.dma_semaphore, #tpu.memory_space<semaphore_mem>> -> memref<!tpu.dma_semaphore, #tpu.memory_space<semaphore_mem>>
    tpu.enqueue_indirect_dma source(%dma_start3A_29 : memref<100000x128xf32, #tpu.memory_space<hbm>>) target(%dma_start3A_23 : memref<32x128xf32, #tpu.memory_space<vmem>>) offsets(%dma_start3A_26 : memref<32xi32, #tpu.memory_space<vmem>>) semaphore(%dma_start3A_31 : memref<!tpu.dma_semaphore, #tpu.memory_space<semaphore_mem>>)
    %dma_start3A_32 = arith.constant 2 : i32
    %dma_start3A_33 = arith.constant 2 : i32
    %dma_start3A_34 = arith.constant 0 : i32
    %dma_start3A_35 = arith.constant 0 : i32
    %dma_start3A_36 = arith.constant 0 : i32
    %dma_start3A_37 = tpu.memref_slice %arg8[%dma_start3A_33, %dma_start3A_35, %dma_start3A_36] : memref<4x128x128xf32, #tpu.memory_space<vmem>> -> memref<1x32x128xf32, #tpu.memory_space<vmem>>
    %dma_start3A_38 = tpu.memref_squeeze %dma_start3A_37 : memref<1x32x128xf32, #tpu.memory_space<vmem>> -> memref<32x128xf32, #tpu.memory_space<vmem>>
    %dma_start3A_39 = arith.constant 0 : i32
    %dma_start3A_40 = tpu.memref_slice %arg6[%dma_start3A_32, %dma_start3A_39] : memref<4x128xi32, #tpu.memory_space<vmem>> -> memref<1x32xi32, #tpu.memory_space<vmem>>
    %dma_start3A_41 = tpu.memref_squeeze %dma_start3A_40 : memref<1x32xi32, #tpu.memory_space<vmem>> -> memref<32xi32, #tpu.memory_space<vmem>>
    %dma_start3A_42 = arith.constant 0 : i32
    %dma_start3A_43 = arith.constant 0 : i32
    %dma_start3A_44 = tpu.memref_slice %arg3[%dma_start3A_42, %dma_start3A_43] : memref<100000x128xf32, #tpu.memory_space<hbm>> -> memref<100000x128xf32, #tpu.memory_space<hbm>>
    %dma_start3A_45 = tpu.memref_slice %arg9[%dma_start3A_34] : memref<5x!tpu.dma_semaphore, #tpu.memory_space<semaphore_mem>> -> memref<1x!tpu.dma_semaphore, #tpu.memory_space<semaphore_mem>>
    %dma_start3A_46 = tpu.memref_squeeze %dma_start3A_45 : memref<1x!tpu.dma_semaphore, #tpu.memory_space<semaphore_mem>> -> memref<!tpu.dma_semaphore, #tpu.memory_space<semaphore_mem>>
    tpu.enqueue_indirect_dma source(%dma_start3A_44 : memref<100000x128xf32, #tpu.memory_space<hbm>>) target(%dma_start3A_38 : memref<32x128xf32, #tpu.memory_space<vmem>>) offsets(%dma_start3A_41 : memref<32xi32, #tpu.memory_space<vmem>>) semaphore(%dma_start3A_46 : memref<!tpu.dma_semaphore, #tpu.memory_space<semaphore_mem>>)
    %dma_start3A_47 = arith.constant 3 : i32
    %dma_start3A_48 = arith.constant 3 : i32
    %dma_start3A_49 = arith.constant 0 : i32
    %dma_start3A_50 = arith.constant 0 : i32
    %dma_start3A_51 = arith.constant 0 : i32
    %dma_start3A_52 = tpu.memref_slice %arg8[%dma_start3A_48, %dma_start3A_50, %dma_start3A_51] : memref<4x128x128xf32, #tpu.memory_space<vmem>> -> memref<1x32x128xf32, #tpu.memory_space<vmem>>
    %dma_start3A_53 = tpu.memref_squeeze %dma_start3A_52 : memref<1x32x128xf32, #tpu.memory_space<vmem>> -> memref<32x128xf32, #tpu.memory_space<vmem>>
    %dma_start3A_54 = arith.constant 0 : i32
    %dma_start3A_55 = tpu.memref_slice %arg6[%dma_start3A_47, %dma_start3A_54] : memref<4x128xi32, #tpu.memory_space<vmem>> -> memref<1x32xi32, #tpu.memory_space<vmem>>
    %dma_start3A_56 = tpu.memref_squeeze %dma_start3A_55 : memref<1x32xi32, #tpu.memory_space<vmem>> -> memref<32xi32, #tpu.memory_space<vmem>>
    %dma_start3A_57 = arith.constant 0 : i32
    %dma_start3A_58 = arith.constant 0 : i32
    %dma_start3A_59 = tpu.memref_slice %arg3[%dma_start3A_57, %dma_start3A_58] : memref<100000x128xf32, #tpu.memory_space<hbm>> -> memref<100000x128xf32, #tpu.memory_space<hbm>>
    %dma_start3A_60 = tpu.memref_slice %arg9[%dma_start3A_49] : memref<5x!tpu.dma_semaphore, #tpu.memory_space<semaphore_mem>> -> memref<1x!tpu.dma_semaphore, #tpu.memory_space<semaphore_mem>>
    %dma_start3A_61 = tpu.memref_squeeze %dma_start3A_60 : memref<1x!tpu.dma_semaphore, #tpu.memory_space<semaphore_mem>> -> memref<!tpu.dma_semaphore, #tpu.memory_space<semaphore_mem>>
    tpu.enqueue_indirect_dma source(%dma_start3A_59 : memref<100000x128xf32, #tpu.memory_space<hbm>>) target(%dma_start3A_53 : memref<32x128xf32, #tpu.memory_space<vmem>>) offsets(%dma_start3A_56 : memref<32xi32, #tpu.memory_space<vmem>>) semaphore(%dma_start3A_61 : memref<!tpu.dma_semaphore, #tpu.memory_space<semaphore_mem>>)
    %dma_start3A_62 = arith.constant 0 : i32
    %dma_start3A_63 = tpu.memref_slice %arg4[%mul3A_2, %dma_start3A_62] : memref<4096x128xf32, #tpu.memory_space<hbm>> -> memref<128x128xf32, #tpu.memory_space<hbm>>
    %dma_start3A_64 = arith.constant 0 : i32
    %dma_start3A_65 = tpu.memref_slice %arg4[%mul3A_2, %dma_start3A_64] : memref<4096x128xf32, #tpu.memory_space<hbm>> -> memref<128x128xf32, #tpu.memory_space<hbm>>
    tpu.enqueue_dma source(%dma_start3A_65 : memref<128x128xf32, #tpu.memory_space<hbm>>) target(%arg7 : memref<128x128xf32, #tpu.memory_space<vmem>>) target_semaphore(%arg10 : memref<!tpu.dma_semaphore, #tpu.memory_space<semaphore_mem>>)
    %dma_start3A_66 = arith.constant 0 : i32
    %dma_start3A_67 = arith.constant 0 : i32
    %dma_start3A_68 = arith.constant 1 : i32
    %dma_start3A_69 = arith.constant 32 : i32
    %dma_start3A_70 = arith.constant 0 : i32
    %dma_start3A_71 = tpu.memref_slice %arg8[%dma_start3A_67, %dma_start3A_69, %dma_start3A_70] : memref<4x128x128xf32, #tpu.memory_space<vmem>> -> memref<1x32x128xf32, #tpu.memory_space<vmem>>
    %dma_start3A_72 = tpu.memref_squeeze %dma_start3A_71 : memref<1x32x128xf32, #tpu.memory_space<vmem>> -> memref<32x128xf32, #tpu.memory_space<vmem>>
    %dma_start3A_73 = arith.constant 32 : i32
    %dma_start3A_74 = tpu.memref_slice %arg6[%dma_start3A_66, %dma_start3A_73] : memref<4x128xi32, #tpu.memory_space<vmem>> -> memref<1x32xi32, #tpu.memory_space<vmem>>
    %dma_start3A_75 = tpu.memref_squeeze %dma_start3A_74 : memref<1x32xi32, #tpu.memory_space<vmem>> -> memref<32xi32, #tpu.memory_space<vmem>>
    %dma_start3A_76 = arith.constant 0 : i32
    %dma_start3A_77 = arith.constant 0 : i32
    %dma_start3A_78 = tpu.memref_slice %arg3[%dma_start3A_76, %dma_start3A_77] : memref<100000x128xf32, #tpu.memory_space<hbm>> -> memref<100000x128xf32, #tpu.memory_space<hbm>>
    %dma_start3A_79 = tpu.memref_slice %arg9[%dma_start3A_68] : memref<5x!tpu.dma_semaphore, #tpu.memory_space<semaphore_mem>> -> memref<1x!tpu.dma_semaphore, #tpu.memory_space<semaphore_mem>>
    %dma_start3A_80 = tpu.memref_squeeze %dma_start3A_79 : memref<1x!tpu.dma_semaphore, #tpu.memory_space<semaphore_mem>> -> memref<!tpu.dma_semaphore, #tpu.memory_space<semaphore_mem>>
    tpu.enqueue_indirect_dma source(%dma_start3A_78 : memref<100000x128xf32, #tpu.memory_space<hbm>>) target(%dma_start3A_72 : memref<32x128xf32, #tpu.memory_space<vmem>>) offsets(%dma_start3A_75 : memref<32xi32, #tpu.memory_space<vmem>>) semaphore(%dma_start3A_80 : memref<!tpu.dma_semaphore, #tpu.memory_space<semaphore_mem>>)
    %dma_start3A_81 = arith.constant 1 : i32
    %dma_start3A_82 = arith.constant 1 : i32
    %dma_start3A_83 = arith.constant 1 : i32
    %dma_start3A_84 = arith.constant 32 : i32
    %dma_start3A_85 = arith.constant 0 : i32
    %dma_start3A_86 = tpu.memref_slice %arg8[%dma_start3A_82, %dma_start3A_84, %dma_start3A_85] : memref<4x128x128xf32, #tpu.memory_space<vmem>> -> memref<1x32x128xf32, #tpu.memory_space<vmem>>
    %dma_start3A_87 = tpu.memref_squeeze %dma_start3A_86 : memref<1x32x128xf32, #tpu.memory_space<vmem>> -> memref<32x128xf32, #tpu.memory_space<vmem>>
    %dma_start3A_88 = arith.constant 32 : i32
    %dma_start3A_89 = tpu.memref_slice %arg6[%dma_start3A_81, %dma_start3A_88] : memref<4x128xi32, #tpu.memory_space<vmem>> -> memref<1x32xi32, #tpu.memory_space<vmem>>
    %dma_start3A_90 = tpu.memref_squeeze %dma_start3A_89 : memref<1x32xi32, #tpu.memory_space<vmem>> -> memref<32xi32, #tpu.memory_space<vmem>>
    %dma_start3A_91 = arith.constant 0 : i32
    %dma_start3A_92 = arith.constant 0 : i32
    %dma_start3A_93 = tpu.memref_slice %arg3[%dma_start3A_91, %dma_start3A_92] : memref<100000x128xf32, #tpu.memory_space<hbm>> -> memref<100000x128xf32, #tpu.memory_space<hbm>>
    %dma_start3A_94 = tpu.memref_slice %arg9[%dma_start3A_83] : memref<5x!tpu.dma_semaphore, #tpu.memory_space<semaphore_mem>> -> memref<1x!tpu.dma_semaphore, #tpu.memory_space<semaphore_mem>>
    %dma_start3A_95 = tpu.memref_squeeze %dma_start3A_94 : memref<1x!tpu.dma_semaphore, #tpu.memory_space<semaphore_mem>> -> memref<!tpu.dma_semaphore, #tpu.memory_space<semaphore_mem>>
    tpu.enqueue_indirect_dma source(%dma_start3A_93 : memref<100000x128xf32, #tpu.memory_space<hbm>>) target(%dma_start3A_87 : memref<32x128xf32, #tpu.memory_space<vmem>>) offsets(%dma_start3A_90 : memref<32xi32, #tpu.memory_space<vmem>>) semaphore(%dma_start3A_95 : memref<!tpu.dma_semaphore, #tpu.memory_space<semaphore_mem>>)
    %dma_start3A_96 = arith.constant 2 : i32
    %dma_start3A_97 = arith.constant 2 : i32
    %dma_start3A_98 = arith.constant 1 : i32
    %dma_start3A_99 = arith.constant 32 : i32
    %dma_start3A_100 = arith.constant 0 : i32
    %dma_start3A_101 = tpu.memref_slice %arg8[%dma_start3A_97, %dma_start3A_99, %dma_start3A_100] : memref<4x128x128xf32, #tpu.memory_space<vmem>> -> memref<1x32x128xf32, #tpu.memory_space<vmem>>
    %dma_start3A_102 = tpu.memref_squeeze %dma_start3A_101 : memref<1x32x128xf32, #tpu.memory_space<vmem>> -> memref<32x128xf32, #tpu.memory_space<vmem>>
    %dma_start3A_103 = arith.constant 32 : i32
    %dma_start3A_104 = tpu.memref_slice %arg6[%dma_start3A_96, %dma_start3A_103] : memref<4x128xi32, #tpu.memory_space<vmem>> -> memref<1x32xi32, #tpu.memory_space<vmem>>
    %dma_start3A_105 = tpu.memref_squeeze %dma_start3A_104 : memref<1x32xi32, #tpu.memory_space<vmem>> -> memref<32xi32, #tpu.memory_space<vmem>>
    %dma_start3A_106 = arith.constant 0 : i32
    %dma_start3A_107 = arith.constant 0 : i32
    %dma_start3A_108 = tpu.memref_slice %arg3[%dma_start3A_106, %dma_start3A_107] : memref<100000x128xf32, #tpu.memory_space<hbm>> -> memref<100000x128xf32, #tpu.memory_space<hbm>>
    %dma_start3A_109 = tpu.memref_slice %arg9[%dma_start3A_98] : memref<5x!tpu.dma_semaphore, #tpu.memory_space<semaphore_mem>> -> memref<1x!tpu.dma_semaphore, #tpu.memory_space<semaphore_mem>>
    %dma_start3A_110 = tpu.memref_squeeze %dma_start3A_109 : memref<1x!tpu.dma_semaphore, #tpu.memory_space<semaphore_mem>> -> memref<!tpu.dma_semaphore, #tpu.memory_space<semaphore_mem>>
    tpu.enqueue_indirect_dma source(%dma_start3A_108 : memref<100000x128xf32, #tpu.memory_space<hbm>>) target(%dma_start3A_102 : memref<32x128xf32, #tpu.memory_space<vmem>>) offsets(%dma_start3A_105 : memref<32xi32, #tpu.memory_space<vmem>>) semaphore(%dma_start3A_110 : memref<!tpu.dma_semaphore, #tpu.memory_space<semaphore_mem>>)
    %dma_start3A_111 = arith.constant 3 : i32
    %dma_start3A_112 = arith.constant 3 : i32
    %dma_start3A_113 = arith.constant 1 : i32
    %dma_start3A_114 = arith.constant 32 : i32
    %dma_start3A_115 = arith.constant 0 : i32
    %dma_start3A_116 = tpu.memref_slice %arg8[%dma_start3A_112, %dma_start3A_114, %dma_start3A_115] : memref<4x128x128xf32, #tpu.memory_space<vmem>> -> memref<1x32x128xf32, #tpu.memory_space<vmem>>
    %dma_start3A_117 = tpu.memref_squeeze %dma_start3A_116 : memref<1x32x128xf32, #tpu.memory_space<vmem>> -> memref<32x128xf32, #tpu.memory_space<vmem>>
    %dma_start3A_118 = arith.constant 32 : i32
    %dma_start3A_119 = tpu.memref_slice %arg6[%dma_start3A_111, %dma_start3A_118] : memref<4x128xi32, #tpu.memory_space<vmem>> -> memref<1x32xi32, #tpu.memory_space<vmem>>
    %dma_start3A_120 = tpu.memref_squeeze %dma_start3A_119 : memref<1x32xi32, #tpu.memory_space<vmem>> -> memref<32xi32, #tpu.memory_space<vmem>>
    %dma_start3A_121 = arith.constant 0 : i32
    %dma_start3A_122 = arith.constant 0 : i32
    %dma_start3A_123 = tpu.memref_slice %arg3[%dma_start3A_121, %dma_start3A_122] : memref<100000x128xf32, #tpu.memory_space<hbm>> -> memref<100000x128xf32, #tpu.memory_space<hbm>>
    %dma_start3A_124 = tpu.memref_slice %arg9[%dma_start3A_113] : memref<5x!tpu.dma_semaphore, #tpu.memory_space<semaphore_mem>> -> memref<1x!tpu.dma_semaphore, #tpu.memory_space<semaphore_mem>>
    %dma_start3A_125 = tpu.memref_squeeze %dma_start3A_124 : memref<1x!tpu.dma_semaphore, #tpu.memory_space<semaphore_mem>> -> memref<!tpu.dma_semaphore, #tpu.memory_space<semaphore_mem>>
    tpu.enqueue_indirect_dma source(%dma_start3A_123 : memref<100000x128xf32, #tpu.memory_space<hbm>>) target(%dma_start3A_117 : memref<32x128xf32, #tpu.memory_space<vmem>>) offsets(%dma_start3A_120 : memref<32xi32, #tpu.memory_space<vmem>>) semaphore(%dma_start3A_125 : memref<!tpu.dma_semaphore, #tpu.memory_space<semaphore_mem>>)
    %dma_start3A_126 = arith.constant 0 : i32
    %dma_start3A_127 = arith.constant 0 : i32
    %dma_start3A_128 = arith.constant 2 : i32
    %dma_start3A_129 = arith.constant 64 : i32
    %dma_start3A_130 = arith.constant 0 : i32
    %dma_start3A_131 = tpu.memref_slice %arg8[%dma_start3A_127, %dma_start3A_129, %dma_start3A_130] : memref<4x128x128xf32, #tpu.memory_space<vmem>> -> memref<1x32x128xf32, #tpu.memory_space<vmem>>
    %dma_start3A_132 = tpu.memref_squeeze %dma_start3A_131 : memref<1x32x128xf32, #tpu.memory_space<vmem>> -> memref<32x128xf32, #tpu.memory_space<vmem>>
    %dma_start3A_133 = arith.constant 64 : i32
    %dma_start3A_134 = tpu.memref_slice %arg6[%dma_start3A_126, %dma_start3A_133] : memref<4x128xi32, #tpu.memory_space<vmem>> -> memref<1x32xi32, #tpu.memory_space<vmem>>
    %dma_start3A_135 = tpu.memref_squeeze %dma_start3A_134 : memref<1x32xi32, #tpu.memory_space<vmem>> -> memref<32xi32, #tpu.memory_space<vmem>>
    %dma_start3A_136 = arith.constant 0 : i32
    %dma_start3A_137 = arith.constant 0 : i32
    %dma_start3A_138 = tpu.memref_slice %arg3[%dma_start3A_136, %dma_start3A_137] : memref<100000x128xf32, #tpu.memory_space<hbm>> -> memref<100000x128xf32, #tpu.memory_space<hbm>>
    %dma_start3A_139 = tpu.memref_slice %arg9[%dma_start3A_128] : memref<5x!tpu.dma_semaphore, #tpu.memory_space<semaphore_mem>> -> memref<1x!tpu.dma_semaphore, #tpu.memory_space<semaphore_mem>>
    %dma_start3A_140 = tpu.memref_squeeze %dma_start3A_139 : memref<1x!tpu.dma_semaphore, #tpu.memory_space<semaphore_mem>> -> memref<!tpu.dma_semaphore, #tpu.memory_space<semaphore_mem>>
    tpu.enqueue_indirect_dma source(%dma_start3A_138 : memref<100000x128xf32, #tpu.memory_space<hbm>>) target(%dma_start3A_132 : memref<32x128xf32, #tpu.memory_space<vmem>>) offsets(%dma_start3A_135 : memref<32xi32, #tpu.memory_space<vmem>>) semaphore(%dma_start3A_140 : memref<!tpu.dma_semaphore, #tpu.memory_space<semaphore_mem>>)
    %dma_start3A_141 = arith.constant 1 : i32
    %dma_start3A_142 = arith.constant 1 : i32
    %dma_start3A_143 = arith.constant 2 : i32
    %dma_start3A_144 = arith.constant 64 : i32
    %dma_start3A_145 = arith.constant 0 : i32
    %dma_start3A_146 = tpu.memref_slice %arg8[%dma_start3A_142, %dma_start3A_144, %dma_start3A_145] : memref<4x128x128xf32, #tpu.memory_space<vmem>> -> memref<1x32x128xf32, #tpu.memory_space<vmem>>
    %dma_start3A_147 = tpu.memref_squeeze %dma_start3A_146 : memref<1x32x128xf32, #tpu.memory_space<vmem>> -> memref<32x128xf32, #tpu.memory_space<vmem>>
    %dma_start3A_148 = arith.constant 64 : i32
    %dma_start3A_149 = tpu.memref_slice %arg6[%dma_start3A_141, %dma_start3A_148] : memref<4x128xi32, #tpu.memory_space<vmem>> -> memref<1x32xi32, #tpu.memory_space<vmem>>
    %dma_start3A_150 = tpu.memref_squeeze %dma_start3A_149 : memref<1x32xi32, #tpu.memory_space<vmem>> -> memref<32xi32, #tpu.memory_space<vmem>>
    %dma_start3A_151 = arith.constant 0 : i32
    %dma_start3A_152 = arith.constant 0 : i32
    %dma_start3A_153 = tpu.memref_slice %arg3[%dma_start3A_151, %dma_start3A_152] : memref<100000x128xf32, #tpu.memory_space<hbm>> -> memref<100000x128xf32, #tpu.memory_space<hbm>>
    %dma_start3A_154 = tpu.memref_slice %arg9[%dma_start3A_143] : memref<5x!tpu.dma_semaphore, #tpu.memory_space<semaphore_mem>> -> memref<1x!tpu.dma_semaphore, #tpu.memory_space<semaphore_mem>>
    %dma_start3A_155 = tpu.memref_squeeze %dma_start3A_154 : memref<1x!tpu.dma_semaphore, #tpu.memory_space<semaphore_mem>> -> memref<!tpu.dma_semaphore, #tpu.memory_space<semaphore_mem>>
    tpu.enqueue_indirect_dma source(%dma_start3A_153 : memref<100000x128xf32, #tpu.memory_space<hbm>>) target(%dma_start3A_147 : memref<32x128xf32, #tpu.memory_space<vmem>>) offsets(%dma_start3A_150 : memref<32xi32, #tpu.memory_space<vmem>>) semaphore(%dma_start3A_155 : memref<!tpu.dma_semaphore, #tpu.memory_space<semaphore_mem>>)
    %dma_start3A_156 = arith.constant 2 : i32
    %dma_start3A_157 = arith.constant 2 : i32
    %dma_start3A_158 = arith.constant 2 : i32
    %dma_start3A_159 = arith.constant 64 : i32
    %dma_start3A_160 = arith.constant 0 : i32
    %dma_start3A_161 = tpu.memref_slice %arg8[%dma_start3A_157, %dma_start3A_159, %dma_start3A_160] : memref<4x128x128xf32, #tpu.memory_space<vmem>> -> memref<1x32x128xf32, #tpu.memory_space<vmem>>
    %dma_start3A_162 = tpu.memref_squeeze %dma_start3A_161 : memref<1x32x128xf32, #tpu.memory_space<vmem>> -> memref<32x128xf32, #tpu.memory_space<vmem>>
    %dma_start3A_163 = arith.constant 64 : i32
    %dma_start3A_164 = tpu.memref_slice %arg6[%dma_start3A_156, %dma_start3A_163] : memref<4x128xi32, #tpu.memory_space<vmem>> -> memref<1x32xi32, #tpu.memory_space<vmem>>
    %dma_start3A_165 = tpu.memref_squeeze %dma_start3A_164 : memref<1x32xi32, #tpu.memory_space<vmem>> -> memref<32xi32, #tpu.memory_space<vmem>>
    %dma_start3A_166 = arith.constant 0 : i32
    %dma_start3A_167 = arith.constant 0 : i32
    %dma_start3A_168 = tpu.memref_slice %arg3[%dma_start3A_166, %dma_start3A_167] : memref<100000x128xf32, #tpu.memory_space<hbm>> -> memref<100000x128xf32, #tpu.memory_space<hbm>>
    %dma_start3A_169 = tpu.memref_slice %arg9[%dma_start3A_158] : memref<5x!tpu.dma_semaphore, #tpu.memory_space<semaphore_mem>> -> memref<1x!tpu.dma_semaphore, #tpu.memory_space<semaphore_mem>>
    %dma_start3A_170 = tpu.memref_squeeze %dma_start3A_169 : memref<1x!tpu.dma_semaphore, #tpu.memory_space<semaphore_mem>> -> memref<!tpu.dma_semaphore, #tpu.memory_space<semaphore_mem>>
    tpu.enqueue_indirect_dma source(%dma_start3A_168 : memref<100000x128xf32, #tpu.memory_space<hbm>>) target(%dma_start3A_162 : memref<32x128xf32, #tpu.memory_space<vmem>>) offsets(%dma_start3A_165 : memref<32xi32, #tpu.memory_space<vmem>>) semaphore(%dma_start3A_170 : memref<!tpu.dma_semaphore, #tpu.memory_space<semaphore_mem>>)
    %dma_start3A_171 = arith.constant 3 : i32
    %dma_start3A_172 = arith.constant 3 : i32
    %dma_start3A_173 = arith.constant 2 : i32
    %dma_start3A_174 = arith.constant 64 : i32
    %dma_start3A_175 = arith.constant 0 : i32
    %dma_start3A_176 = tpu.memref_slice %arg8[%dma_start3A_172, %dma_start3A_174, %dma_start3A_175] : memref<4x128x128xf32, #tpu.memory_space<vmem>> -> memref<1x32x128xf32, #tpu.memory_space<vmem>>
    %dma_start3A_177 = tpu.memref_squeeze %dma_start3A_176 : memref<1x32x128xf32, #tpu.memory_space<vmem>> -> memref<32x128xf32, #tpu.memory_space<vmem>>
    %dma_start3A_178 = arith.constant 64 : i32
    %dma_start3A_179 = tpu.memref_slice %arg6[%dma_start3A_171, %dma_start3A_178] : memref<4x128xi32, #tpu.memory_space<vmem>> -> memref<1x32xi32, #tpu.memory_space<vmem>>
    %dma_start3A_180 = tpu.memref_squeeze %dma_start3A_179 : memref<1x32xi32, #tpu.memory_space<vmem>> -> memref<32xi32, #tpu.memory_space<vmem>>
    %dma_start3A_181 = arith.constant 0 : i32
    %dma_start3A_182 = arith.constant 0 : i32
    %dma_start3A_183 = tpu.memref_slice %arg3[%dma_start3A_181, %dma_start3A_182] : memref<100000x128xf32, #tpu.memory_space<hbm>> -> memref<100000x128xf32, #tpu.memory_space<hbm>>
    %dma_start3A_184 = tpu.memref_slice %arg9[%dma_start3A_173] : memref<5x!tpu.dma_semaphore, #tpu.memory_space<semaphore_mem>> -> memref<1x!tpu.dma_semaphore, #tpu.memory_space<semaphore_mem>>
    %dma_start3A_185 = tpu.memref_squeeze %dma_start3A_184 : memref<1x!tpu.dma_semaphore, #tpu.memory_space<semaphore_mem>> -> memref<!tpu.dma_semaphore, #tpu.memory_space<semaphore_mem>>
    tpu.enqueue_indirect_dma source(%dma_start3A_183 : memref<100000x128xf32, #tpu.memory_space<hbm>>) target(%dma_start3A_177 : memref<32x128xf32, #tpu.memory_space<vmem>>) offsets(%dma_start3A_180 : memref<32xi32, #tpu.memory_space<vmem>>) semaphore(%dma_start3A_185 : memref<!tpu.dma_semaphore, #tpu.memory_space<semaphore_mem>>)
    %dma_start3A_186 = arith.constant 0 : i32
    %dma_start3A_187 = arith.constant 0 : i32
    %dma_start3A_188 = arith.constant 3 : i32
    %dma_start3A_189 = arith.constant 96 : i32
    %dma_start3A_190 = arith.constant 0 : i32
    %dma_start3A_191 = tpu.memref_slice %arg8[%dma_start3A_187, %dma_start3A_189, %dma_start3A_190] : memref<4x128x128xf32, #tpu.memory_space<vmem>> -> memref<1x32x128xf32, #tpu.memory_space<vmem>>
    %dma_start3A_192 = tpu.memref_squeeze %dma_start3A_191 : memref<1x32x128xf32, #tpu.memory_space<vmem>> -> memref<32x128xf32, #tpu.memory_space<vmem>>
    %dma_start3A_193 = arith.constant 96 : i32
    %dma_start3A_194 = tpu.memref_slice %arg6[%dma_start3A_186, %dma_start3A_193] : memref<4x128xi32, #tpu.memory_space<vmem>> -> memref<1x32xi32, #tpu.memory_space<vmem>>
    %dma_start3A_195 = tpu.memref_squeeze %dma_start3A_194 : memref<1x32xi32, #tpu.memory_space<vmem>> -> memref<32xi32, #tpu.memory_space<vmem>>
    %dma_start3A_196 = arith.constant 0 : i32
    %dma_start3A_197 = arith.constant 0 : i32
    %dma_start3A_198 = tpu.memref_slice %arg3[%dma_start3A_196, %dma_start3A_197] : memref<100000x128xf32, #tpu.memory_space<hbm>> -> memref<100000x128xf32, #tpu.memory_space<hbm>>
    %dma_start3A_199 = tpu.memref_slice %arg9[%dma_start3A_188] : memref<5x!tpu.dma_semaphore, #tpu.memory_space<semaphore_mem>> -> memref<1x!tpu.dma_semaphore, #tpu.memory_space<semaphore_mem>>
    %dma_start3A_200 = tpu.memref_squeeze %dma_start3A_199 : memref<1x!tpu.dma_semaphore, #tpu.memory_space<semaphore_mem>> -> memref<!tpu.dma_semaphore, #tpu.memory_space<semaphore_mem>>
    tpu.enqueue_indirect_dma source(%dma_start3A_198 : memref<100000x128xf32, #tpu.memory_space<hbm>>) target(%dma_start3A_192 : memref<32x128xf32, #tpu.memory_space<vmem>>) offsets(%dma_start3A_195 : memref<32xi32, #tpu.memory_space<vmem>>) semaphore(%dma_start3A_200 : memref<!tpu.dma_semaphore, #tpu.memory_space<semaphore_mem>>)
    %dma_start3A_201 = arith.constant 1 : i32
    %dma_start3A_202 = arith.constant 1 : i32
    %dma_start3A_203 = arith.constant 3 : i32
    %dma_start3A_204 = arith.constant 96 : i32
    %dma_start3A_205 = arith.constant 0 : i32
    %dma_start3A_206 = tpu.memref_slice %arg8[%dma_start3A_202, %dma_start3A_204, %dma_start3A_205] : memref<4x128x128xf32, #tpu.memory_space<vmem>> -> memref<1x32x128xf32, #tpu.memory_space<vmem>>
    %dma_start3A_207 = tpu.memref_squeeze %dma_start3A_206 : memref<1x32x128xf32, #tpu.memory_space<vmem>> -> memref<32x128xf32, #tpu.memory_space<vmem>>
    %dma_start3A_208 = arith.constant 96 : i32
    %dma_start3A_209 = tpu.memref_slice %arg6[%dma_start3A_201, %dma_start3A_208] : memref<4x128xi32, #tpu.memory_space<vmem>> -> memref<1x32xi32, #tpu.memory_space<vmem>>
    %dma_start3A_210 = tpu.memref_squeeze %dma_start3A_209 : memref<1x32xi32, #tpu.memory_space<vmem>> -> memref<32xi32, #tpu.memory_space<vmem>>
    %dma_start3A_211 = arith.constant 0 : i32
    %dma_start3A_212 = arith.constant 0 : i32
    %dma_start3A_213 = tpu.memref_slice %arg3[%dma_start3A_211, %dma_start3A_212] : memref<100000x128xf32, #tpu.memory_space<hbm>> -> memref<100000x128xf32, #tpu.memory_space<hbm>>
    %dma_start3A_214 = tpu.memref_slice %arg9[%dma_start3A_203] : memref<5x!tpu.dma_semaphore, #tpu.memory_space<semaphore_mem>> -> memref<1x!tpu.dma_semaphore, #tpu.memory_space<semaphore_mem>>
    %dma_start3A_215 = tpu.memref_squeeze %dma_start3A_214 : memref<1x!tpu.dma_semaphore, #tpu.memory_space<semaphore_mem>> -> memref<!tpu.dma_semaphore, #tpu.memory_space<semaphore_mem>>
    tpu.enqueue_indirect_dma source(%dma_start3A_213 : memref<100000x128xf32, #tpu.memory_space<hbm>>) target(%dma_start3A_207 : memref<32x128xf32, #tpu.memory_space<vmem>>) offsets(%dma_start3A_210 : memref<32xi32, #tpu.memory_space<vmem>>) semaphore(%dma_start3A_215 : memref<!tpu.dma_semaphore, #tpu.memory_space<semaphore_mem>>)
    %dma_start3A_216 = arith.constant 2 : i32
    %dma_start3A_217 = arith.constant 2 : i32
    %dma_start3A_218 = arith.constant 3 : i32
    %dma_start3A_219 = arith.constant 96 : i32
    %dma_start3A_220 = arith.constant 0 : i32
    %dma_start3A_221 = tpu.memref_slice %arg8[%dma_start3A_217, %dma_start3A_219, %dma_start3A_220] : memref<4x128x128xf32, #tpu.memory_space<vmem>> -> memref<1x32x128xf32, #tpu.memory_space<vmem>>
    %dma_start3A_222 = tpu.memref_squeeze %dma_start3A_221 : memref<1x32x128xf32, #tpu.memory_space<vmem>> -> memref<32x128xf32, #tpu.memory_space<vmem>>
    %dma_start3A_223 = arith.constant 96 : i32
    %dma_start3A_224 = tpu.memref_slice %arg6[%dma_start3A_216, %dma_start3A_223] : memref<4x128xi32, #tpu.memory_space<vmem>> -> memref<1x32xi32, #tpu.memory_space<vmem>>
    %dma_start3A_225 = tpu.memref_squeeze %dma_start3A_224 : memref<1x32xi32, #tpu.memory_space<vmem>> -> memref<32xi32, #tpu.memory_space<vmem>>
    %dma_start3A_226 = arith.constant 0 : i32
    %dma_start3A_227 = arith.constant 0 : i32
    %dma_start3A_228 = tpu.memref_slice %arg3[%dma_start3A_226, %dma_start3A_227] : memref<100000x128xf32, #tpu.memory_space<hbm>> -> memref<100000x128xf32, #tpu.memory_space<hbm>>
    %dma_start3A_229 = tpu.memref_slice %arg9[%dma_start3A_218] : memref<5x!tpu.dma_semaphore, #tpu.memory_space<semaphore_mem>> -> memref<1x!tpu.dma_semaphore, #tpu.memory_space<semaphore_mem>>
    %dma_start3A_230 = tpu.memref_squeeze %dma_start3A_229 : memref<1x!tpu.dma_semaphore, #tpu.memory_space<semaphore_mem>> -> memref<!tpu.dma_semaphore, #tpu.memory_space<semaphore_mem>>
    tpu.enqueue_indirect_dma source(%dma_start3A_228 : memref<100000x128xf32, #tpu.memory_space<hbm>>) target(%dma_start3A_222 : memref<32x128xf32, #tpu.memory_space<vmem>>) offsets(%dma_start3A_225 : memref<32xi32, #tpu.memory_space<vmem>>) semaphore(%dma_start3A_230 : memref<!tpu.dma_semaphore, #tpu.memory_space<semaphore_mem>>)
    %dma_start3A_231 = arith.constant 3 : i32
    %dma_start3A_232 = arith.constant 3 : i32
    %dma_start3A_233 = arith.constant 3 : i32
    %dma_start3A_234 = arith.constant 96 : i32
    %dma_start3A_235 = arith.constant 0 : i32
    %dma_start3A_236 = tpu.memref_slice %arg8[%dma_start3A_232, %dma_start3A_234, %dma_start3A_235] : memref<4x128x128xf32, #tpu.memory_space<vmem>> -> memref<1x32x128xf32, #tpu.memory_space<vmem>>
    %dma_start3A_237 = tpu.memref_squeeze %dma_start3A_236 : memref<1x32x128xf32, #tpu.memory_space<vmem>> -> memref<32x128xf32, #tpu.memory_space<vmem>>
    %dma_start3A_238 = arith.constant 96 : i32
    %dma_start3A_239 = tpu.memref_slice %arg6[%dma_start3A_231, %dma_start3A_238] : memref<4x128xi32, #tpu.memory_space<vmem>> -> memref<1x32xi32, #tpu.memory_space<vmem>>
    %dma_start3A_240 = tpu.memref_squeeze %dma_start3A_239 : memref<1x32xi32, #tpu.memory_space<vmem>> -> memref<32xi32, #tpu.memory_space<vmem>>
    %dma_start3A_241 = arith.constant 0 : i32
    %dma_start3A_242 = arith.constant 0 : i32
    %dma_start3A_243 = tpu.memref_slice %arg3[%dma_start3A_241, %dma_start3A_242] : memref<100000x128xf32, #tpu.memory_space<hbm>> -> memref<100000x128xf32, #tpu.memory_space<hbm>>
    %dma_start3A_244 = tpu.memref_slice %arg9[%dma_start3A_233] : memref<5x!tpu.dma_semaphore, #tpu.memory_space<semaphore_mem>> -> memref<1x!tpu.dma_semaphore, #tpu.memory_space<semaphore_mem>>
    %dma_start3A_245 = tpu.memref_squeeze %dma_start3A_244 : memref<1x!tpu.dma_semaphore, #tpu.memory_space<semaphore_mem>> -> memref<!tpu.dma_semaphore, #tpu.memory_space<semaphore_mem>>
    tpu.enqueue_indirect_dma source(%dma_start3A_243 : memref<100000x128xf32, #tpu.memory_space<hbm>>) target(%dma_start3A_237 : memref<32x128xf32, #tpu.memory_space<vmem>>) offsets(%dma_start3A_240 : memref<32xi32, #tpu.memory_space<vmem>>) semaphore(%dma_start3A_245 : memref<!tpu.dma_semaphore, #tpu.memory_space<semaphore_mem>>)
    %dma_wait3A = arith.constant 0 : i32
    %dma_wait3A_246 = tpu.memref_slice %arg4[%mul3A_2, %dma_wait3A] : memref<4096x128xf32, #tpu.memory_space<hbm>> -> memref<128x128xf32, #tpu.memory_space<hbm>>
    %dma_wait3A_247 = arith.constant 0 : i32
    %dma_wait3A_248 = tpu.memref_slice %arg4[%mul3A_2, %dma_wait3A_247] : memref<4096x128xf32, #tpu.memory_space<hbm>> -> memref<128x128xf32, #tpu.memory_space<hbm>>
    tpu.wait_dma2 semaphore(%arg10 : memref<!tpu.dma_semaphore, #tpu.memory_space<semaphore_mem>>) src(%dma_wait3A_248 : memref<128x128xf32, #tpu.memory_space<hbm>>) dst(%arg7 : memref<128x128xf32, #tpu.memory_space<vmem>>)
    %dma_wait3A_249 = arith.constant 0 : i32
    %dma_wait3A_250 = arith.constant 0 : i32
    %dma_wait3A_251 = arith.constant 0 : i32
    %dma_wait3A_252 = arith.constant 0 : i32
    %dma_wait3A_253 = arith.constant 0 : i32
    %dma_wait3A_254 = tpu.memref_slice %arg8[%dma_wait3A_250, %dma_wait3A_252, %dma_wait3A_253] : memref<4x128x128xf32, #tpu.memory_space<vmem>> -> memref<1x32x128xf32, #tpu.memory_space<vmem>>
    %dma_wait3A_255 = tpu.memref_squeeze %dma_wait3A_254 : memref<1x32x128xf32, #tpu.memory_space<vmem>> -> memref<32x128xf32, #tpu.memory_space<vmem>>
    %dma_wait3A_256 = arith.constant 0 : i32
    %dma_wait3A_257 = tpu.memref_slice %arg6[%dma_wait3A_249, %dma_wait3A_256] : memref<4x128xi32, #tpu.memory_space<vmem>> -> memref<1x32xi32, #tpu.memory_space<vmem>>
    %dma_wait3A_258 = tpu.memref_squeeze %dma_wait3A_257 : memref<1x32xi32, #tpu.memory_space<vmem>> -> memref<32xi32, #tpu.memory_space<vmem>>
    %dma_wait3A_259 = arith.constant 0 : i32
    %dma_wait3A_260 = arith.constant 0 : i32
    %dma_wait3A_261 = tpu.memref_slice %arg3[%dma_wait3A_259, %dma_wait3A_260] : memref<100000x128xf32, #tpu.memory_space<hbm>> -> memref<100000x128xf32, #tpu.memory_space<hbm>>
    %dma_wait3A_262 = tpu.memref_slice %arg9[%dma_wait3A_251] : memref<5x!tpu.dma_semaphore, #tpu.memory_space<semaphore_mem>> -> memref<1x!tpu.dma_semaphore, #tpu.memory_space<semaphore_mem>>
    %dma_wait3A_263 = tpu.memref_squeeze %dma_wait3A_262 : memref<1x!tpu.dma_semaphore, #tpu.memory_space<semaphore_mem>> -> memref<!tpu.dma_semaphore, #tpu.memory_space<semaphore_mem>>
    tpu.wait_indirect_dma semaphore(%dma_wait3A_263 : memref<!tpu.dma_semaphore, #tpu.memory_space<semaphore_mem>>) src(%dma_wait3A_261 : memref<100000x128xf32, #tpu.memory_space<hbm>>) dst(%dma_wait3A_255 : memref<32x128xf32, #tpu.memory_space<vmem>>)
    %dma_wait3A_264 = arith.constant 1 : i32
    %dma_wait3A_265 = arith.constant 1 : i32
    %dma_wait3A_266 = arith.constant 0 : i32
    %dma_wait3A_267 = arith.constant 0 : i32
    %dma_wait3A_268 = arith.constant 0 : i32
    %dma_wait3A_269 = tpu.memref_slice %arg8[%dma_wait3A_265, %dma_wait3A_267, %dma_wait3A_268] : memref<4x128x128xf32, #tpu.memory_space<vmem>> -> memref<1x32x128xf32, #tpu.memory_space<vmem>>
    %dma_wait3A_270 = tpu.memref_squeeze %dma_wait3A_269 : memref<1x32x128xf32, #tpu.memory_space<vmem>> -> memref<32x128xf32, #tpu.memory_space<vmem>>
    %dma_wait3A_271 = arith.constant 0 : i32
    %dma_wait3A_272 = tpu.memref_slice %arg6[%dma_wait3A_264, %dma_wait3A_271] : memref<4x128xi32, #tpu.memory_space<vmem>> -> memref<1x32xi32, #tpu.memory_space<vmem>>
    %dma_wait3A_273 = tpu.memref_squeeze %dma_wait3A_272 : memref<1x32xi32, #tpu.memory_space<vmem>> -> memref<32xi32, #tpu.memory_space<vmem>>
    %dma_wait3A_274 = arith.constant 0 : i32
    %dma_wait3A_275 = arith.constant 0 : i32
    %dma_wait3A_276 = tpu.memref_slice %arg3[%dma_wait3A_274, %dma_wait3A_275] : memref<100000x128xf32, #tpu.memory_space<hbm>> -> memref<100000x128xf32, #tpu.memory_space<hbm>>
    %dma_wait3A_277 = tpu.memref_slice %arg9[%dma_wait3A_266] : memref<5x!tpu.dma_semaphore, #tpu.memory_space<semaphore_mem>> -> memref<1x!tpu.dma_semaphore, #tpu.memory_space<semaphore_mem>>
    %dma_wait3A_278 = tpu.memref_squeeze %dma_wait3A_277 : memref<1x!tpu.dma_semaphore, #tpu.memory_space<semaphore_mem>> -> memref<!tpu.dma_semaphore, #tpu.memory_space<semaphore_mem>>
    tpu.wait_indirect_dma semaphore(%dma_wait3A_278 : memref<!tpu.dma_semaphore, #tpu.memory_space<semaphore_mem>>) src(%dma_wait3A_276 : memref<100000x128xf32, #tpu.memory_space<hbm>>) dst(%dma_wait3A_270 : memref<32x128xf32, #tpu.memory_space<vmem>>)
    %dma_wait3A_279 = arith.constant 2 : i32
    %dma_wait3A_280 = arith.constant 2 : i32
    %dma_wait3A_281 = arith.constant 0 : i32
    %dma_wait3A_282 = arith.constant 0 : i32
    %dma_wait3A_283 = arith.constant 0 : i32
    %dma_wait3A_284 = tpu.memref_slice %arg8[%dma_wait3A_280, %dma_wait3A_282, %dma_wait3A_283] : memref<4x128x128xf32, #tpu.memory_space<vmem>> -> memref<1x32x128xf32, #tpu.memory_space<vmem>>
    %dma_wait3A_285 = tpu.memref_squeeze %dma_wait3A_284 : memref<1x32x128xf32, #tpu.memory_space<vmem>> -> memref<32x128xf32, #tpu.memory_space<vmem>>
    %dma_wait3A_286 = arith.constant 0 : i32
    %dma_wait3A_287 = tpu.memref_slice %arg6[%dma_wait3A_279, %dma_wait3A_286] : memref<4x128xi32, #tpu.memory_space<vmem>> -> memref<1x32xi32, #tpu.memory_space<vmem>>
    %dma_wait3A_288 = tpu.memref_squeeze %dma_wait3A_287 : memref<1x32xi32, #tpu.memory_space<vmem>> -> memref<32xi32, #tpu.memory_space<vmem>>
    %dma_wait3A_289 = arith.constant 0 : i32
    %dma_wait3A_290 = arith.constant 0 : i32
    %dma_wait3A_291 = tpu.memref_slice %arg3[%dma_wait3A_289, %dma_wait3A_290] : memref<100000x128xf32, #tpu.memory_space<hbm>> -> memref<100000x128xf32, #tpu.memory_space<hbm>>
    %dma_wait3A_292 = tpu.memref_slice %arg9[%dma_wait3A_281] : memref<5x!tpu.dma_semaphore, #tpu.memory_space<semaphore_mem>> -> memref<1x!tpu.dma_semaphore, #tpu.memory_space<semaphore_mem>>
    %dma_wait3A_293 = tpu.memref_squeeze %dma_wait3A_292 : memref<1x!tpu.dma_semaphore, #tpu.memory_space<semaphore_mem>> -> memref<!tpu.dma_semaphore, #tpu.memory_space<semaphore_mem>>
    tpu.wait_indirect_dma semaphore(%dma_wait3A_293 : memref<!tpu.dma_semaphore, #tpu.memory_space<semaphore_mem>>) src(%dma_wait3A_291 : memref<100000x128xf32, #tpu.memory_space<hbm>>) dst(%dma_wait3A_285 : memref<32x128xf32, #tpu.memory_space<vmem>>)
    %dma_wait3A_294 = arith.constant 3 : i32
    %dma_wait3A_295 = arith.constant 3 : i32
    %dma_wait3A_296 = arith.constant 0 : i32
    %dma_wait3A_297 = arith.constant 0 : i32
    %dma_wait3A_298 = arith.constant 0 : i32
    %dma_wait3A_299 = tpu.memref_slice %arg8[%dma_wait3A_295, %dma_wait3A_297, %dma_wait3A_298] : memref<4x128x128xf32, #tpu.memory_space<vmem>> -> memref<1x32x128xf32, #tpu.memory_space<vmem>>
    %dma_wait3A_300 = tpu.memref_squeeze %dma_wait3A_299 : memref<1x32x128xf32, #tpu.memory_space<vmem>> -> memref<32x128xf32, #tpu.memory_space<vmem>>
    %dma_wait3A_301 = arith.constant 0 : i32
    %dma_wait3A_302 = tpu.memref_slice %arg6[%dma_wait3A_294, %dma_wait3A_301] : memref<4x128xi32, #tpu.memory_space<vmem>> -> memref<1x32xi32, #tpu.memory_space<vmem>>
    %dma_wait3A_303 = tpu.memref_squeeze %dma_wait3A_302 : memref<1x32xi32, #tpu.memory_space<vmem>> -> memref<32xi32, #tpu.memory_space<vmem>>
    %dma_wait3A_304 = arith.constant 0 : i32
    %dma_wait3A_305 = arith.constant 0 : i32
    %dma_wait3A_306 = tpu.memref_slice %arg3[%dma_wait3A_304, %dma_wait3A_305] : memref<100000x128xf32, #tpu.memory_space<hbm>> -> memref<100000x128xf32, #tpu.memory_space<hbm>>
    %dma_wait3A_307 = tpu.memref_slice %arg9[%dma_wait3A_296] : memref<5x!tpu.dma_semaphore, #tpu.memory_space<semaphore_mem>> -> memref<1x!tpu.dma_semaphore, #tpu.memory_space<semaphore_mem>>
    %dma_wait3A_308 = tpu.memref_squeeze %dma_wait3A_307 : memref<1x!tpu.dma_semaphore, #tpu.memory_space<semaphore_mem>> -> memref<!tpu.dma_semaphore, #tpu.memory_space<semaphore_mem>>
    tpu.wait_indirect_dma semaphore(%dma_wait3A_308 : memref<!tpu.dma_semaphore, #tpu.memory_space<semaphore_mem>>) src(%dma_wait3A_306 : memref<100000x128xf32, #tpu.memory_space<hbm>>) dst(%dma_wait3A_300 : memref<32x128xf32, #tpu.memory_space<vmem>>)
    %scan3A = arith.constant 0 : i32
    %scan3A_309 = arith.constant 0 : i32
    %scan3A_310 = arith.constant 32 : i32
    %scan3A_311 = arith.addi %scan3A_309, %scan3A_310 : i32
    %scan3A_312 = arith.constant 1 : i32
    scf.for %scan3A_1056 = %scan3A_309 to %scan3A_311 step %scan3A_312  : i32 {
      %get3A = arith.index_cast %scan3A_1056 : i32 to index
      %get3A_1057 = arith.constant 0 : index
      %get3A_1058 = tpu.vector_load %arg7[%get3A, %get3A_1057] {strides = array<i32>} : memref<128x128xf32, #tpu.memory_space<vmem>>, vector<1x16xf32>,
      %get3A_1059 = vector.shape_cast %get3A_1058 : vector<1x16xf32> to vector<16xf32>
      %swap3A = arith.constant 0 : i32
      %swap3A_1060 = arith.index_cast %swap3A : i32 to index
      %swap3A_1061 = arith.index_cast %scan3A_1056 : i32 to index
      %swap3A_1062 = arith.constant 0 : index
      %swap3A_1063 = tpu.vector_load %arg8[%swap3A_1060, %swap3A_1061, %swap3A_1062] {strides = array<i32>} : memref<4x128x128xf32, #tpu.memory_space<vmem>>, vector<1x1x16xf32>,
      %swap3A_1064 = vector.shape_cast %swap3A_1063 : vector<1x1x16xf32> to vector<16xf32>
      %swap3A_1065 = vector.shape_cast %get3A_1059 : vector<16xf32> to vector<1x1x16xf32>
      tpu.vector_store %arg8[%swap3A_1060, %swap3A_1061, %swap3A_1062], %swap3A_1065 {add = true, strides = array<i32>} : memref<4x128x128xf32, #tpu.memory_space<vmem>>, vector<1x1x16xf32>,
      %swap3A_1066 = arith.constant 1 : i32
      %swap3A_1067 = arith.index_cast %swap3A_1066 : i32 to index
      %swap3A_1068 = arith.index_cast %scan3A_1056 : i32 to index
      %swap3A_1069 = arith.constant 0 : index
      %swap3A_1070 = tpu.vector_load %arg8[%swap3A_1067, %swap3A_1068, %swap3A_1069] {strides = array<i32>} : memref<4x128x128xf32, #tpu.memory_space<vmem>>, vector<1x1x16xf32>,
      %swap3A_1071 = vector.shape_cast %swap3A_1070 : vector<1x1x16xf32> to vector<16xf32>
      %swap3A_1072 = vector.shape_cast %get3A_1059 : vector<16xf32> to vector<1x1x16xf32>
      tpu.vector_store %arg8[%swap3A_1067, %swap3A_1068, %swap3A_1069], %swap3A_1072 {add = true, strides = array<i32>} : memref<4x128x128xf32, #tpu.memory_space<vmem>>, vector<1x1x16xf32>,
      %swap3A_1073 = arith.constant 2 : i32
      %swap3A_1074 = arith.index_cast %swap3A_1073 : i32 to index
      %swap3A_1075 = arith.index_cast %scan3A_1056 : i32 to index
      %swap3A_1076 = arith.constant 0 : index
      %swap3A_1077 = tpu.vector_load %arg8[%swap3A_1074, %swap3A_1075, %swap3A_1076] {strides = array<i32>} : memref<4x128x128xf32, #tpu.memory_space<vmem>>, vector<1x1x16xf32>,
      %swap3A_1078 = vector.shape_cast %swap3A_1077 : vector<1x1x16xf32> to vector<16xf32>
      %swap3A_1079 = vector.shape_cast %get3A_1059 : vector<16xf32> to vector<1x1x16xf32>
      tpu.vector_store %arg8[%swap3A_1074, %swap3A_1075, %swap3A_1076], %swap3A_1079 {add = true, strides = array<i32>} : memref<4x128x128xf32, #tpu.memory_space<vmem>>, vector<1x1x16xf32>,
      %swap3A_1080 = arith.constant 3 : i32
      %swap3A_1081 = arith.index_cast %swap3A_1080 : i32 to index
      %swap3A_1082 = arith.index_cast %scan3A_1056 : i32 to index
      %swap3A_1083 = arith.constant 0 : index
      %swap3A_1084 = tpu.vector_load %arg8[%swap3A_1081, %swap3A_1082, %swap3A_1083] {strides = array<i32>} : memref<4x128x128xf32, #tpu.memory_space<vmem>>, vector<1x1x16xf32>,
      %swap3A_1085 = vector.shape_cast %swap3A_1084 : vector<1x1x16xf32> to vector<16xf32>
      %swap3A_1086 = vector.shape_cast %get3A_1059 : vector<16xf32> to vector<1x1x16xf32>
      tpu.vector_store %arg8[%swap3A_1081, %swap3A_1082, %swap3A_1083], %swap3A_1086 {add = true, strides = array<i32>} : memref<4x128x128xf32, #tpu.memory_space<vmem>>, vector<1x1x16xf32>,
      %get3A_1087 = arith.index_cast %scan3A_1056 : i32 to index
      %get3A_1088 = arith.constant 16 : index
      %get3A_1089 = tpu.vector_load %arg7[%get3A_1087, %get3A_1088] {strides = array<i32>} : memref<128x128xf32, #tpu.memory_space<vmem>>, vector<1x16xf32>,
      %get3A_1090 = vector.shape_cast %get3A_1089 : vector<1x16xf32> to vector<16xf32>
      %swap3A_1091 = arith.constant 0 : i32
      %swap3A_1092 = arith.index_cast %swap3A_1091 : i32 to index
      %swap3A_1093 = arith.index_cast %scan3A_1056 : i32 to index
      %swap3A_1094 = arith.constant 16 : index
      %swap3A_1095 = tpu.vector_load %arg8[%swap3A_1092, %swap3A_1093, %swap3A_1094] {strides = array<i32>} : memref<4x128x128xf32, #tpu.memory_space<vmem>>, vector<1x1x16xf32>,
      %swap3A_1096 = vector.shape_cast %swap3A_1095 : vector<1x1x16xf32> to vector<16xf32>
      %swap3A_1097 = vector.shape_cast %get3A_1090 : vector<16xf32> to vector<1x1x16xf32>
      tpu.vector_store %arg8[%swap3A_1092, %swap3A_1093, %swap3A_1094], %swap3A_1097 {add = true, strides = array<i32>} : memref<4x128x128xf32, #tpu.memory_space<vmem>>, vector<1x1x16xf32>,
      %swap3A_1098 = arith.constant 1 : i32
      %swap3A_1099 = arith.index_cast %swap3A_1098 : i32 to index
      %swap3A_1100 = arith.index_cast %scan3A_1056 : i32 to index
      %swap3A_1101 = arith.constant 16 : index
      %swap3A_1102 = tpu.vector_load %arg8[%swap3A_1099, %swap3A_1100, %swap3A_1101] {strides = array<i32>} : memref<4x128x128xf32, #tpu.memory_space<vmem>>, vector<1x1x16xf32>,
      %swap3A_1103 = vector.shape_cast %swap3A_1102 : vector<1x1x16xf32> to vector<16xf32>
      %swap3A_1104 = vector.shape_cast %get3A_1090 : vector<16xf32> to vector<1x1x16xf32>
      tpu.vector_store %arg8[%swap3A_1099, %swap3A_1100, %swap3A_1101], %swap3A_1104 {add = true, strides = array<i32>} : memref<4x128x128xf32, #tpu.memory_space<vmem>>, vector<1x1x16xf32>,
      %swap3A_1105 = arith.constant 2 : i32
      %swap3A_1106 = arith.index_cast %swap3A_1105 : i32 to index
      %swap3A_1107 = arith.index_cast %scan3A_1056 : i32 to index
      %swap3A_1108 = arith.constant 16 : index
      %swap3A_1109 = tpu.vector_load %arg8[%swap3A_1106, %swap3A_1107, %swap3A_1108] {strides = array<i32>} : memref<4x128x128xf32, #tpu.memory_space<vmem>>, vector<1x1x16xf32>,
      %swap3A_1110 = vector.shape_cast %swap3A_1109 : vector<1x1x16xf32> to vector<16xf32>
      %swap3A_1111 = vector.shape_cast %get3A_1090 : vector<16xf32> to vector<1x1x16xf32>
      tpu.vector_store %arg8[%swap3A_1106, %swap3A_1107, %swap3A_1108], %swap3A_1111 {add = true, strides = array<i32>} : memref<4x128x128xf32, #tpu.memory_space<vmem>>, vector<1x1x16xf32>,
      %swap3A_1112 = arith.constant 3 : i32
      %swap3A_1113 = arith.index_cast %swap3A_1112 : i32 to index
      %swap3A_1114 = arith.index_cast %scan3A_1056 : i32 to index
      %swap3A_1115 = arith.constant 16 : index
      %swap3A_1116 = tpu.vector_load %arg8[%swap3A_1113, %swap3A_1114, %swap3A_1115] {strides = array<i32>} : memref<4x128x128xf32, #tpu.memory_space<vmem>>, vector<1x1x16xf32>,
      %swap3A_1117 = vector.shape_cast %swap3A_1116 : vector<1x1x16xf32> to vector<16xf32>
      %swap3A_1118 = vector.shape_cast %get3A_1090 : vector<16xf32> to vector<1x1x16xf32>
      tpu.vector_store %arg8[%swap3A_1113, %swap3A_1114, %swap3A_1115], %swap3A_1118 {add = true, strides = array<i32>} : memref<4x128x128xf32, #tpu.memory_space<vmem>>, vector<1x1x16xf32>,
      %get3A_1119 = arith.index_cast %scan3A_1056 : i32 to index
      %get3A_1120 = arith.constant 32 : index
      %get3A_1121 = tpu.vector_load %arg7[%get3A_1119, %get3A_1120] {strides = array<i32>} : memref<128x128xf32, #tpu.memory_space<vmem>>, vector<1x16xf32>,
      %get3A_1122 = vector.shape_cast %get3A_1121 : vector<1x16xf32> to vector<16xf32>
      %swap3A_1123 = arith.constant 0 : i32
      %swap3A_1124 = arith.index_cast %swap3A_1123 : i32 to index
      %swap3A_1125 = arith.index_cast %scan3A_1056 : i32 to index
      %swap3A_1126 = arith.constant 32 : index
      %swap3A_1127 = tpu.vector_load %arg8[%swap3A_1124, %swap3A_1125, %swap3A_1126] {strides = array<i32>} : memref<4x128x128xf32, #tpu.memory_space<vmem>>, vector<1x1x16xf32>,
      %swap3A_1128 = vector.shape_cast %swap3A_1127 : vector<1x1x16xf32> to vector<16xf32>
      %swap3A_1129 = vector.shape_cast %get3A_1122 : vector<16xf32> to vector<1x1x16xf32>
      tpu.vector_store %arg8[%swap3A_1124, %swap3A_1125, %swap3A_1126], %swap3A_1129 {add = true, strides = array<i32>} : memref<4x128x128xf32, #tpu.memory_space<vmem>>, vector<1x1x16xf32>,
      %swap3A_1130 = arith.constant 1 : i32
      %swap3A_1131 = arith.index_cast %swap3A_1130 : i32 to index
      %swap3A_1132 = arith.index_cast %scan3A_1056 : i32 to index
      %swap3A_1133 = arith.constant 32 : index
      %swap3A_1134 = tpu.vector_load %arg8[%swap3A_1131, %swap3A_1132, %swap3A_1133] {strides = array<i32>} : memref<4x128x128xf32, #tpu.memory_space<vmem>>, vector<1x1x16xf32>,
      %swap3A_1135 = vector.shape_cast %swap3A_1134 : vector<1x1x16xf32> to vector<16xf32>
      %swap3A_1136 = vector.shape_cast %get3A_1122 : vector<16xf32> to vector<1x1x16xf32>
      tpu.vector_store %arg8[%swap3A_1131, %swap3A_1132, %swap3A_1133], %swap3A_1136 {add = true, strides = array<i32>} : memref<4x128x128xf32, #tpu.memory_space<vmem>>, vector<1x1x16xf32>,
      %swap3A_1137 = arith.constant 2 : i32
      %swap3A_1138 = arith.index_cast %swap3A_1137 : i32 to index
      %swap3A_1139 = arith.index_cast %scan3A_1056 : i32 to index
      %swap3A_1140 = arith.constant 32 : index
      %swap3A_1141 = tpu.vector_load %arg8[%swap3A_1138, %swap3A_1139, %swap3A_1140] {strides = array<i32>} : memref<4x128x128xf32, #tpu.memory_space<vmem>>, vector<1x1x16xf32>,
      %swap3A_1142 = vector.shape_cast %swap3A_1141 : vector<1x1x16xf32> to vector<16xf32>
      %swap3A_1143 = vector.shape_cast %get3A_1122 : vector<16xf32> to vector<1x1x16xf32>
      tpu.vector_store %arg8[%swap3A_1138, %swap3A_1139, %swap3A_1140], %swap3A_1143 {add = true, strides = array<i32>} : memref<4x128x128xf32, #tpu.memory_space<vmem>>, vector<1x1x16xf32>,
      %swap3A_1144 = arith.constant 3 : i32
      %swap3A_1145 = arith.index_cast %swap3A_1144 : i32 to index
      %swap3A_1146 = arith.index_cast %scan3A_1056 : i32 to index
      %swap3A_1147 = arith.constant 32 : index
      %swap3A_1148 = tpu.vector_load %arg8[%swap3A_1145, %swap3A_1146, %swap3A_1147] {strides = array<i32>} : memref<4x128x128xf32, #tpu.memory_space<vmem>>, vector<1x1x16xf32>,
      %swap3A_1149 = vector.shape_cast %swap3A_1148 : vector<1x1x16xf32> to vector<16xf32>
      %swap3A_1150 = vector.shape_cast %get3A_1122 : vector<16xf32> to vector<1x1x16xf32>
      tpu.vector_store %arg8[%swap3A_1145, %swap3A_1146, %swap3A_1147], %swap3A_1150 {add = true, strides = array<i32>} : memref<4x128x128xf32, #tpu.memory_space<vmem>>, vector<1x1x16xf32>,
      %get3A_1151 = arith.index_cast %scan3A_1056 : i32 to index
      %get3A_1152 = arith.constant 48 : index
      %get3A_1153 = tpu.vector_load %arg7[%get3A_1151, %get3A_1152] {strides = array<i32>} : memref<128x128xf32, #tpu.memory_space<vmem>>, vector<1x16xf32>,
      %get3A_1154 = vector.shape_cast %get3A_1153 : vector<1x16xf32> to vector<16xf32>
      %swap3A_1155 = arith.constant 0 : i32
      %swap3A_1156 = arith.index_cast %swap3A_1155 : i32 to index
      %swap3A_1157 = arith.index_cast %scan3A_1056 : i32 to index
      %swap3A_1158 = arith.constant 48 : index
      %swap3A_1159 = tpu.vector_load %arg8[%swap3A_1156, %swap3A_1157, %swap3A_1158] {strides = array<i32>} : memref<4x128x128xf32, #tpu.memory_space<vmem>>, vector<1x1x16xf32>,
      %swap3A_1160 = vector.shape_cast %swap3A_1159 : vector<1x1x16xf32> to vector<16xf32>
      %swap3A_1161 = vector.shape_cast %get3A_1154 : vector<16xf32> to vector<1x1x16xf32>
      tpu.vector_store %arg8[%swap3A_1156, %swap3A_1157, %swap3A_1158], %swap3A_1161 {add = true, strides = array<i32>} : memref<4x128x128xf32, #tpu.memory_space<vmem>>, vector<1x1x16xf32>,
      %swap3A_1162 = arith.constant 1 : i32
      %swap3A_1163 = arith.index_cast %swap3A_1162 : i32 to index
      %swap3A_1164 = arith.index_cast %scan3A_1056 : i32 to index
      %swap3A_1165 = arith.constant 48 : index
      %swap3A_1166 = tpu.vector_load %arg8[%swap3A_1163, %swap3A_1164, %swap3A_1165] {strides = array<i32>} : memref<4x128x128xf32, #tpu.memory_space<vmem>>, vector<1x1x16xf32>,
      %swap3A_1167 = vector.shape_cast %swap3A_1166 : vector<1x1x16xf32> to vector<16xf32>
      %swap3A_1168 = vector.shape_cast %get3A_1154 : vector<16xf32> to vector<1x1x16xf32>
      tpu.vector_store %arg8[%swap3A_1163, %swap3A_1164, %swap3A_1165], %swap3A_1168 {add = true, strides = array<i32>} : memref<4x128x128xf32, #tpu.memory_space<vmem>>, vector<1x1x16xf32>,
      %swap3A_1169 = arith.constant 2 : i32
      %swap3A_1170 = arith.index_cast %swap3A_1169 : i32 to index
      %swap3A_1171 = arith.index_cast %scan3A_1056 : i32 to index
      %swap3A_1172 = arith.constant 48 : index
      %swap3A_1173 = tpu.vector_load %arg8[%swap3A_1170, %swap3A_1171, %swap3A_1172] {strides = array<i32>} : memref<4x128x128xf32, #tpu.memory_space<vmem>>, vector<1x1x16xf32>,
      %swap3A_1174 = vector.shape_cast %swap3A_1173 : vector<1x1x16xf32> to vector<16xf32>
      %swap3A_1175 = vector.shape_cast %get3A_1154 : vector<16xf32> to vector<1x1x16xf32>
      tpu.vector_store %arg8[%swap3A_1170, %swap3A_1171, %swap3A_1172], %swap3A_1175 {add = true, strides = array<i32>} : memref<4x128x128xf32, #tpu.memory_space<vmem>>, vector<1x1x16xf32>,
      %swap3A_1176 = arith.constant 3 : i32
      %swap3A_1177 = arith.index_cast %swap3A_1176 : i32 to index
      %swap3A_1178 = arith.index_cast %scan3A_1056 : i32 to index
      %swap3A_1179 = arith.constant 48 : index
      %swap3A_1180 = tpu.vector_load %arg8[%swap3A_1177, %swap3A_1178, %swap3A_1179] {strides = array<i32>} : memref<4x128x128xf32, #tpu.memory_space<vmem>>, vector<1x1x16xf32>,
      %swap3A_1181 = vector.shape_cast %swap3A_1180 : vector<1x1x16xf32> to vector<16xf32>
      %swap3A_1182 = vector.shape_cast %get3A_1154 : vector<16xf32> to vector<1x1x16xf32>
      tpu.vector_store %arg8[%swap3A_1177, %swap3A_1178, %swap3A_1179], %swap3A_1182 {add = true, strides = array<i32>} : memref<4x128x128xf32, #tpu.memory_space<vmem>>, vector<1x1x16xf32>,
      %get3A_1183 = arith.index_cast %scan3A_1056 : i32 to index
      %get3A_1184 = arith.constant 64 : index
      %get3A_1185 = tpu.vector_load %arg7[%get3A_1183, %get3A_1184] {strides = array<i32>} : memref<128x128xf32, #tpu.memory_space<vmem>>, vector<1x16xf32>,
      %get3A_1186 = vector.shape_cast %get3A_1185 : vector<1x16xf32> to vector<16xf32>
      %swap3A_1187 = arith.constant 0 : i32
      %swap3A_1188 = arith.index_cast %swap3A_1187 : i32 to index
      %swap3A_1189 = arith.index_cast %scan3A_1056 : i32 to index
      %swap3A_1190 = arith.constant 64 : index
      %swap3A_1191 = tpu.vector_load %arg8[%swap3A_1188, %swap3A_1189, %swap3A_1190] {strides = array<i32>} : memref<4x128x128xf32, #tpu.memory_space<vmem>>, vector<1x1x16xf32>,
      %swap3A_1192 = vector.shape_cast %swap3A_1191 : vector<1x1x16xf32> to vector<16xf32>
      %swap3A_1193 = vector.shape_cast %get3A_1186 : vector<16xf32> to vector<1x1x16xf32>
      tpu.vector_store %arg8[%swap3A_1188, %swap3A_1189, %swap3A_1190], %swap3A_1193 {add = true, strides = array<i32>} : memref<4x128x128xf32, #tpu.memory_space<vmem>>, vector<1x1x16xf32>,
      %swap3A_1194 = arith.constant 1 : i32
      %swap3A_1195 = arith.index_cast %swap3A_1194 : i32 to index
      %swap3A_1196 = arith.index_cast %scan3A_1056 : i32 to index
      %swap3A_1197 = arith.constant 64 : index
      %swap3A_1198 = tpu.vector_load %arg8[%swap3A_1195, %swap3A_1196, %swap3A_1197] {strides = array<i32>} : memref<4x128x128xf32, #tpu.memory_space<vmem>>, vector<1x1x16xf32>,
      %swap3A_1199 = vector.shape_cast %swap3A_1198 : vector<1x1x16xf32> to vector<16xf32>
      %swap3A_1200 = vector.shape_cast %get3A_1186 : vector<16xf32> to vector<1x1x16xf32>
      tpu.vector_store %arg8[%swap3A_1195, %swap3A_1196, %swap3A_1197], %swap3A_1200 {add = true, strides = array<i32>} : memref<4x128x128xf32, #tpu.memory_space<vmem>>, vector<1x1x16xf32>,
      %swap3A_1201 = arith.constant 2 : i32
      %swap3A_1202 = arith.index_cast %swap3A_1201 : i32 to index
      %swap3A_1203 = arith.index_cast %scan3A_1056 : i32 to index
      %swap3A_1204 = arith.constant 64 : index
      %swap3A_1205 = tpu.vector_load %arg8[%swap3A_1202, %swap3A_1203, %swap3A_1204] {strides = array<i32>} : memref<4x128x128xf32, #tpu.memory_space<vmem>>, vector<1x1x16xf32>,
      %swap3A_1206 = vector.shape_cast %swap3A_1205 : vector<1x1x16xf32> to vector<16xf32>
      %swap3A_1207 = vector.shape_cast %get3A_1186 : vector<16xf32> to vector<1x1x16xf32>
      tpu.vector_store %arg8[%swap3A_1202, %swap3A_1203, %swap3A_1204], %swap3A_1207 {add = true, strides = array<i32>} : memref<4x128x128xf32, #tpu.memory_space<vmem>>, vector<1x1x16xf32>,
      %swap3A_1208 = arith.constant 3 : i32
      %swap3A_1209 = arith.index_cast %swap3A_1208 : i32 to index
      %swap3A_1210 = arith.index_cast %scan3A_1056 : i32 to index
      %swap3A_1211 = arith.constant 64 : index
      %swap3A_1212 = tpu.vector_load %arg8[%swap3A_1209, %swap3A_1210, %swap3A_1211] {strides = array<i32>} : memref<4x128x128xf32, #tpu.memory_space<vmem>>, vector<1x1x16xf32>,
      %swap3A_1213 = vector.shape_cast %swap3A_1212 : vector<1x1x16xf32> to vector<16xf32>
      %swap3A_1214 = vector.shape_cast %get3A_1186 : vector<16xf32> to vector<1x1x16xf32>
      tpu.vector_store %arg8[%swap3A_1209, %swap3A_1210, %swap3A_1211], %swap3A_1214 {add = true, strides = array<i32>} : memref<4x128x128xf32, #tpu.memory_space<vmem>>, vector<1x1x16xf32>,
      %get3A_1215 = arith.index_cast %scan3A_1056 : i32 to index
      %get3A_1216 = arith.constant 80 : index
      %get3A_1217 = tpu.vector_load %arg7[%get3A_1215, %get3A_1216] {strides = array<i32>} : memref<128x128xf32, #tpu.memory_space<vmem>>, vector<1x16xf32>,
      %get3A_1218 = vector.shape_cast %get3A_1217 : vector<1x16xf32> to vector<16xf32>
      %swap3A_1219 = arith.constant 0 : i32
      %swap3A_1220 = arith.index_cast %swap3A_1219 : i32 to index
      %swap3A_1221 = arith.index_cast %scan3A_1056 : i32 to index
      %swap3A_1222 = arith.constant 80 : index
      %swap3A_1223 = tpu.vector_load %arg8[%swap3A_1220, %swap3A_1221, %swap3A_1222] {strides = array<i32>} : memref<4x128x128xf32, #tpu.memory_space<vmem>>, vector<1x1x16xf32>,
      %swap3A_1224 = vector.shape_cast %swap3A_1223 : vector<1x1x16xf32> to vector<16xf32>
      %swap3A_1225 = vector.shape_cast %get3A_1218 : vector<16xf32> to vector<1x1x16xf32>
      tpu.vector_store %arg8[%swap3A_1220, %swap3A_1221, %swap3A_1222], %swap3A_1225 {add = true, strides = array<i32>} : memref<4x128x128xf32, #tpu.memory_space<vmem>>, vector<1x1x16xf32>,
      %swap3A_1226 = arith.constant 1 : i32
      %swap3A_1227 = arith.index_cast %swap3A_1226 : i32 to index
      %swap3A_1228 = arith.index_cast %scan3A_1056 : i32 to index
      %swap3A_1229 = arith.constant 80 : index
      %swap3A_1230 = tpu.vector_load %arg8[%swap3A_1227, %swap3A_1228, %swap3A_1229] {strides = array<i32>} : memref<4x128x128xf32, #tpu.memory_space<vmem>>, vector<1x1x16xf32>,
      %swap3A_1231 = vector.shape_cast %swap3A_1230 : vector<1x1x16xf32> to vector<16xf32>
      %swap3A_1232 = vector.shape_cast %get3A_1218 : vector<16xf32> to vector<1x1x16xf32>
      tpu.vector_store %arg8[%swap3A_1227, %swap3A_1228, %swap3A_1229], %swap3A_1232 {add = true, strides = array<i32>} : memref<4x128x128xf32, #tpu.memory_space<vmem>>, vector<1x1x16xf32>,
      %swap3A_1233 = arith.constant 2 : i32
      %swap3A_1234 = arith.index_cast %swap3A_1233 : i32 to index
      %swap3A_1235 = arith.index_cast %scan3A_1056 : i32 to index
      %swap3A_1236 = arith.constant 80 : index
      %swap3A_1237 = tpu.vector_load %arg8[%swap3A_1234, %swap3A_1235, %swap3A_1236] {strides = array<i32>} : memref<4x128x128xf32, #tpu.memory_space<vmem>>, vector<1x1x16xf32>,
      %swap3A_1238 = vector.shape_cast %swap3A_1237 : vector<1x1x16xf32> to vector<16xf32>
      %swap3A_1239 = vector.shape_cast %get3A_1218 : vector<16xf32> to vector<1x1x16xf32>
      tpu.vector_store %arg8[%swap3A_1234, %swap3A_1235, %swap3A_1236], %swap3A_1239 {add = true, strides = array<i32>} : memref<4x128x128xf32, #tpu.memory_space<vmem>>, vector<1x1x16xf32>,
      %swap3A_1240 = arith.constant 3 : i32
      %swap3A_1241 = arith.index_cast %swap3A_1240 : i32 to index
      %swap3A_1242 = arith.index_cast %scan3A_1056 : i32 to index
      %swap3A_1243 = arith.constant 80 : index
      %swap3A_1244 = tpu.vector_load %arg8[%swap3A_1241, %swap3A_1242, %swap3A_1243] {strides = array<i32>} : memref<4x128x128xf32, #tpu.memory_space<vmem>>, vector<1x1x16xf32>,
      %swap3A_1245 = vector.shape_cast %swap3A_1244 : vector<1x1x16xf32> to vector<16xf32>
      %swap3A_1246 = vector.shape_cast %get3A_1218 : vector<16xf32> to vector<1x1x16xf32>
      tpu.vector_store %arg8[%swap3A_1241, %swap3A_1242, %swap3A_1243], %swap3A_1246 {add = true, strides = array<i32>} : memref<4x128x128xf32, #tpu.memory_space<vmem>>, vector<1x1x16xf32>,
      %get3A_1247 = arith.index_cast %scan3A_1056 : i32 to index
      %get3A_1248 = arith.constant 96 : index
      %get3A_1249 = tpu.vector_load %arg7[%get3A_1247, %get3A_1248] {strides = array<i32>} : memref<128x128xf32, #tpu.memory_space<vmem>>, vector<1x16xf32>,
      %get3A_1250 = vector.shape_cast %get3A_1249 : vector<1x16xf32> to vector<16xf32>
      %swap3A_1251 = arith.constant 0 : i32
      %swap3A_1252 = arith.index_cast %swap3A_1251 : i32 to index
      %swap3A_1253 = arith.index_cast %scan3A_1056 : i32 to index
      %swap3A_1254 = arith.constant 96 : index
      %swap3A_1255 = tpu.vector_load %arg8[%swap3A_1252, %swap3A_1253, %swap3A_1254] {strides = array<i32>} : memref<4x128x128xf32, #tpu.memory_space<vmem>>, vector<1x1x16xf32>,
      %swap3A_1256 = vector.shape_cast %swap3A_1255 : vector<1x1x16xf32> to vector<16xf32>
      %swap3A_1257 = vector.shape_cast %get3A_1250 : vector<16xf32> to vector<1x1x16xf32>
      tpu.vector_store %arg8[%swap3A_1252, %swap3A_1253, %swap3A_1254], %swap3A_1257 {add = true, strides = array<i32>} : memref<4x128x128xf32, #tpu.memory_space<vmem>>, vector<1x1x16xf32>,
      %swap3A_1258 = arith.constant 1 : i32
      %swap3A_1259 = arith.index_cast %swap3A_1258 : i32 to index
      %swap3A_1260 = arith.index_cast %scan3A_1056 : i32 to index
      %swap3A_1261 = arith.constant 96 : index
      %swap3A_1262 = tpu.vector_load %arg8[%swap3A_1259, %swap3A_1260, %swap3A_1261] {strides = array<i32>} : memref<4x128x128xf32, #tpu.memory_space<vmem>>, vector<1x1x16xf32>,
      %swap3A_1263 = vector.shape_cast %swap3A_1262 : vector<1x1x16xf32> to vector<16xf32>
      %swap3A_1264 = vector.shape_cast %get3A_1250 : vector<16xf32> to vector<1x1x16xf32>
      tpu.vector_store %arg8[%swap3A_1259, %swap3A_1260, %swap3A_1261], %swap3A_1264 {add = true, strides = array<i32>} : memref<4x128x128xf32, #tpu.memory_space<vmem>>, vector<1x1x16xf32>,
      %swap3A_1265 = arith.constant 2 : i32
      %swap3A_1266 = arith.index_cast %swap3A_1265 : i32 to index
      %swap3A_1267 = arith.index_cast %scan3A_1056 : i32 to index
      %swap3A_1268 = arith.constant 96 : index
      %swap3A_1269 = tpu.vector_load %arg8[%swap3A_1266, %swap3A_1267, %swap3A_1268] {strides = array<i32>} : memref<4x128x128xf32, #tpu.memory_space<vmem>>, vector<1x1x16xf32>,
      %swap3A_1270 = vector.shape_cast %swap3A_1269 : vector<1x1x16xf32> to vector<16xf32>
      %swap3A_1271 = vector.shape_cast %get3A_1250 : vector<16xf32> to vector<1x1x16xf32>
      tpu.vector_store %arg8[%swap3A_1266, %swap3A_1267, %swap3A_1268], %swap3A_1271 {add = true, strides = array<i32>} : memref<4x128x128xf32, #tpu.memory_space<vmem>>, vector<1x1x16xf32>,
      %swap3A_1272 = arith.constant 3 : i32
      %swap3A_1273 = arith.index_cast %swap3A_1272 : i32 to index
      %swap3A_1274 = arith.index_cast %scan3A_1056 : i32 to index
      %swap3A_1275 = arith.constant 96 : index
      %swap3A_1276 = tpu.vector_load %arg8[%swap3A_1273, %swap3A_1274, %swap3A_1275] {strides = array<i32>} : memref<4x128x128xf32, #tpu.memory_space<vmem>>, vector<1x1x16xf32>,
      %swap3A_1277 = vector.shape_cast %swap3A_1276 : vector<1x1x16xf32> to vector<16xf32>
      %swap3A_1278 = vector.shape_cast %get3A_1250 : vector<16xf32> to vector<1x1x16xf32>
      tpu.vector_store %arg8[%swap3A_1273, %swap3A_1274, %swap3A_1275], %swap3A_1278 {add = true, strides = array<i32>} : memref<4x128x128xf32, #tpu.memory_space<vmem>>, vector<1x1x16xf32>,
      %get3A_1279 = arith.index_cast %scan3A_1056 : i32 to index
      %get3A_1280 = arith.constant 112 : index
      %get3A_1281 = tpu.vector_load %arg7[%get3A_1279, %get3A_1280] {strides = array<i32>} : memref<128x128xf32, #tpu.memory_space<vmem>>, vector<1x16xf32>,
      %get3A_1282 = vector.shape_cast %get3A_1281 : vector<1x16xf32> to vector<16xf32>
      %swap3A_1283 = arith.constant 0 : i32
      %swap3A_1284 = arith.index_cast %swap3A_1283 : i32 to index
      %swap3A_1285 = arith.index_cast %scan3A_1056 : i32 to index
      %swap3A_1286 = arith.constant 112 : index
      %swap3A_1287 = tpu.vector_load %arg8[%swap3A_1284, %swap3A_1285, %swap3A_1286] {strides = array<i32>} : memref<4x128x128xf32, #tpu.memory_space<vmem>>, vector<1x1x16xf32>,
      %swap3A_1288 = vector.shape_cast %swap3A_1287 : vector<1x1x16xf32> to vector<16xf32>
      %swap3A_1289 = vector.shape_cast %get3A_1282 : vector<16xf32> to vector<1x1x16xf32>
      tpu.vector_store %arg8[%swap3A_1284, %swap3A_1285, %swap3A_1286], %swap3A_1289 {add = true, strides = array<i32>} : memref<4x128x128xf32, #tpu.memory_space<vmem>>, vector<1x1x16xf32>,
      %swap3A_1290 = arith.constant 1 : i32
      %swap3A_1291 = arith.index_cast %swap3A_1290 : i32 to index
      %swap3A_1292 = arith.index_cast %scan3A_1056 : i32 to index
      %swap3A_1293 = arith.constant 112 : index
      %swap3A_1294 = tpu.vector_load %arg8[%swap3A_1291, %swap3A_1292, %swap3A_1293] {strides = array<i32>} : memref<4x128x128xf32, #tpu.memory_space<vmem>>, vector<1x1x16xf32>,
      %swap3A_1295 = vector.shape_cast %swap3A_1294 : vector<1x1x16xf32> to vector<16xf32>
      %swap3A_1296 = vector.shape_cast %get3A_1282 : vector<16xf32> to vector<1x1x16xf32>
      tpu.vector_store %arg8[%swap3A_1291, %swap3A_1292, %swap3A_1293], %swap3A_1296 {add = true, strides = array<i32>} : memref<4x128x128xf32, #tpu.memory_space<vmem>>, vector<1x1x16xf32>,
      %swap3A_1297 = arith.constant 2 : i32
      %swap3A_1298 = arith.index_cast %swap3A_1297 : i32 to index
      %swap3A_1299 = arith.index_cast %scan3A_1056 : i32 to index
      %swap3A_1300 = arith.constant 112 : index
      %swap3A_1301 = tpu.vector_load %arg8[%swap3A_1298, %swap3A_1299, %swap3A_1300] {strides = array<i32>} : memref<4x128x128xf32, #tpu.memory_space<vmem>>, vector<1x1x16xf32>,
      %swap3A_1302 = vector.shape_cast %swap3A_1301 : vector<1x1x16xf32> to vector<16xf32>
      %swap3A_1303 = vector.shape_cast %get3A_1282 : vector<16xf32> to vector<1x1x16xf32>
      tpu.vector_store %arg8[%swap3A_1298, %swap3A_1299, %swap3A_1300], %swap3A_1303 {add = true, strides = array<i32>} : memref<4x128x128xf32, #tpu.memory_space<vmem>>, vector<1x1x16xf32>,
      %swap3A_1304 = arith.constant 3 : i32
      %swap3A_1305 = arith.index_cast %swap3A_1304 : i32 to index
      %swap3A_1306 = arith.index_cast %scan3A_1056 : i32 to index
      %swap3A_1307 = arith.constant 112 : index
      %swap3A_1308 = tpu.vector_load %arg8[%swap3A_1305, %swap3A_1306, %swap3A_1307] {strides = array<i32>} : memref<4x128x128xf32, #tpu.memory_space<vmem>>, vector<1x1x16xf32>,
      %swap3A_1309 = vector.shape_cast %swap3A_1308 : vector<1x1x16xf32> to vector<16xf32>
      %swap3A_1310 = vector.shape_cast %get3A_1282 : vector<16xf32> to vector<1x1x16xf32>
      tpu.vector_store %arg8[%swap3A_1305, %swap3A_1306, %swap3A_1307], %swap3A_1310 {add = true, strides = array<i32>} : memref<4x128x128xf32, #tpu.memory_space<vmem>>, vector<1x1x16xf32>,
    }
    %scan3A_313 = arith.constant 32 : i32
    %add3A_314 = arith.constant 0 : i32
    %add3A_315 = arith.addi %mul3A_2, %add3A_314 : i32
    %dma_start3A_316 = arith.constant 0 : i32
    %dma_start3A_317 = arith.constant 0 : i32
    %dma_start3A_318 = arith.constant 0 : i32
    %dma_start3A_319 = arith.constant 0 : i32
    %dma_start3A_320 = tpu.memref_slice %arg8[%dma_start3A_316, %dma_start3A_318, %dma_start3A_319] : memref<4x128x128xf32, #tpu.memory_space<vmem>> -> memref<1x32x128xf32, #tpu.memory_space<vmem>>
    %dma_start3A_321 = tpu.memref_squeeze %dma_start3A_320 : memref<1x32x128xf32, #tpu.memory_space<vmem>> -> memref<32x128xf32, #tpu.memory_space<vmem>>
    %dma_start3A_322 = arith.constant 0 : i32
    %dma_start3A_323 = tpu.memref_slice %arg5[%dma_start3A_317, %add3A_315, %dma_start3A_322] : memref<4x4096x128xf32, #tpu.memory_space<hbm>> -> memref<1x32x128xf32, #tpu.memory_space<hbm>>
    %dma_start3A_324 = tpu.memref_squeeze %dma_start3A_323 : memref<1x32x128xf32, #tpu.memory_space<hbm>> -> memref<32x128xf32, #tpu.memory_space<hbm>>
    %dma_start3A_325 = arith.constant 0 : i32
    %dma_start3A_326 = tpu.memref_slice %arg5[%dma_start3A_317, %add3A_315, %dma_start3A_325] : memref<4x4096x128xf32, #tpu.memory_space<hbm>> -> memref<1x32x128xf32, #tpu.memory_space<hbm>>
    %dma_start3A_327 = tpu.memref_squeeze %dma_start3A_326 : memref<1x32x128xf32, #tpu.memory_space<hbm>> -> memref<32x128xf32, #tpu.memory_space<hbm>>
    %dma_start3A_328 = arith.constant 0 : i32
    %dma_start3A_329 = arith.constant 0 : i32
    %dma_start3A_330 = tpu.memref_slice %arg8[%dma_start3A_316, %dma_start3A_328, %dma_start3A_329] : memref<4x128x128xf32, #tpu.memory_space<vmem>> -> memref<1x32x128xf32, #tpu.memory_space<vmem>>
    %dma_start3A_331 = tpu.memref_squeeze %dma_start3A_330 : memref<1x32x128xf32, #tpu.memory_space<vmem>> -> memref<32x128xf32, #tpu.memory_space<vmem>>
    tpu.enqueue_dma source(%dma_start3A_331 : memref<32x128xf32, #tpu.memory_space<vmem>>) target(%dma_start3A_327 : memref<32x128xf32, #tpu.memory_space<hbm>>) target_semaphore(%arg11 : memref<!tpu.dma_semaphore, #tpu.memory_space<semaphore_mem>>)
    %add3A_332 = arith.constant 0 : i32
    %add3A_333 = arith.addi %mul3A_2, %add3A_332 : i32
    %dma_start3A_334 = arith.constant 1 : i32
    %dma_start3A_335 = arith.constant 1 : i32
    %dma_start3A_336 = arith.constant 0 : i32
    %dma_start3A_337 = arith.constant 0 : i32
    %dma_start3A_338 = tpu.memref_slice %arg8[%dma_start3A_334, %dma_start3A_336, %dma_start3A_337] : memref<4x128x128xf32, #tpu.memory_space<vmem>> -> memref<1x32x128xf32, #tpu.memory_space<vmem>>
    %dma_start3A_339 = tpu.memref_squeeze %dma_start3A_338 : memref<1x32x128xf32, #tpu.memory_space<vmem>> -> memref<32x128xf32, #tpu.memory_space<vmem>>
    %dma_start3A_340 = arith.constant 0 : i32
    %dma_start3A_341 = tpu.memref_slice %arg5[%dma_start3A_335, %add3A_333, %dma_start3A_340] : memref<4x4096x128xf32, #tpu.memory_space<hbm>> -> memref<1x32x128xf32, #tpu.memory_space<hbm>>
    %dma_start3A_342 = tpu.memref_squeeze %dma_start3A_341 : memref<1x32x128xf32, #tpu.memory_space<hbm>> -> memref<32x128xf32, #tpu.memory_space<hbm>>
    %dma_start3A_343 = arith.constant 0 : i32
    %dma_start3A_344 = tpu.memref_slice %arg5[%dma_start3A_335, %add3A_333, %dma_start3A_343] : memref<4x4096x128xf32, #tpu.memory_space<hbm>> -> memref<1x32x128xf32, #tpu.memory_space<hbm>>
    %dma_start3A_345 = tpu.memref_squeeze %dma_start3A_344 : memref<1x32x128xf32, #tpu.memory_space<hbm>> -> memref<32x128xf32, #tpu.memory_space<hbm>>
    %dma_start3A_346 = arith.constant 0 : i32
    %dma_start3A_347 = arith.constant 0 : i32
    %dma_start3A_348 = tpu.memref_slice %arg8[%dma_start3A_334, %dma_start3A_346, %dma_start3A_347] : memref<4x128x128xf32, #tpu.memory_space<vmem>> -> memref<1x32x128xf32, #tpu.memory_space<vmem>>
    %dma_start3A_349 = tpu.memref_squeeze %dma_start3A_348 : memref<1x32x128xf32, #tpu.memory_space<vmem>> -> memref<32x128xf32, #tpu.memory_space<vmem>>
    tpu.enqueue_dma source(%dma_start3A_349 : memref<32x128xf32, #tpu.memory_space<vmem>>) target(%dma_start3A_345 : memref<32x128xf32, #tpu.memory_space<hbm>>) target_semaphore(%arg11 : memref<!tpu.dma_semaphore, #tpu.memory_space<semaphore_mem>>)
    %add3A_350 = arith.constant 0 : i32
    %add3A_351 = arith.addi %mul3A_2, %add3A_350 : i32
    %dma_start3A_352 = arith.constant 2 : i32
    %dma_start3A_353 = arith.constant 2 : i32
    %dma_start3A_354 = arith.constant 0 : i32
    %dma_start3A_355 = arith.constant 0 : i32
    %dma_start3A_356 = tpu.memref_slice %arg8[%dma_start3A_352, %dma_start3A_354, %dma_start3A_355] : memref<4x128x128xf32, #tpu.memory_space<vmem>> -> memref<1x32x128xf32, #tpu.memory_space<vmem>>
    %dma_start3A_357 = tpu.memref_squeeze %dma_start3A_356 : memref<1x32x128xf32, #tpu.memory_space<vmem>> -> memref<32x128xf32, #tpu.memory_space<vmem>>
    %dma_start3A_358 = arith.constant 0 : i32
    %dma_start3A_359 = tpu.memref_slice %arg5[%dma_start3A_353, %add3A_351, %dma_start3A_358] : memref<4x4096x128xf32, #tpu.memory_space<hbm>> -> memref<1x32x128xf32, #tpu.memory_space<hbm>>
    %dma_start3A_360 = tpu.memref_squeeze %dma_start3A_359 : memref<1x32x128xf32, #tpu.memory_space<hbm>> -> memref<32x128xf32, #tpu.memory_space<hbm>>
    %dma_start3A_361 = arith.constant 0 : i32
    %dma_start3A_362 = tpu.memref_slice %arg5[%dma_start3A_353, %add3A_351, %dma_start3A_361] : memref<4x4096x128xf32, #tpu.memory_space<hbm>> -> memref<1x32x128xf32, #tpu.memory_space<hbm>>
    %dma_start3A_363 = tpu.memref_squeeze %dma_start3A_362 : memref<1x32x128xf32, #tpu.memory_space<hbm>> -> memref<32x128xf32, #tpu.memory_space<hbm>>
    %dma_start3A_364 = arith.constant 0 : i32
    %dma_start3A_365 = arith.constant 0 : i32
    %dma_start3A_366 = tpu.memref_slice %arg8[%dma_start3A_352, %dma_start3A_364, %dma_start3A_365] : memref<4x128x128xf32, #tpu.memory_space<vmem>> -> memref<1x32x128xf32, #tpu.memory_space<vmem>>
    %dma_start3A_367 = tpu.memref_squeeze %dma_start3A_366 : memref<1x32x128xf32, #tpu.memory_space<vmem>> -> memref<32x128xf32, #tpu.memory_space<vmem>>
    tpu.enqueue_dma source(%dma_start3A_367 : memref<32x128xf32, #tpu.memory_space<vmem>>) target(%dma_start3A_363 : memref<32x128xf32, #tpu.memory_space<hbm>>) target_semaphore(%arg11 : memref<!tpu.dma_semaphore, #tpu.memory_space<semaphore_mem>>)
    %add3A_368 = arith.constant 0 : i32
    %add3A_369 = arith.addi %mul3A_2, %add3A_368 : i32
    %dma_start3A_370 = arith.constant 3 : i32
    %dma_start3A_371 = arith.constant 3 : i32
    %dma_start3A_372 = arith.constant 0 : i32
    %dma_start3A_373 = arith.constant 0 : i32
    %dma_start3A_374 = tpu.memref_slice %arg8[%dma_start3A_370, %dma_start3A_372, %dma_start3A_373] : memref<4x128x128xf32, #tpu.memory_space<vmem>> -> memref<1x32x128xf32, #tpu.memory_space<vmem>>
    %dma_start3A_375 = tpu.memref_squeeze %dma_start3A_374 : memref<1x32x128xf32, #tpu.memory_space<vmem>> -> memref<32x128xf32, #tpu.memory_space<vmem>>
    %dma_start3A_376 = arith.constant 0 : i32
    %dma_start3A_377 = tpu.memref_slice %arg5[%dma_start3A_371, %add3A_369, %dma_start3A_376] : memref<4x4096x128xf32, #tpu.memory_space<hbm>> -> memref<1x32x128xf32, #tpu.memory_space<hbm>>
    %dma_start3A_378 = tpu.memref_squeeze %dma_start3A_377 : memref<1x32x128xf32, #tpu.memory_space<hbm>> -> memref<32x128xf32, #tpu.memory_space<hbm>>
    %dma_start3A_379 = arith.constant 0 : i32
    %dma_start3A_380 = tpu.memref_slice %arg5[%dma_start3A_371, %add3A_369, %dma_start3A_379] : memref<4x4096x128xf32, #tpu.memory_space<hbm>> -> memref<1x32x128xf32, #tpu.memory_space<hbm>>
    %dma_start3A_381 = tpu.memref_squeeze %dma_start3A_380 : memref<1x32x128xf32, #tpu.memory_space<hbm>> -> memref<32x128xf32, #tpu.memory_space<hbm>>
    %dma_start3A_382 = arith.constant 0 : i32
    %dma_start3A_383 = arith.constant 0 : i32
    %dma_start3A_384 = tpu.memref_slice %arg8[%dma_start3A_370, %dma_start3A_382, %dma_start3A_383] : memref<4x128x128xf32, #tpu.memory_space<vmem>> -> memref<1x32x128xf32, #tpu.memory_space<vmem>>
    %dma_start3A_385 = tpu.memref_squeeze %dma_start3A_384 : memref<1x32x128xf32, #tpu.memory_space<vmem>> -> memref<32x128xf32, #tpu.memory_space<vmem>>
    tpu.enqueue_dma source(%dma_start3A_385 : memref<32x128xf32, #tpu.memory_space<vmem>>) target(%dma_start3A_381 : memref<32x128xf32, #tpu.memory_space<hbm>>) target_semaphore(%arg11 : memref<!tpu.dma_semaphore, #tpu.memory_space<semaphore_mem>>)
    %dma_wait3A_386 = arith.constant 0 : i32
    %dma_wait3A_387 = arith.constant 0 : i32
    %dma_wait3A_388 = arith.constant 1 : i32
    %dma_wait3A_389 = arith.constant 32 : i32
    %dma_wait3A_390 = arith.constant 0 : i32
    %dma_wait3A_391 = tpu.memref_slice %arg8[%dma_wait3A_387, %dma_wait3A_389, %dma_wait3A_390] : memref<4x128x128xf32, #tpu.memory_space<vmem>> -> memref<1x32x128xf32, #tpu.memory_space<vmem>>
    %dma_wait3A_392 = tpu.memref_squeeze %dma_wait3A_391 : memref<1x32x128xf32, #tpu.memory_space<vmem>> -> memref<32x128xf32, #tpu.memory_space<vmem>>
    %dma_wait3A_393 = arith.constant 32 : i32
    %dma_wait3A_394 = tpu.memref_slice %arg6[%dma_wait3A_386, %dma_wait3A_393] : memref<4x128xi32, #tpu.memory_space<vmem>> -> memref<1x32xi32, #tpu.memory_space<vmem>>
    %dma_wait3A_395 = tpu.memref_squeeze %dma_wait3A_394 : memref<1x32xi32, #tpu.memory_space<vmem>> -> memref<32xi32, #tpu.memory_space<vmem>>
    %dma_wait3A_396 = arith.constant 0 : i32
    %dma_wait3A_397 = arith.constant 0 : i32
    %dma_wait3A_398 = tpu.memref_slice %arg3[%dma_wait3A_396, %dma_wait3A_397] : memref<100000x128xf32, #tpu.memory_space<hbm>> -> memref<100000x128xf32, #tpu.memory_space<hbm>>
    %dma_wait3A_399 = tpu.memref_slice %arg9[%dma_wait3A_388] : memref<5x!tpu.dma_semaphore, #tpu.memory_space<semaphore_mem>> -> memref<1x!tpu.dma_semaphore, #tpu.memory_space<semaphore_mem>>
    %dma_wait3A_400 = tpu.memref_squeeze %dma_wait3A_399 : memref<1x!tpu.dma_semaphore, #tpu.memory_space<semaphore_mem>> -> memref<!tpu.dma_semaphore, #tpu.memory_space<semaphore_mem>>
    tpu.wait_indirect_dma semaphore(%dma_wait3A_400 : memref<!tpu.dma_semaphore, #tpu.memory_space<semaphore_mem>>) src(%dma_wait3A_398 : memref<100000x128xf32, #tpu.memory_space<hbm>>) dst(%dma_wait3A_392 : memref<32x128xf32, #tpu.memory_space<vmem>>)
    %dma_wait3A_401 = arith.constant 1 : i32
    %dma_wait3A_402 = arith.constant 1 : i32
    %dma_wait3A_403 = arith.constant 1 : i32
    %dma_wait3A_404 = arith.constant 32 : i32
    %dma_wait3A_405 = arith.constant 0 : i32
    %dma_wait3A_406 = tpu.memref_slice %arg8[%dma_wait3A_402, %dma_wait3A_404, %dma_wait3A_405] : memref<4x128x128xf32, #tpu.memory_space<vmem>> -> memref<1x32x128xf32, #tpu.memory_space<vmem>>
    %dma_wait3A_407 = tpu.memref_squeeze %dma_wait3A_406 : memref<1x32x128xf32, #tpu.memory_space<vmem>> -> memref<32x128xf32, #tpu.memory_space<vmem>>
    %dma_wait3A_408 = arith.constant 32 : i32
    %dma_wait3A_409 = tpu.memref_slice %arg6[%dma_wait3A_401, %dma_wait3A_408] : memref<4x128xi32, #tpu.memory_space<vmem>> -> memref<1x32xi32, #tpu.memory_space<vmem>>
    %dma_wait3A_410 = tpu.memref_squeeze %dma_wait3A_409 : memref<1x32xi32, #tpu.memory_space<vmem>> -> memref<32xi32, #tpu.memory_space<vmem>>
    %dma_wait3A_411 = arith.constant 0 : i32
    %dma_wait3A_412 = arith.constant 0 : i32
    %dma_wait3A_413 = tpu.memref_slice %arg3[%dma_wait3A_411, %dma_wait3A_412] : memref<100000x128xf32, #tpu.memory_space<hbm>> -> memref<100000x128xf32, #tpu.memory_space<hbm>>
    %dma_wait3A_414 = tpu.memref_slice %arg9[%dma_wait3A_403] : memref<5x!tpu.dma_semaphore, #tpu.memory_space<semaphore_mem>> -> memref<1x!tpu.dma_semaphore, #tpu.memory_space<semaphore_mem>>
    %dma_wait3A_415 = tpu.memref_squeeze %dma_wait3A_414 : memref<1x!tpu.dma_semaphore, #tpu.memory_space<semaphore_mem>> -> memref<!tpu.dma_semaphore, #tpu.memory_space<semaphore_mem>>
    tpu.wait_indirect_dma semaphore(%dma_wait3A_415 : memref<!tpu.dma_semaphore, #tpu.memory_space<semaphore_mem>>) src(%dma_wait3A_413 : memref<100000x128xf32, #tpu.memory_space<hbm>>) dst(%dma_wait3A_407 : memref<32x128xf32, #tpu.memory_space<vmem>>)
    %dma_wait3A_416 = arith.constant 2 : i32
    %dma_wait3A_417 = arith.constant 2 : i32
    %dma_wait3A_418 = arith.constant 1 : i32
    %dma_wait3A_419 = arith.constant 32 : i32
    %dma_wait3A_420 = arith.constant 0 : i32
    %dma_wait3A_421 = tpu.memref_slice %arg8[%dma_wait3A_417, %dma_wait3A_419, %dma_wait3A_420] : memref<4x128x128xf32, #tpu.memory_space<vmem>> -> memref<1x32x128xf32, #tpu.memory_space<vmem>>
    %dma_wait3A_422 = tpu.memref_squeeze %dma_wait3A_421 : memref<1x32x128xf32, #tpu.memory_space<vmem>> -> memref<32x128xf32, #tpu.memory_space<vmem>>
    %dma_wait3A_423 = arith.constant 32 : i32
    %dma_wait3A_424 = tpu.memref_slice %arg6[%dma_wait3A_416, %dma_wait3A_423] : memref<4x128xi32, #tpu.memory_space<vmem>> -> memref<1x32xi32, #tpu.memory_space<vmem>>
    %dma_wait3A_425 = tpu.memref_squeeze %dma_wait3A_424 : memref<1x32xi32, #tpu.memory_space<vmem>> -> memref<32xi32, #tpu.memory_space<vmem>>
    %dma_wait3A_426 = arith.constant 0 : i32
    %dma_wait3A_427 = arith.constant 0 : i32
    %dma_wait3A_428 = tpu.memref_slice %arg3[%dma_wait3A_426, %dma_wait3A_427] : memref<100000x128xf32, #tpu.memory_space<hbm>> -> memref<100000x128xf32, #tpu.memory_space<hbm>>
    %dma_wait3A_429 = tpu.memref_slice %arg9[%dma_wait3A_418] : memref<5x!tpu.dma_semaphore, #tpu.memory_space<semaphore_mem>> -> memref<1x!tpu.dma_semaphore, #tpu.memory_space<semaphore_mem>>
    %dma_wait3A_430 = tpu.memref_squeeze %dma_wait3A_429 : memref<1x!tpu.dma_semaphore, #tpu.memory_space<semaphore_mem>> -> memref<!tpu.dma_semaphore, #tpu.memory_space<semaphore_mem>>
    tpu.wait_indirect_dma semaphore(%dma_wait3A_430 : memref<!tpu.dma_semaphore, #tpu.memory_space<semaphore_mem>>) src(%dma_wait3A_428 : memref<100000x128xf32, #tpu.memory_space<hbm>>) dst(%dma_wait3A_422 : memref<32x128xf32, #tpu.memory_space<vmem>>)
    %dma_wait3A_431 = arith.constant 3 : i32
    %dma_wait3A_432 = arith.constant 3 : i32
    %dma_wait3A_433 = arith.constant 1 : i32
    %dma_wait3A_434 = arith.constant 32 : i32
    %dma_wait3A_435 = arith.constant 0 : i32
    %dma_wait3A_436 = tpu.memref_slice %arg8[%dma_wait3A_432, %dma_wait3A_434, %dma_wait3A_435] : memref<4x128x128xf32, #tpu.memory_space<vmem>> -> memref<1x32x128xf32, #tpu.memory_space<vmem>>
    %dma_wait3A_437 = tpu.memref_squeeze %dma_wait3A_436 : memref<1x32x128xf32, #tpu.memory_space<vmem>> -> memref<32x128xf32, #tpu.memory_space<vmem>>
    %dma_wait3A_438 = arith.constant 32 : i32
    %dma_wait3A_439 = tpu.memref_slice %arg6[%dma_wait3A_431, %dma_wait3A_438] : memref<4x128xi32, #tpu.memory_space<vmem>> -> memref<1x32xi32, #tpu.memory_space<vmem>>
    %dma_wait3A_440 = tpu.memref_squeeze %dma_wait3A_439 : memref<1x32xi32, #tpu.memory_space<vmem>> -> memref<32xi32, #tpu.memory_space<vmem>>
    %dma_wait3A_441 = arith.constant 0 : i32
    %dma_wait3A_442 = arith.constant 0 : i32
    %dma_wait3A_443 = tpu.memref_slice %arg3[%dma_wait3A_441, %dma_wait3A_442] : memref<100000x128xf32, #tpu.memory_space<hbm>> -> memref<100000x128xf32, #tpu.memory_space<hbm>>
    %dma_wait3A_444 = tpu.memref_slice %arg9[%dma_wait3A_433] : memref<5x!tpu.dma_semaphore, #tpu.memory_space<semaphore_mem>> -> memref<1x!tpu.dma_semaphore, #tpu.memory_space<semaphore_mem>>
    %dma_wait3A_445 = tpu.memref_squeeze %dma_wait3A_444 : memref<1x!tpu.dma_semaphore, #tpu.memory_space<semaphore_mem>> -> memref<!tpu.dma_semaphore, #tpu.memory_space<semaphore_mem>>
    tpu.wait_indirect_dma semaphore(%dma_wait3A_445 : memref<!tpu.dma_semaphore, #tpu.memory_space<semaphore_mem>>) src(%dma_wait3A_443 : memref<100000x128xf32, #tpu.memory_space<hbm>>) dst(%dma_wait3A_437 : memref<32x128xf32, #tpu.memory_space<vmem>>)
    %scan3A_446 = arith.constant 0 : i32
    %scan3A_447 = arith.constant 32 : i32
    %scan3A_448 = arith.constant 32 : i32
    %scan3A_449 = arith.addi %scan3A_447, %scan3A_448 : i32
    %scan3A_450 = arith.constant 1 : i32
    scf.for %scan3A_1056 = %scan3A_447 to %scan3A_449 step %scan3A_450  : i32 {
      %get3A = arith.index_cast %scan3A_1056 : i32 to index
      %get3A_1057 = arith.constant 0 : index
      %get3A_1058 = tpu.vector_load %arg7[%get3A, %get3A_1057] {strides = array<i32>} : memref<128x128xf32, #tpu.memory_space<vmem>>, vector<1x16xf32>,
      %get3A_1059 = vector.shape_cast %get3A_1058 : vector<1x16xf32> to vector<16xf32>
      %swap3A = arith.constant 0 : i32
      %swap3A_1060 = arith.index_cast %swap3A : i32 to index
      %swap3A_1061 = arith.index_cast %scan3A_1056 : i32 to index
      %swap3A_1062 = arith.constant 0 : index
      %swap3A_1063 = tpu.vector_load %arg8[%swap3A_1060, %swap3A_1061, %swap3A_1062] {strides = array<i32>} : memref<4x128x128xf32, #tpu.memory_space<vmem>>, vector<1x1x16xf32>,
      %swap3A_1064 = vector.shape_cast %swap3A_1063 : vector<1x1x16xf32> to vector<16xf32>
      %swap3A_1065 = vector.shape_cast %get3A_1059 : vector<16xf32> to vector<1x1x16xf32>
      tpu.vector_store %arg8[%swap3A_1060, %swap3A_1061, %swap3A_1062], %swap3A_1065 {add = true, strides = array<i32>} : memref<4x128x128xf32, #tpu.memory_space<vmem>>, vector<1x1x16xf32>,
      %swap3A_1066 = arith.constant 1 : i32
      %swap3A_1067 = arith.index_cast %swap3A_1066 : i32 to index
      %swap3A_1068 = arith.index_cast %scan3A_1056 : i32 to index
      %swap3A_1069 = arith.constant 0 : index
      %swap3A_1070 = tpu.vector_load %arg8[%swap3A_1067, %swap3A_1068, %swap3A_1069] {strides = array<i32>} : memref<4x128x128xf32, #tpu.memory_space<vmem>>, vector<1x1x16xf32>,
      %swap3A_1071 = vector.shape_cast %swap3A_1070 : vector<1x1x16xf32> to vector<16xf32>
      %swap3A_1072 = vector.shape_cast %get3A_1059 : vector<16xf32> to vector<1x1x16xf32>
      tpu.vector_store %arg8[%swap3A_1067, %swap3A_1068, %swap3A_1069], %swap3A_1072 {add = true, strides = array<i32>} : memref<4x128x128xf32, #tpu.memory_space<vmem>>, vector<1x1x16xf32>,
      %swap3A_1073 = arith.constant 2 : i32
      %swap3A_1074 = arith.index_cast %swap3A_1073 : i32 to index
      %swap3A_1075 = arith.index_cast %scan3A_1056 : i32 to index
      %swap3A_1076 = arith.constant 0 : index
      %swap3A_1077 = tpu.vector_load %arg8[%swap3A_1074, %swap3A_1075, %swap3A_1076] {strides = array<i32>} : memref<4x128x128xf32, #tpu.memory_space<vmem>>, vector<1x1x16xf32>,
      %swap3A_1078 = vector.shape_cast %swap3A_1077 : vector<1x1x16xf32> to vector<16xf32>
      %swap3A_1079 = vector.shape_cast %get3A_1059 : vector<16xf32> to vector<1x1x16xf32>
      tpu.vector_store %arg8[%swap3A_1074, %swap3A_1075, %swap3A_1076], %swap3A_1079 {add = true, strides = array<i32>} : memref<4x128x128xf32, #tpu.memory_space<vmem>>, vector<1x1x16xf32>,
      %swap3A_1080 = arith.constant 3 : i32
      %swap3A_1081 = arith.index_cast %swap3A_1080 : i32 to index
      %swap3A_1082 = arith.index_cast %scan3A_1056 : i32 to index
      %swap3A_1083 = arith.constant 0 : index
      %swap3A_1084 = tpu.vector_load %arg8[%swap3A_1081, %swap3A_1082, %swap3A_1083] {strides = array<i32>} : memref<4x128x128xf32, #tpu.memory_space<vmem>>, vector<1x1x16xf32>,
      %swap3A_1085 = vector.shape_cast %swap3A_1084 : vector<1x1x16xf32> to vector<16xf32>
      %swap3A_1086 = vector.shape_cast %get3A_1059 : vector<16xf32> to vector<1x1x16xf32>
      tpu.vector_store %arg8[%swap3A_1081, %swap3A_1082, %swap3A_1083], %swap3A_1086 {add = true, strides = array<i32>} : memref<4x128x128xf32, #tpu.memory_space<vmem>>, vector<1x1x16xf32>,
      %get3A_1087 = arith.index_cast %scan3A_1056 : i32 to index
      %get3A_1088 = arith.constant 16 : index
      %get3A_1089 = tpu.vector_load %arg7[%get3A_1087, %get3A_1088] {strides = array<i32>} : memref<128x128xf32, #tpu.memory_space<vmem>>, vector<1x16xf32>,
      %get3A_1090 = vector.shape_cast %get3A_1089 : vector<1x16xf32> to vector<16xf32>
      %swap3A_1091 = arith.constant 0 : i32
      %swap3A_1092 = arith.index_cast %swap3A_1091 : i32 to index
      %swap3A_1093 = arith.index_cast %scan3A_1056 : i32 to index
      %swap3A_1094 = arith.constant 16 : index
      %swap3A_1095 = tpu.vector_load %arg8[%swap3A_1092, %swap3A_1093, %swap3A_1094] {strides = array<i32>} : memref<4x128x128xf32, #tpu.memory_space<vmem>>, vector<1x1x16xf32>,
      %swap3A_1096 = vector.shape_cast %swap3A_1095 : vector<1x1x16xf32> to vector<16xf32>
      %swap3A_1097 = vector.shape_cast %get3A_1090 : vector<16xf32> to vector<1x1x16xf32>
      tpu.vector_store %arg8[%swap3A_1092, %swap3A_1093, %swap3A_1094], %swap3A_1097 {add = true, strides = array<i32>} : memref<4x128x128xf32, #tpu.memory_space<vmem>>, vector<1x1x16xf32>,
      %swap3A_1098 = arith.constant 1 : i32
      %swap3A_1099 = arith.index_cast %swap3A_1098 : i32 to index
      %swap3A_1100 = arith.index_cast %scan3A_1056 : i32 to index
      %swap3A_1101 = arith.constant 16 : index
      %swap3A_1102 = tpu.vector_load %arg8[%swap3A_1099, %swap3A_1100, %swap3A_1101] {strides = array<i32>} : memref<4x128x128xf32, #tpu.memory_space<vmem>>, vector<1x1x16xf32>,
      %swap3A_1103 = vector.shape_cast %swap3A_1102 : vector<1x1x16xf32> to vector<16xf32>
      %swap3A_1104 = vector.shape_cast %get3A_1090 : vector<16xf32> to vector<1x1x16xf32>
      tpu.vector_store %arg8[%swap3A_1099, %swap3A_1100, %swap3A_1101], %swap3A_1104 {add = true, strides = array<i32>} : memref<4x128x128xf32, #tpu.memory_space<vmem>>, vector<1x1x16xf32>,
      %swap3A_1105 = arith.constant 2 : i32
      %swap3A_1106 = arith.index_cast %swap3A_1105 : i32 to index
      %swap3A_1107 = arith.index_cast %scan3A_1056 : i32 to index
      %swap3A_1108 = arith.constant 16 : index
      %swap3A_1109 = tpu.vector_load %arg8[%swap3A_1106, %swap3A_1107, %swap3A_1108] {strides = array<i32>} : memref<4x128x128xf32, #tpu.memory_space<vmem>>, vector<1x1x16xf32>,
      %swap3A_1110 = vector.shape_cast %swap3A_1109 : vector<1x1x16xf32> to vector<16xf32>
      %swap3A_1111 = vector.shape_cast %get3A_1090 : vector<16xf32> to vector<1x1x16xf32>
      tpu.vector_store %arg8[%swap3A_1106, %swap3A_1107, %swap3A_1108], %swap3A_1111 {add = true, strides = array<i32>} : memref<4x128x128xf32, #tpu.memory_space<vmem>>, vector<1x1x16xf32>,
      %swap3A_1112 = arith.constant 3 : i32
      %swap3A_1113 = arith.index_cast %swap3A_1112 : i32 to index
      %swap3A_1114 = arith.index_cast %scan3A_1056 : i32 to index
      %swap3A_1115 = arith.constant 16 : index
      %swap3A_1116 = tpu.vector_load %arg8[%swap3A_1113, %swap3A_1114, %swap3A_1115] {strides = array<i32>} : memref<4x128x128xf32, #tpu.memory_space<vmem>>, vector<1x1x16xf32>,
      %swap3A_1117 = vector.shape_cast %swap3A_1116 : vector<1x1x16xf32> to vector<16xf32>
      %swap3A_1118 = vector.shape_cast %get3A_1090 : vector<16xf32> to vector<1x1x16xf32>
      tpu.vector_store %arg8[%swap3A_1113, %swap3A_1114, %swap3A_1115], %swap3A_1118 {add = true, strides = array<i32>} : memref<4x128x128xf32, #tpu.memory_space<vmem>>, vector<1x1x16xf32>,
      %get3A_1119 = arith.index_cast %scan3A_1056 : i32 to index
      %get3A_1120 = arith.constant 32 : index
      %get3A_1121 = tpu.vector_load %arg7[%get3A_1119, %get3A_1120] {strides = array<i32>} : memref<128x128xf32, #tpu.memory_space<vmem>>, vector<1x16xf32>,
      %get3A_1122 = vector.shape_cast %get3A_1121 : vector<1x16xf32> to vector<16xf32>
      %swap3A_1123 = arith.constant 0 : i32
      %swap3A_1124 = arith.index_cast %swap3A_1123 : i32 to index
      %swap3A_1125 = arith.index_cast %scan3A_1056 : i32 to index
      %swap3A_1126 = arith.constant 32 : index
      %swap3A_1127 = tpu.vector_load %arg8[%swap3A_1124, %swap3A_1125, %swap3A_1126] {strides = array<i32>} : memref<4x128x128xf32, #tpu.memory_space<vmem>>, vector<1x1x16xf32>,
      %swap3A_1128 = vector.shape_cast %swap3A_1127 : vector<1x1x16xf32> to vector<16xf32>
      %swap3A_1129 = vector.shape_cast %get3A_1122 : vector<16xf32> to vector<1x1x16xf32>
      tpu.vector_store %arg8[%swap3A_1124, %swap3A_1125, %swap3A_1126], %swap3A_1129 {add = true, strides = array<i32>} : memref<4x128x128xf32, #tpu.memory_space<vmem>>, vector<1x1x16xf32>,
      %swap3A_1130 = arith.constant 1 : i32
      %swap3A_1131 = arith.index_cast %swap3A_1130 : i32 to index
      %swap3A_1132 = arith.index_cast %scan3A_1056 : i32 to index
      %swap3A_1133 = arith.constant 32 : index
      %swap3A_1134 = tpu.vector_load %arg8[%swap3A_1131, %swap3A_1132, %swap3A_1133] {strides = array<i32>} : memref<4x128x128xf32, #tpu.memory_space<vmem>>, vector<1x1x16xf32>,
      %swap3A_1135 = vector.shape_cast %swap3A_1134 : vector<1x1x16xf32> to vector<16xf32>
      %swap3A_1136 = vector.shape_cast %get3A_1122 : vector<16xf32> to vector<1x1x16xf32>
      tpu.vector_store %arg8[%swap3A_1131, %swap3A_1132, %swap3A_1133], %swap3A_1136 {add = true, strides = array<i32>} : memref<4x128x128xf32, #tpu.memory_space<vmem>>, vector<1x1x16xf32>,
      %swap3A_1137 = arith.constant 2 : i32
      %swap3A_1138 = arith.index_cast %swap3A_1137 : i32 to index
      %swap3A_1139 = arith.index_cast %scan3A_1056 : i32 to index
      %swap3A_1140 = arith.constant 32 : index
      %swap3A_1141 = tpu.vector_load %arg8[%swap3A_1138, %swap3A_1139, %swap3A_1140] {strides = array<i32>} : memref<4x128x128xf32, #tpu.memory_space<vmem>>, vector<1x1x16xf32>,
      %swap3A_1142 = vector.shape_cast %swap3A_1141 : vector<1x1x16xf32> to vector<16xf32>
      %swap3A_1143 = vector.shape_cast %get3A_1122 : vector<16xf32> to vector<1x1x16xf32>
      tpu.vector_store %arg8[%swap3A_1138, %swap3A_1139, %swap3A_1140], %swap3A_1143 {add = true, strides = array<i32>} : memref<4x128x128xf32, #tpu.memory_space<vmem>>, vector<1x1x16xf32>,
      %swap3A_1144 = arith.constant 3 : i32
      %swap3A_1145 = arith.index_cast %swap3A_1144 : i32 to index
      %swap3A_1146 = arith.index_cast %scan3A_1056 : i32 to index
      %swap3A_1147 = arith.constant 32 : index
      %swap3A_1148 = tpu.vector_load %arg8[%swap3A_1145, %swap3A_1146, %swap3A_1147] {strides = array<i32>} : memref<4x128x128xf32, #tpu.memory_space<vmem>>, vector<1x1x16xf32>,
      %swap3A_1149 = vector.shape_cast %swap3A_1148 : vector<1x1x16xf32> to vector<16xf32>
      %swap3A_1150 = vector.shape_cast %get3A_1122 : vector<16xf32> to vector<1x1x16xf32>
      tpu.vector_store %arg8[%swap3A_1145, %swap3A_1146, %swap3A_1147], %swap3A_1150 {add = true, strides = array<i32>} : memref<4x128x128xf32, #tpu.memory_space<vmem>>, vector<1x1x16xf32>,
      %get3A_1151 = arith.index_cast %scan3A_1056 : i32 to index
      %get3A_1152 = arith.constant 48 : index
      %get3A_1153 = tpu.vector_load %arg7[%get3A_1151, %get3A_1152] {strides = array<i32>} : memref<128x128xf32, #tpu.memory_space<vmem>>, vector<1x16xf32>,
      %get3A_1154 = vector.shape_cast %get3A_1153 : vector<1x16xf32> to vector<16xf32>
      %swap3A_1155 = arith.constant 0 : i32
      %swap3A_1156 = arith.index_cast %swap3A_1155 : i32 to index
      %swap3A_1157 = arith.index_cast %scan3A_1056 : i32 to index
      %swap3A_1158 = arith.constant 48 : index
      %swap3A_1159 = tpu.vector_load %arg8[%swap3A_1156, %swap3A_1157, %swap3A_1158] {strides = array<i32>} : memref<4x128x128xf32, #tpu.memory_space<vmem>>, vector<1x1x16xf32>,
      %swap3A_1160 = vector.shape_cast %swap3A_1159 : vector<1x1x16xf32> to vector<16xf32>
      %swap3A_1161 = vector.shape_cast %get3A_1154 : vector<16xf32> to vector<1x1x16xf32>
      tpu.vector_store %arg8[%swap3A_1156, %swap3A_1157, %swap3A_1158], %swap3A_1161 {add = true, strides = array<i32>} : memref<4x128x128xf32, #tpu.memory_space<vmem>>, vector<1x1x16xf32>,
      %swap3A_1162 = arith.constant 1 : i32
      %swap3A_1163 = arith.index_cast %swap3A_1162 : i32 to index
      %swap3A_1164 = arith.index_cast %scan3A_1056 : i32 to index
      %swap3A_1165 = arith.constant 48 : index
      %swap3A_1166 = tpu.vector_load %arg8[%swap3A_1163, %swap3A_1164, %swap3A_1165] {strides = array<i32>} : memref<4x128x128xf32, #tpu.memory_space<vmem>>, vector<1x1x16xf32>,
      %swap3A_1167 = vector.shape_cast %swap3A_1166 : vector<1x1x16xf32> to vector<16xf32>
      %swap3A_1168 = vector.shape_cast %get3A_1154 : vector<16xf32> to vector<1x1x16xf32>
      tpu.vector_store %arg8[%swap3A_1163, %swap3A_1164, %swap3A_1165], %swap3A_1168 {add = true, strides = array<i32>} : memref<4x128x128xf32, #tpu.memory_space<vmem>>, vector<1x1x16xf32>,
      %swap3A_1169 = arith.constant 2 : i32
      %swap3A_1170 = arith.index_cast %swap3A_1169 : i32 to index
      %swap3A_1171 = arith.index_cast %scan3A_1056 : i32 to index
      %swap3A_1172 = arith.constant 48 : index
      %swap3A_1173 = tpu.vector_load %arg8[%swap3A_1170, %swap3A_1171, %swap3A_1172] {strides = array<i32>} : memref<4x128x128xf32, #tpu.memory_space<vmem>>, vector<1x1x16xf32>,
      %swap3A_1174 = vector.shape_cast %swap3A_1173 : vector<1x1x16xf32> to vector<16xf32>
      %swap3A_1175 = vector.shape_cast %get3A_1154 : vector<16xf32> to vector<1x1x16xf32>
      tpu.vector_store %arg8[%swap3A_1170, %swap3A_1171, %swap3A_1172], %swap3A_1175 {add = true, strides = array<i32>} : memref<4x128x128xf32, #tpu.memory_space<vmem>>, vector<1x1x16xf32>,
      %swap3A_1176 = arith.constant 3 : i32
      %swap3A_1177 = arith.index_cast %swap3A_1176 : i32 to index
      %swap3A_1178 = arith.index_cast %scan3A_1056 : i32 to index
      %swap3A_1179 = arith.constant 48 : index
      %swap3A_1180 = tpu.vector_load %arg8[%swap3A_1177, %swap3A_1178, %swap3A_1179] {strides = array<i32>} : memref<4x128x128xf32, #tpu.memory_space<vmem>>, vector<1x1x16xf32>,
      %swap3A_1181 = vector.shape_cast %swap3A_1180 : vector<1x1x16xf32> to vector<16xf32>
      %swap3A_1182 = vector.shape_cast %get3A_1154 : vector<16xf32> to vector<1x1x16xf32>
      tpu.vector_store %arg8[%swap3A_1177, %swap3A_1178, %swap3A_1179], %swap3A_1182 {add = true, strides = array<i32>} : memref<4x128x128xf32, #tpu.memory_space<vmem>>, vector<1x1x16xf32>,
      %get3A_1183 = arith.index_cast %scan3A_1056 : i32 to index
      %get3A_1184 = arith.constant 64 : index
      %get3A_1185 = tpu.vector_load %arg7[%get3A_1183, %get3A_1184] {strides = array<i32>} : memref<128x128xf32, #tpu.memory_space<vmem>>, vector<1x16xf32>,
      %get3A_1186 = vector.shape_cast %get3A_1185 : vector<1x16xf32> to vector<16xf32>
      %swap3A_1187 = arith.constant 0 : i32
      %swap3A_1188 = arith.index_cast %swap3A_1187 : i32 to index
      %swap3A_1189 = arith.index_cast %scan3A_1056 : i32 to index
      %swap3A_1190 = arith.constant 64 : index
      %swap3A_1191 = tpu.vector_load %arg8[%swap3A_1188, %swap3A_1189, %swap3A_1190] {strides = array<i32>} : memref<4x128x128xf32, #tpu.memory_space<vmem>>, vector<1x1x16xf32>,
      %swap3A_1192 = vector.shape_cast %swap3A_1191 : vector<1x1x16xf32> to vector<16xf32>
      %swap3A_1193 = vector.shape_cast %get3A_1186 : vector<16xf32> to vector<1x1x16xf32>
      tpu.vector_store %arg8[%swap3A_1188, %swap3A_1189, %swap3A_1190], %swap3A_1193 {add = true, strides = array<i32>} : memref<4x128x128xf32, #tpu.memory_space<vmem>>, vector<1x1x16xf32>,
      %swap3A_1194 = arith.constant 1 : i32
      %swap3A_1195 = arith.index_cast %swap3A_1194 : i32 to index
      %swap3A_1196 = arith.index_cast %scan3A_1056 : i32 to index
      %swap3A_1197 = arith.constant 64 : index
      %swap3A_1198 = tpu.vector_load %arg8[%swap3A_1195, %swap3A_1196, %swap3A_1197] {strides = array<i32>} : memref<4x128x128xf32, #tpu.memory_space<vmem>>, vector<1x1x16xf32>,
      %swap3A_1199 = vector.shape_cast %swap3A_1198 : vector<1x1x16xf32> to vector<16xf32>
      %swap3A_1200 = vector.shape_cast %get3A_1186 : vector<16xf32> to vector<1x1x16xf32>
      tpu.vector_store %arg8[%swap3A_1195, %swap3A_1196, %swap3A_1197], %swap3A_1200 {add = true, strides = array<i32>} : memref<4x128x128xf32, #tpu.memory_space<vmem>>, vector<1x1x16xf32>,
      %swap3A_1201 = arith.constant 2 : i32
      %swap3A_1202 = arith.index_cast %swap3A_1201 : i32 to index
      %swap3A_1203 = arith.index_cast %scan3A_1056 : i32 to index
      %swap3A_1204 = arith.constant 64 : index
      %swap3A_1205 = tpu.vector_load %arg8[%swap3A_1202, %swap3A_1203, %swap3A_1204] {strides = array<i32>} : memref<4x128x128xf32, #tpu.memory_space<vmem>>, vector<1x1x16xf32>,
      %swap3A_1206 = vector.shape_cast %swap3A_1205 : vector<1x1x16xf32> to vector<16xf32>
      %swap3A_1207 = vector.shape_cast %get3A_1186 : vector<16xf32> to vector<1x1x16xf32>
      tpu.vector_store %arg8[%swap3A_1202, %swap3A_1203, %swap3A_1204], %swap3A_1207 {add = true, strides = array<i32>} : memref<4x128x128xf32, #tpu.memory_space<vmem>>, vector<1x1x16xf32>,
      %swap3A_1208 = arith.constant 3 : i32
      %swap3A_1209 = arith.index_cast %swap3A_1208 : i32 to index
      %swap3A_1210 = arith.index_cast %scan3A_1056 : i32 to index
      %swap3A_1211 = arith.constant 64 : index
      %swap3A_1212 = tpu.vector_load %arg8[%swap3A_1209, %swap3A_1210, %swap3A_1211] {strides = array<i32>} : memref<4x128x128xf32, #tpu.memory_space<vmem>>, vector<1x1x16xf32>,
      %swap3A_1213 = vector.shape_cast %swap3A_1212 : vector<1x1x16xf32> to vector<16xf32>
      %swap3A_1214 = vector.shape_cast %get3A_1186 : vector<16xf32> to vector<1x1x16xf32>
      tpu.vector_store %arg8[%swap3A_1209, %swap3A_1210, %swap3A_1211], %swap3A_1214 {add = true, strides = array<i32>} : memref<4x128x128xf32, #tpu.memory_space<vmem>>, vector<1x1x16xf32>,
      %get3A_1215 = arith.index_cast %scan3A_1056 : i32 to index
      %get3A_1216 = arith.constant 80 : index
      %get3A_1217 = tpu.vector_load %arg7[%get3A_1215, %get3A_1216] {strides = array<i32>} : memref<128x128xf32, #tpu.memory_space<vmem>>, vector<1x16xf32>,
      %get3A_1218 = vector.shape_cast %get3A_1217 : vector<1x16xf32> to vector<16xf32>
      %swap3A_1219 = arith.constant 0 : i32
      %swap3A_1220 = arith.index_cast %swap3A_1219 : i32 to index
      %swap3A_1221 = arith.index_cast %scan3A_1056 : i32 to index
      %swap3A_1222 = arith.constant 80 : index
      %swap3A_1223 = tpu.vector_load %arg8[%swap3A_1220, %swap3A_1221, %swap3A_1222] {strides = array<i32>} : memref<4x128x128xf32, #tpu.memory_space<vmem>>, vector<1x1x16xf32>,
      %swap3A_1224 = vector.shape_cast %swap3A_1223 : vector<1x1x16xf32> to vector<16xf32>
      %swap3A_1225 = vector.shape_cast %get3A_1218 : vector<16xf32> to vector<1x1x16xf32>
      tpu.vector_store %arg8[%swap3A_1220, %swap3A_1221, %swap3A_1222], %swap3A_1225 {add = true, strides = array<i32>} : memref<4x128x128xf32, #tpu.memory_space<vmem>>, vector<1x1x16xf32>,
      %swap3A_1226 = arith.constant 1 : i32
      %swap3A_1227 = arith.index_cast %swap3A_1226 : i32 to index
      %swap3A_1228 = arith.index_cast %scan3A_1056 : i32 to index
      %swap3A_1229 = arith.constant 80 : index
      %swap3A_1230 = tpu.vector_load %arg8[%swap3A_1227, %swap3A_1228, %swap3A_1229] {strides = array<i32>} : memref<4x128x128xf32, #tpu.memory_space<vmem>>, vector<1x1x16xf32>,
      %swap3A_1231 = vector.shape_cast %swap3A_1230 : vector<1x1x16xf32> to vector<16xf32>
      %swap3A_1232 = vector.shape_cast %get3A_1218 : vector<16xf32> to vector<1x1x16xf32>
      tpu.vector_store %arg8[%swap3A_1227, %swap3A_1228, %swap3A_1229], %swap3A_1232 {add = true, strides = array<i32>} : memref<4x128x128xf32, #tpu.memory_space<vmem>>, vector<1x1x16xf32>,
      %swap3A_1233 = arith.constant 2 : i32
      %swap3A_1234 = arith.index_cast %swap3A_1233 : i32 to index
      %swap3A_1235 = arith.index_cast %scan3A_1056 : i32 to index
      %swap3A_1236 = arith.constant 80 : index
      %swap3A_1237 = tpu.vector_load %arg8[%swap3A_1234, %swap3A_1235, %swap3A_1236] {strides = array<i32>} : memref<4x128x128xf32, #tpu.memory_space<vmem>>, vector<1x1x16xf32>,
      %swap3A_1238 = vector.shape_cast %swap3A_1237 : vector<1x1x16xf32> to vector<16xf32>
      %swap3A_1239 = vector.shape_cast %get3A_1218 : vector<16xf32> to vector<1x1x16xf32>
      tpu.vector_store %arg8[%swap3A_1234, %swap3A_1235, %swap3A_1236], %swap3A_1239 {add = true, strides = array<i32>} : memref<4x128x128xf32, #tpu.memory_space<vmem>>, vector<1x1x16xf32>,
      %swap3A_1240 = arith.constant 3 : i32
      %swap3A_1241 = arith.index_cast %swap3A_1240 : i32 to index
      %swap3A_1242 = arith.index_cast %scan3A_1056 : i32 to index
      %swap3A_1243 = arith.constant 80 : index
      %swap3A_1244 = tpu.vector_load %arg8[%swap3A_1241, %swap3A_1242, %swap3A_1243] {strides = array<i32>} : memref<4x128x128xf32, #tpu.memory_space<vmem>>, vector<1x1x16xf32>,
      %swap3A_1245 = vector.shape_cast %swap3A_1244 : vector<1x1x16xf32> to vector<16xf32>
      %swap3A_1246 = vector.shape_cast %get3A_1218 : vector<16xf32> to vector<1x1x16xf32>
      tpu.vector_store %arg8[%swap3A_1241, %swap3A_1242, %swap3A_1243], %swap3A_1246 {add = true, strides = array<i32>} : memref<4x128x128xf32, #tpu.memory_space<vmem>>, vector<1x1x16xf32>,
      %get3A_1247 = arith.index_cast %scan3A_1056 : i32 to index
      %get3A_1248 = arith.constant 96 : index
      %get3A_1249 = tpu.vector_load %arg7[%get3A_1247, %get3A_1248] {strides = array<i32>} : memref<128x128xf32, #tpu.memory_space<vmem>>, vector<1x16xf32>,
      %get3A_1250 = vector.shape_cast %get3A_1249 : vector<1x16xf32> to vector<16xf32>
      %swap3A_1251 = arith.constant 0 : i32
      %swap3A_1252 = arith.index_cast %swap3A_1251 : i32 to index
      %swap3A_1253 = arith.index_cast %scan3A_1056 : i32 to index
      %swap3A_1254 = arith.constant 96 : index
      %swap3A_1255 = tpu.vector_load %arg8[%swap3A_1252, %swap3A_1253, %swap3A_1254] {strides = array<i32>} : memref<4x128x128xf32, #tpu.memory_space<vmem>>, vector<1x1x16xf32>,
      %swap3A_1256 = vector.shape_cast %swap3A_1255 : vector<1x1x16xf32> to vector<16xf32>
      %swap3A_1257 = vector.shape_cast %get3A_1250 : vector<16xf32> to vector<1x1x16xf32>
      tpu.vector_store %arg8[%swap3A_1252, %swap3A_1253, %swap3A_1254], %swap3A_1257 {add = true, strides = array<i32>} : memref<4x128x128xf32, #tpu.memory_space<vmem>>, vector<1x1x16xf32>,
      %swap3A_1258 = arith.constant 1 : i32
      %swap3A_1259 = arith.index_cast %swap3A_1258 : i32 to index
      %swap3A_1260 = arith.index_cast %scan3A_1056 : i32 to index
      %swap3A_1261 = arith.constant 96 : index
      %swap3A_1262 = tpu.vector_load %arg8[%swap3A_1259, %swap3A_1260, %swap3A_1261] {strides = array<i32>} : memref<4x128x128xf32, #tpu.memory_space<vmem>>, vector<1x1x16xf32>,
      %swap3A_1263 = vector.shape_cast %swap3A_1262 : vector<1x1x16xf32> to vector<16xf32>
      %swap3A_1264 = vector.shape_cast %get3A_1250 : vector<16xf32> to vector<1x1x16xf32>
      tpu.vector_store %arg8[%swap3A_1259, %swap3A_1260, %swap3A_1261], %swap3A_1264 {add = true, strides = array<i32>} : memref<4x128x128xf32, #tpu.memory_space<vmem>>, vector<1x1x16xf32>,
      %swap3A_1265 = arith.constant 2 : i32
      %swap3A_1266 = arith.index_cast %swap3A_1265 : i32 to index
      %swap3A_1267 = arith.index_cast %scan3A_1056 : i32 to index
      %swap3A_1268 = arith.constant 96 : index
      %swap3A_1269 = tpu.vector_load %arg8[%swap3A_1266, %swap3A_1267, %swap3A_1268] {strides = array<i32>} : memref<4x128x128xf32, #tpu.memory_space<vmem>>, vector<1x1x16xf32>,
      %swap3A_1270 = vector.shape_cast %swap3A_1269 : vector<1x1x16xf32> to vector<16xf32>
      %swap3A_1271 = vector.shape_cast %get3A_1250 : vector<16xf32> to vector<1x1x16xf32>
      tpu.vector_store %arg8[%swap3A_1266, %swap3A_1267, %swap3A_1268], %swap3A_1271 {add = true, strides = array<i32>} : memref<4x128x128xf32, #tpu.memory_space<vmem>>, vector<1x1x16xf32>,
      %swap3A_1272 = arith.constant 3 : i32
      %swap3A_1273 = arith.index_cast %swap3A_1272 : i32 to index
      %swap3A_1274 = arith.index_cast %scan3A_1056 : i32 to index
      %swap3A_1275 = arith.constant 96 : index
      %swap3A_1276 = tpu.vector_load %arg8[%swap3A_1273, %swap3A_1274, %swap3A_1275] {strides = array<i32>} : memref<4x128x128xf32, #tpu.memory_space<vmem>>, vector<1x1x16xf32>,
      %swap3A_1277 = vector.shape_cast %swap3A_1276 : vector<1x1x16xf32> to vector<16xf32>
      %swap3A_1278 = vector.shape_cast %get3A_1250 : vector<16xf32> to vector<1x1x16xf32>
      tpu.vector_store %arg8[%swap3A_1273, %swap3A_1274, %swap3A_1275], %swap3A_1278 {add = true, strides = array<i32>} : memref<4x128x128xf32, #tpu.memory_space<vmem>>, vector<1x1x16xf32>,
      %get3A_1279 = arith.index_cast %scan3A_1056 : i32 to index
      %get3A_1280 = arith.constant 112 : index
      %get3A_1281 = tpu.vector_load %arg7[%get3A_1279, %get3A_1280] {strides = array<i32>} : memref<128x128xf32, #tpu.memory_space<vmem>>, vector<1x16xf32>,
      %get3A_1282 = vector.shape_cast %get3A_1281 : vector<1x16xf32> to vector<16xf32>
      %swap3A_1283 = arith.constant 0 : i32
      %swap3A_1284 = arith.index_cast %swap3A_1283 : i32 to index
      %swap3A_1285 = arith.index_cast %scan3A_1056 : i32 to index
      %swap3A_1286 = arith.constant 112 : index
      %swap3A_1287 = tpu.vector_load %arg8[%swap3A_1284, %swap3A_1285, %swap3A_1286] {strides = array<i32>} : memref<4x128x128xf32, #tpu.memory_space<vmem>>, vector<1x1x16xf32>,
      %swap3A_1288 = vector.shape_cast %swap3A_1287 : vector<1x1x16xf32> to vector<16xf32>
      %swap3A_1289 = vector.shape_cast %get3A_1282 : vector<16xf32> to vector<1x1x16xf32>
      tpu.vector_store %arg8[%swap3A_1284, %swap3A_1285, %swap3A_1286], %swap3A_1289 {add = true, strides = array<i32>} : memref<4x128x128xf32, #tpu.memory_space<vmem>>, vector<1x1x16xf32>,
      %swap3A_1290 = arith.constant 1 : i32
      %swap3A_1291 = arith.index_cast %swap3A_1290 : i32 to index
      %swap3A_1292 = arith.index_cast %scan3A_1056 : i32 to index
      %swap3A_1293 = arith.constant 112 : index
      %swap3A_1294 = tpu.vector_load %arg8[%swap3A_1291, %swap3A_1292, %swap3A_1293] {strides = array<i32>} : memref<4x128x128xf32, #tpu.memory_space<vmem>>, vector<1x1x16xf32>,
      %swap3A_1295 = vector.shape_cast %swap3A_1294 : vector<1x1x16xf32> to vector<16xf32>
      %swap3A_1296 = vector.shape_cast %get3A_1282 : vector<16xf32> to vector<1x1x16xf32>
      tpu.vector_store %arg8[%swap3A_1291, %swap3A_1292, %swap3A_1293], %swap3A_1296 {add = true, strides = array<i32>} : memref<4x128x128xf32, #tpu.memory_space<vmem>>, vector<1x1x16xf32>,
      %swap3A_1297 = arith.constant 2 : i32
      %swap3A_1298 = arith.index_cast %swap3A_1297 : i32 to index
      %swap3A_1299 = arith.index_cast %scan3A_1056 : i32 to index
      %swap3A_1300 = arith.constant 112 : index
      %swap3A_1301 = tpu.vector_load %arg8[%swap3A_1298, %swap3A_1299, %swap3A_1300] {strides = array<i32>} : memref<4x128x128xf32, #tpu.memory_space<vmem>>, vector<1x1x16xf32>,
      %swap3A_1302 = vector.shape_cast %swap3A_1301 : vector<1x1x16xf32> to vector<16xf32>
      %swap3A_1303 = vector.shape_cast %get3A_1282 : vector<16xf32> to vector<1x1x16xf32>
      tpu.vector_store %arg8[%swap3A_1298, %swap3A_1299, %swap3A_1300], %swap3A_1303 {add = true, strides = array<i32>} : memref<4x128x128xf32, #tpu.memory_space<vmem>>, vector<1x1x16xf32>,
      %swap3A_1304 = arith.constant 3 : i32
      %swap3A_1305 = arith.index_cast %swap3A_1304 : i32 to index
      %swap3A_1306 = arith.index_cast %scan3A_1056 : i32 to index
      %swap3A_1307 = arith.constant 112 : index
      %swap3A_1308 = tpu.vector_load %arg8[%swap3A_1305, %swap3A_1306, %swap3A_1307] {strides = array<i32>} : memref<4x128x128xf32, #tpu.memory_space<vmem>>, vector<1x1x16xf32>,
      %swap3A_1309 = vector.shape_cast %swap3A_1308 : vector<1x1x16xf32> to vector<16xf32>
      %swap3A_1310 = vector.shape_cast %get3A_1282 : vector<16xf32> to vector<1x1x16xf32>
      tpu.vector_store %arg8[%swap3A_1305, %swap3A_1306, %swap3A_1307], %swap3A_1310 {add = true, strides = array<i32>} : memref<4x128x128xf32, #tpu.memory_space<vmem>>, vector<1x1x16xf32>,
    }
    %scan3A_451 = arith.constant 32 : i32
    %add3A_452 = arith.constant 32 : i32
    %add3A_453 = arith.addi %mul3A_2, %add3A_452 : i32
    %dma_start3A_454 = arith.constant 0 : i32
    %dma_start3A_455 = arith.constant 0 : i32
    %dma_start3A_456 = arith.constant 32 : i32
    %dma_start3A_457 = arith.constant 0 : i32
    %dma_start3A_458 = tpu.memref_slice %arg8[%dma_start3A_454, %dma_start3A_456, %dma_start3A_457] : memref<4x128x128xf32, #tpu.memory_space<vmem>> -> memref<1x32x128xf32, #tpu.memory_space<vmem>>
    %dma_start3A_459 = tpu.memref_squeeze %dma_start3A_458 : memref<1x32x128xf32, #tpu.memory_space<vmem>> -> memref<32x128xf32, #tpu.memory_space<vmem>>
    %dma_start3A_460 = arith.constant 0 : i32
    %dma_start3A_461 = tpu.memref_slice %arg5[%dma_start3A_455, %add3A_453, %dma_start3A_460] : memref<4x4096x128xf32, #tpu.memory_space<hbm>> -> memref<1x32x128xf32, #tpu.memory_space<hbm>>
    %dma_start3A_462 = tpu.memref_squeeze %dma_start3A_461 : memref<1x32x128xf32, #tpu.memory_space<hbm>> -> memref<32x128xf32, #tpu.memory_space<hbm>>
    %dma_start3A_463 = arith.constant 0 : i32
    %dma_start3A_464 = tpu.memref_slice %arg5[%dma_start3A_455, %add3A_453, %dma_start3A_463] : memref<4x4096x128xf32, #tpu.memory_space<hbm>> -> memref<1x32x128xf32, #tpu.memory_space<hbm>>
    %dma_start3A_465 = tpu.memref_squeeze %dma_start3A_464 : memref<1x32x128xf32, #tpu.memory_space<hbm>> -> memref<32x128xf32, #tpu.memory_space<hbm>>
    %dma_start3A_466 = arith.constant 32 : i32
    %dma_start3A_467 = arith.constant 0 : i32
    %dma_start3A_468 = tpu.memref_slice %arg8[%dma_start3A_454, %dma_start3A_466, %dma_start3A_467] : memref<4x128x128xf32, #tpu.memory_space<vmem>> -> memref<1x32x128xf32, #tpu.memory_space<vmem>>
    %dma_start3A_469 = tpu.memref_squeeze %dma_start3A_468 : memref<1x32x128xf32, #tpu.memory_space<vmem>> -> memref<32x128xf32, #tpu.memory_space<vmem>>
    tpu.enqueue_dma source(%dma_start3A_469 : memref<32x128xf32, #tpu.memory_space<vmem>>) target(%dma_start3A_465 : memref<32x128xf32, #tpu.memory_space<hbm>>) target_semaphore(%arg11 : memref<!tpu.dma_semaphore, #tpu.memory_space<semaphore_mem>>)
    %add3A_470 = arith.constant 32 : i32
    %add3A_471 = arith.addi %mul3A_2, %add3A_470 : i32
    %dma_start3A_472 = arith.constant 1 : i32
    %dma_start3A_473 = arith.constant 1 : i32
    %dma_start3A_474 = arith.constant 32 : i32
    %dma_start3A_475 = arith.constant 0 : i32
    %dma_start3A_476 = tpu.memref_slice %arg8[%dma_start3A_472, %dma_start3A_474, %dma_start3A_475] : memref<4x128x128xf32, #tpu.memory_space<vmem>> -> memref<1x32x128xf32, #tpu.memory_space<vmem>>
    %dma_start3A_477 = tpu.memref_squeeze %dma_start3A_476 : memref<1x32x128xf32, #tpu.memory_space<vmem>> -> memref<32x128xf32, #tpu.memory_space<vmem>>
    %dma_start3A_478 = arith.constant 0 : i32
    %dma_start3A_479 = tpu.memref_slice %arg5[%dma_start3A_473, %add3A_471, %dma_start3A_478] : memref<4x4096x128xf32, #tpu.memory_space<hbm>> -> memref<1x32x128xf32, #tpu.memory_space<hbm>>
    %dma_start3A_480 = tpu.memref_squeeze %dma_start3A_479 : memref<1x32x128xf32, #tpu.memory_space<hbm>> -> memref<32x128xf32, #tpu.memory_space<hbm>>
    %dma_start3A_481 = arith.constant 0 : i32
    %dma_start3A_482 = tpu.memref_slice %arg5[%dma_start3A_473, %add3A_471, %dma_start3A_481] : memref<4x4096x128xf32, #tpu.memory_space<hbm>> -> memref<1x32x128xf32, #tpu.memory_space<hbm>>
    %dma_start3A_483 = tpu.memref_squeeze %dma_start3A_482 : memref<1x32x128xf32, #tpu.memory_space<hbm>> -> memref<32x128xf32, #tpu.memory_space<hbm>>
    %dma_start3A_484 = arith.constant 32 : i32
    %dma_start3A_485 = arith.constant 0 : i32
    %dma_start3A_486 = tpu.memref_slice %arg8[%dma_start3A_472, %dma_start3A_484, %dma_start3A_485] : memref<4x128x128xf32, #tpu.memory_space<vmem>> -> memref<1x32x128xf32, #tpu.memory_space<vmem>>
    %dma_start3A_487 = tpu.memref_squeeze %dma_start3A_486 : memref<1x32x128xf32, #tpu.memory_space<vmem>> -> memref<32x128xf32, #tpu.memory_space<vmem>>
    tpu.enqueue_dma source(%dma_start3A_487 : memref<32x128xf32, #tpu.memory_space<vmem>>) target(%dma_start3A_483 : memref<32x128xf32, #tpu.memory_space<hbm>>) target_semaphore(%arg11 : memref<!tpu.dma_semaphore, #tpu.memory_space<semaphore_mem>>)
    %add3A_488 = arith.constant 32 : i32
    %add3A_489 = arith.addi %mul3A_2, %add3A_488 : i32
    %dma_start3A_490 = arith.constant 2 : i32
    %dma_start3A_491 = arith.constant 2 : i32
    %dma_start3A_492 = arith.constant 32 : i32
    %dma_start3A_493 = arith.constant 0 : i32
    %dma_start3A_494 = tpu.memref_slice %arg8[%dma_start3A_490, %dma_start3A_492, %dma_start3A_493] : memref<4x128x128xf32, #tpu.memory_space<vmem>> -> memref<1x32x128xf32, #tpu.memory_space<vmem>>
    %dma_start3A_495 = tpu.memref_squeeze %dma_start3A_494 : memref<1x32x128xf32, #tpu.memory_space<vmem>> -> memref<32x128xf32, #tpu.memory_space<vmem>>
    %dma_start3A_496 = arith.constant 0 : i32
    %dma_start3A_497 = tpu.memref_slice %arg5[%dma_start3A_491, %add3A_489, %dma_start3A_496] : memref<4x4096x128xf32, #tpu.memory_space<hbm>> -> memref<1x32x128xf32, #tpu.memory_space<hbm>>
    %dma_start3A_498 = tpu.memref_squeeze %dma_start3A_497 : memref<1x32x128xf32, #tpu.memory_space<hbm>> -> memref<32x128xf32, #tpu.memory_space<hbm>>
    %dma_start3A_499 = arith.constant 0 : i32
    %dma_start3A_500 = tpu.memref_slice %arg5[%dma_start3A_491, %add3A_489, %dma_start3A_499] : memref<4x4096x128xf32, #tpu.memory_space<hbm>> -> memref<1x32x128xf32, #tpu.memory_space<hbm>>
    %dma_start3A_501 = tpu.memref_squeeze %dma_start3A_500 : memref<1x32x128xf32, #tpu.memory_space<hbm>> -> memref<32x128xf32, #tpu.memory_space<hbm>>
    %dma_start3A_502 = arith.constant 32 : i32
    %dma_start3A_503 = arith.constant 0 : i32
    %dma_start3A_504 = tpu.memref_slice %arg8[%dma_start3A_490, %dma_start3A_502, %dma_start3A_503] : memref<4x128x128xf32, #tpu.memory_space<vmem>> -> memref<1x32x128xf32, #tpu.memory_space<vmem>>
    %dma_start3A_505 = tpu.memref_squeeze %dma_start3A_504 : memref<1x32x128xf32, #tpu.memory_space<vmem>> -> memref<32x128xf32, #tpu.memory_space<vmem>>
    tpu.enqueue_dma source(%dma_start3A_505 : memref<32x128xf32, #tpu.memory_space<vmem>>) target(%dma_start3A_501 : memref<32x128xf32, #tpu.memory_space<hbm>>) target_semaphore(%arg11 : memref<!tpu.dma_semaphore, #tpu.memory_space<semaphore_mem>>)
    %add3A_506 = arith.constant 32 : i32
    %add3A_507 = arith.addi %mul3A_2, %add3A_506 : i32
    %dma_start3A_508 = arith.constant 3 : i32
    %dma_start3A_509 = arith.constant 3 : i32
    %dma_start3A_510 = arith.constant 32 : i32
    %dma_start3A_511 = arith.constant 0 : i32
    %dma_start3A_512 = tpu.memref_slice %arg8[%dma_start3A_508, %dma_start3A_510, %dma_start3A_511] : memref<4x128x128xf32, #tpu.memory_space<vmem>> -> memref<1x32x128xf32, #tpu.memory_space<vmem>>
    %dma_start3A_513 = tpu.memref_squeeze %dma_start3A_512 : memref<1x32x128xf32, #tpu.memory_space<vmem>> -> memref<32x128xf32, #tpu.memory_space<vmem>>
    %dma_start3A_514 = arith.constant 0 : i32
    %dma_start3A_515 = tpu.memref_slice %arg5[%dma_start3A_509, %add3A_507, %dma_start3A_514] : memref<4x4096x128xf32, #tpu.memory_space<hbm>> -> memref<1x32x128xf32, #tpu.memory_space<hbm>>
    %dma_start3A_516 = tpu.memref_squeeze %dma_start3A_515 : memref<1x32x128xf32, #tpu.memory_space<hbm>> -> memref<32x128xf32, #tpu.memory_space<hbm>>
    %dma_start3A_517 = arith.constant 0 : i32
    %dma_start3A_518 = tpu.memref_slice %arg5[%dma_start3A_509, %add3A_507, %dma_start3A_517] : memref<4x4096x128xf32, #tpu.memory_space<hbm>> -> memref<1x32x128xf32, #tpu.memory_space<hbm>>
    %dma_start3A_519 = tpu.memref_squeeze %dma_start3A_518 : memref<1x32x128xf32, #tpu.memory_space<hbm>> -> memref<32x128xf32, #tpu.memory_space<hbm>>
    %dma_start3A_520 = arith.constant 32 : i32
    %dma_start3A_521 = arith.constant 0 : i32
    %dma_start3A_522 = tpu.memref_slice %arg8[%dma_start3A_508, %dma_start3A_520, %dma_start3A_521] : memref<4x128x128xf32, #tpu.memory_space<vmem>> -> memref<1x32x128xf32, #tpu.memory_space<vmem>>
    %dma_start3A_523 = tpu.memref_squeeze %dma_start3A_522 : memref<1x32x128xf32, #tpu.memory_space<vmem>> -> memref<32x128xf32, #tpu.memory_space<vmem>>
    tpu.enqueue_dma source(%dma_start3A_523 : memref<32x128xf32, #tpu.memory_space<vmem>>) target(%dma_start3A_519 : memref<32x128xf32, #tpu.memory_space<hbm>>) target_semaphore(%arg11 : memref<!tpu.dma_semaphore, #tpu.memory_space<semaphore_mem>>)
    %dma_wait3A_524 = arith.constant 0 : i32
    %dma_wait3A_525 = arith.constant 0 : i32
    %dma_wait3A_526 = arith.constant 2 : i32
    %dma_wait3A_527 = arith.constant 64 : i32
    %dma_wait3A_528 = arith.constant 0 : i32
    %dma_wait3A_529 = tpu.memref_slice %arg8[%dma_wait3A_525, %dma_wait3A_527, %dma_wait3A_528] : memref<4x128x128xf32, #tpu.memory_space<vmem>> -> memref<1x32x128xf32, #tpu.memory_space<vmem>>
    %dma_wait3A_530 = tpu.memref_squeeze %dma_wait3A_529 : memref<1x32x128xf32, #tpu.memory_space<vmem>> -> memref<32x128xf32, #tpu.memory_space<vmem>>
    %dma_wait3A_531 = arith.constant 64 : i32
    %dma_wait3A_532 = tpu.memref_slice %arg6[%dma_wait3A_524, %dma_wait3A_531] : memref<4x128xi32, #tpu.memory_space<vmem>> -> memref<1x32xi32, #tpu.memory_space<vmem>>
    %dma_wait3A_533 = tpu.memref_squeeze %dma_wait3A_532 : memref<1x32xi32, #tpu.memory_space<vmem>> -> memref<32xi32, #tpu.memory_space<vmem>>
    %dma_wait3A_534 = arith.constant 0 : i32
    %dma_wait3A_535 = arith.constant 0 : i32
    %dma_wait3A_536 = tpu.memref_slice %arg3[%dma_wait3A_534, %dma_wait3A_535] : memref<100000x128xf32, #tpu.memory_space<hbm>> -> memref<100000x128xf32, #tpu.memory_space<hbm>>
    %dma_wait3A_537 = tpu.memref_slice %arg9[%dma_wait3A_526] : memref<5x!tpu.dma_semaphore, #tpu.memory_space<semaphore_mem>> -> memref<1x!tpu.dma_semaphore, #tpu.memory_space<semaphore_mem>>
    %dma_wait3A_538 = tpu.memref_squeeze %dma_wait3A_537 : memref<1x!tpu.dma_semaphore, #tpu.memory_space<semaphore_mem>> -> memref<!tpu.dma_semaphore, #tpu.memory_space<semaphore_mem>>
    tpu.wait_indirect_dma semaphore(%dma_wait3A_538 : memref<!tpu.dma_semaphore, #tpu.memory_space<semaphore_mem>>) src(%dma_wait3A_536 : memref<100000x128xf32, #tpu.memory_space<hbm>>) dst(%dma_wait3A_530 : memref<32x128xf32, #tpu.memory_space<vmem>>)
    %dma_wait3A_539 = arith.constant 1 : i32
    %dma_wait3A_540 = arith.constant 1 : i32
    %dma_wait3A_541 = arith.constant 2 : i32
    %dma_wait3A_542 = arith.constant 64 : i32
    %dma_wait3A_543 = arith.constant 0 : i32
    %dma_wait3A_544 = tpu.memref_slice %arg8[%dma_wait3A_540, %dma_wait3A_542, %dma_wait3A_543] : memref<4x128x128xf32, #tpu.memory_space<vmem>> -> memref<1x32x128xf32, #tpu.memory_space<vmem>>
    %dma_wait3A_545 = tpu.memref_squeeze %dma_wait3A_544 : memref<1x32x128xf32, #tpu.memory_space<vmem>> -> memref<32x128xf32, #tpu.memory_space<vmem>>
    %dma_wait3A_546 = arith.constant 64 : i32
    %dma_wait3A_547 = tpu.memref_slice %arg6[%dma_wait3A_539, %dma_wait3A_546] : memref<4x128xi32, #tpu.memory_space<vmem>> -> memref<1x32xi32, #tpu.memory_space<vmem>>
    %dma_wait3A_548 = tpu.memref_squeeze %dma_wait3A_547 : memref<1x32xi32, #tpu.memory_space<vmem>> -> memref<32xi32, #tpu.memory_space<vmem>>
    %dma_wait3A_549 = arith.constant 0 : i32
    %dma_wait3A_550 = arith.constant 0 : i32
    %dma_wait3A_551 = tpu.memref_slice %arg3[%dma_wait3A_549, %dma_wait3A_550] : memref<100000x128xf32, #tpu.memory_space<hbm>> -> memref<100000x128xf32, #tpu.memory_space<hbm>>
    %dma_wait3A_552 = tpu.memref_slice %arg9[%dma_wait3A_541] : memref<5x!tpu.dma_semaphore, #tpu.memory_space<semaphore_mem>> -> memref<1x!tpu.dma_semaphore, #tpu.memory_space<semaphore_mem>>
    %dma_wait3A_553 = tpu.memref_squeeze %dma_wait3A_552 : memref<1x!tpu.dma_semaphore, #tpu.memory_space<semaphore_mem>> -> memref<!tpu.dma_semaphore, #tpu.memory_space<semaphore_mem>>
    tpu.wait_indirect_dma semaphore(%dma_wait3A_553 : memref<!tpu.dma_semaphore, #tpu.memory_space<semaphore_mem>>) src(%dma_wait3A_551 : memref<100000x128xf32, #tpu.memory_space<hbm>>) dst(%dma_wait3A_545 : memref<32x128xf32, #tpu.memory_space<vmem>>)
    %dma_wait3A_554 = arith.constant 2 : i32
    %dma_wait3A_555 = arith.constant 2 : i32
    %dma_wait3A_556 = arith.constant 2 : i32
    %dma_wait3A_557 = arith.constant 64 : i32
    %dma_wait3A_558 = arith.constant 0 : i32
    %dma_wait3A_559 = tpu.memref_slice %arg8[%dma_wait3A_555, %dma_wait3A_557, %dma_wait3A_558] : memref<4x128x128xf32, #tpu.memory_space<vmem>> -> memref<1x32x128xf32, #tpu.memory_space<vmem>>
    %dma_wait3A_560 = tpu.memref_squeeze %dma_wait3A_559 : memref<1x32x128xf32, #tpu.memory_space<vmem>> -> memref<32x128xf32, #tpu.memory_space<vmem>>
    %dma_wait3A_561 = arith.constant 64 : i32
    %dma_wait3A_562 = tpu.memref_slice %arg6[%dma_wait3A_554, %dma_wait3A_561] : memref<4x128xi32, #tpu.memory_space<vmem>> -> memref<1x32xi32, #tpu.memory_space<vmem>>
    %dma_wait3A_563 = tpu.memref_squeeze %dma_wait3A_562 : memref<1x32xi32, #tpu.memory_space<vmem>> -> memref<32xi32, #tpu.memory_space<vmem>>
    %dma_wait3A_564 = arith.constant 0 : i32
    %dma_wait3A_565 = arith.constant 0 : i32
    %dma_wait3A_566 = tpu.memref_slice %arg3[%dma_wait3A_564, %dma_wait3A_565] : memref<100000x128xf32, #tpu.memory_space<hbm>> -> memref<100000x128xf32, #tpu.memory_space<hbm>>
    %dma_wait3A_567 = tpu.memref_slice %arg9[%dma_wait3A_556] : memref<5x!tpu.dma_semaphore, #tpu.memory_space<semaphore_mem>> -> memref<1x!tpu.dma_semaphore, #tpu.memory_space<semaphore_mem>>
    %dma_wait3A_568 = tpu.memref_squeeze %dma_wait3A_567 : memref<1x!tpu.dma_semaphore, #tpu.memory_space<semaphore_mem>> -> memref<!tpu.dma_semaphore, #tpu.memory_space<semaphore_mem>>
    tpu.wait_indirect_dma semaphore(%dma_wait3A_568 : memref<!tpu.dma_semaphore, #tpu.memory_space<semaphore_mem>>) src(%dma_wait3A_566 : memref<100000x128xf32, #tpu.memory_space<hbm>>) dst(%dma_wait3A_560 : memref<32x128xf32, #tpu.memory_space<vmem>>)
    %dma_wait3A_569 = arith.constant 3 : i32
    %dma_wait3A_570 = arith.constant 3 : i32
    %dma_wait3A_571 = arith.constant 2 : i32
    %dma_wait3A_572 = arith.constant 64 : i32
    %dma_wait3A_573 = arith.constant 0 : i32
    %dma_wait3A_574 = tpu.memref_slice %arg8[%dma_wait3A_570, %dma_wait3A_572, %dma_wait3A_573] : memref<4x128x128xf32, #tpu.memory_space<vmem>> -> memref<1x32x128xf32, #tpu.memory_space<vmem>>
    %dma_wait3A_575 = tpu.memref_squeeze %dma_wait3A_574 : memref<1x32x128xf32, #tpu.memory_space<vmem>> -> memref<32x128xf32, #tpu.memory_space<vmem>>
    %dma_wait3A_576 = arith.constant 64 : i32
    %dma_wait3A_577 = tpu.memref_slice %arg6[%dma_wait3A_569, %dma_wait3A_576] : memref<4x128xi32, #tpu.memory_space<vmem>> -> memref<1x32xi32, #tpu.memory_space<vmem>>
    %dma_wait3A_578 = tpu.memref_squeeze %dma_wait3A_577 : memref<1x32xi32, #tpu.memory_space<vmem>> -> memref<32xi32, #tpu.memory_space<vmem>>
    %dma_wait3A_579 = arith.constant 0 : i32
    %dma_wait3A_580 = arith.constant 0 : i32
    %dma_wait3A_581 = tpu.memref_slice %arg3[%dma_wait3A_579, %dma_wait3A_580] : memref<100000x128xf32, #tpu.memory_space<hbm>> -> memref<100000x128xf32, #tpu.memory_space<hbm>>
    %dma_wait3A_582 = tpu.memref_slice %arg9[%dma_wait3A_571] : memref<5x!tpu.dma_semaphore, #tpu.memory_space<semaphore_mem>> -> memref<1x!tpu.dma_semaphore, #tpu.memory_space<semaphore_mem>>
    %dma_wait3A_583 = tpu.memref_squeeze %dma_wait3A_582 : memref<1x!tpu.dma_semaphore, #tpu.memory_space<semaphore_mem>> -> memref<!tpu.dma_semaphore, #tpu.memory_space<semaphore_mem>>
    tpu.wait_indirect_dma semaphore(%dma_wait3A_583 : memref<!tpu.dma_semaphore, #tpu.memory_space<semaphore_mem>>) src(%dma_wait3A_581 : memref<100000x128xf32, #tpu.memory_space<hbm>>) dst(%dma_wait3A_575 : memref<32x128xf32, #tpu.memory_space<vmem>>)
    %scan3A_584 = arith.constant 0 : i32
    %scan3A_585 = arith.constant 64 : i32
    %scan3A_586 = arith.constant 32 : i32
    %scan3A_587 = arith.addi %scan3A_585, %scan3A_586 : i32
    %scan3A_588 = arith.constant 1 : i32
    scf.for %scan3A_1056 = %scan3A_585 to %scan3A_587 step %scan3A_588  : i32 {
      %get3A = arith.index_cast %scan3A_1056 : i32 to index
      %get3A_1057 = arith.constant 0 : index
      %get3A_1058 = tpu.vector_load %arg7[%get3A, %get3A_1057] {strides = array<i32>} : memref<128x128xf32, #tpu.memory_space<vmem>>, vector<1x16xf32>,
      %get3A_1059 = vector.shape_cast %get3A_1058 : vector<1x16xf32> to vector<16xf32>
      %swap3A = arith.constant 0 : i32
      %swap3A_1060 = arith.index_cast %swap3A : i32 to index
      %swap3A_1061 = arith.index_cast %scan3A_1056 : i32 to index
      %swap3A_1062 = arith.constant 0 : index
      %swap3A_1063 = tpu.vector_load %arg8[%swap3A_1060, %swap3A_1061, %swap3A_1062] {strides = array<i32>} : memref<4x128x128xf32, #tpu.memory_space<vmem>>, vector<1x1x16xf32>,
      %swap3A_1064 = vector.shape_cast %swap3A_1063 : vector<1x1x16xf32> to vector<16xf32>
      %swap3A_1065 = vector.shape_cast %get3A_1059 : vector<16xf32> to vector<1x1x16xf32>
      tpu.vector_store %arg8[%swap3A_1060, %swap3A_1061, %swap3A_1062], %swap3A_1065 {add = true, strides = array<i32>} : memref<4x128x128xf32, #tpu.memory_space<vmem>>, vector<1x1x16xf32>,
      %swap3A_1066 = arith.constant 1 : i32
      %swap3A_1067 = arith.index_cast %swap3A_1066 : i32 to index
      %swap3A_1068 = arith.index_cast %scan3A_1056 : i32 to index
      %swap3A_1069 = arith.constant 0 : index
      %swap3A_1070 = tpu.vector_load %arg8[%swap3A_1067, %swap3A_1068, %swap3A_1069] {strides = array<i32>} : memref<4x128x128xf32, #tpu.memory_space<vmem>>, vector<1x1x16xf32>,
      %swap3A_1071 = vector.shape_cast %swap3A_1070 : vector<1x1x16xf32> to vector<16xf32>
      %swap3A_1072 = vector.shape_cast %get3A_1059 : vector<16xf32> to vector<1x1x16xf32>
      tpu.vector_store %arg8[%swap3A_1067, %swap3A_1068, %swap3A_1069], %swap3A_1072 {add = true, strides = array<i32>} : memref<4x128x128xf32, #tpu.memory_space<vmem>>, vector<1x1x16xf32>,
      %swap3A_1073 = arith.constant 2 : i32
      %swap3A_1074 = arith.index_cast %swap3A_1073 : i32 to index
      %swap3A_1075 = arith.index_cast %scan3A_1056 : i32 to index
      %swap3A_1076 = arith.constant 0 : index
      %swap3A_1077 = tpu.vector_load %arg8[%swap3A_1074, %swap3A_1075, %swap3A_1076] {strides = array<i32>} : memref<4x128x128xf32, #tpu.memory_space<vmem>>, vector<1x1x16xf32>,
      %swap3A_1078 = vector.shape_cast %swap3A_1077 : vector<1x1x16xf32> to vector<16xf32>
      %swap3A_1079 = vector.shape_cast %get3A_1059 : vector<16xf32> to vector<1x1x16xf32>
      tpu.vector_store %arg8[%swap3A_1074, %swap3A_1075, %swap3A_1076], %swap3A_1079 {add = true, strides = array<i32>} : memref<4x128x128xf32, #tpu.memory_space<vmem>>, vector<1x1x16xf32>,
      %swap3A_1080 = arith.constant 3 : i32
      %swap3A_1081 = arith.index_cast %swap3A_1080 : i32 to index
      %swap3A_1082 = arith.index_cast %scan3A_1056 : i32 to index
      %swap3A_1083 = arith.constant 0 : index
      %swap3A_1084 = tpu.vector_load %arg8[%swap3A_1081, %swap3A_1082, %swap3A_1083] {strides = array<i32>} : memref<4x128x128xf32, #tpu.memory_space<vmem>>, vector<1x1x16xf32>,
      %swap3A_1085 = vector.shape_cast %swap3A_1084 : vector<1x1x16xf32> to vector<16xf32>
      %swap3A_1086 = vector.shape_cast %get3A_1059 : vector<16xf32> to vector<1x1x16xf32>
      tpu.vector_store %arg8[%swap3A_1081, %swap3A_1082, %swap3A_1083], %swap3A_1086 {add = true, strides = array<i32>} : memref<4x128x128xf32, #tpu.memory_space<vmem>>, vector<1x1x16xf32>,
      %get3A_1087 = arith.index_cast %scan3A_1056 : i32 to index
      %get3A_1088 = arith.constant 16 : index
      %get3A_1089 = tpu.vector_load %arg7[%get3A_1087, %get3A_1088] {strides = array<i32>} : memref<128x128xf32, #tpu.memory_space<vmem>>, vector<1x16xf32>,
      %get3A_1090 = vector.shape_cast %get3A_1089 : vector<1x16xf32> to vector<16xf32>
      %swap3A_1091 = arith.constant 0 : i32
      %swap3A_1092 = arith.index_cast %swap3A_1091 : i32 to index
      %swap3A_1093 = arith.index_cast %scan3A_1056 : i32 to index
      %swap3A_1094 = arith.constant 16 : index
      %swap3A_1095 = tpu.vector_load %arg8[%swap3A_1092, %swap3A_1093, %swap3A_1094] {strides = array<i32>} : memref<4x128x128xf32, #tpu.memory_space<vmem>>, vector<1x1x16xf32>,
      %swap3A_1096 = vector.shape_cast %swap3A_1095 : vector<1x1x16xf32> to vector<16xf32>
      %swap3A_1097 = vector.shape_cast %get3A_1090 : vector<16xf32> to vector<1x1x16xf32>
      tpu.vector_store %arg8[%swap3A_1092, %swap3A_1093, %swap3A_1094], %swap3A_1097 {add = true, strides = array<i32>} : memref<4x128x128xf32, #tpu.memory_space<vmem>>, vector<1x1x16xf32>,
      %swap3A_1098 = arith.constant 1 : i32
      %swap3A_1099 = arith.index_cast %swap3A_1098 : i32 to index
      %swap3A_1100 = arith.index_cast %scan3A_1056 : i32 to index
      %swap3A_1101 = arith.constant 16 : index
      %swap3A_1102 = tpu.vector_load %arg8[%swap3A_1099, %swap3A_1100, %swap3A_1101] {strides = array<i32>} : memref<4x128x128xf32, #tpu.memory_space<vmem>>, vector<1x1x16xf32>,
      %swap3A_1103 = vector.shape_cast %swap3A_1102 : vector<1x1x16xf32> to vector<16xf32>
      %swap3A_1104 = vector.shape_cast %get3A_1090 : vector<16xf32> to vector<1x1x16xf32>
      tpu.vector_store %arg8[%swap3A_1099, %swap3A_1100, %swap3A_1101], %swap3A_1104 {add = true, strides = array<i32>} : memref<4x128x128xf32, #tpu.memory_space<vmem>>, vector<1x1x16xf32>,
      %swap3A_1105 = arith.constant 2 : i32
      %swap3A_1106 = arith.index_cast %swap3A_1105 : i32 to index
      %swap3A_1107 = arith.index_cast %scan3A_1056 : i32 to index
      %swap3A_1108 = arith.constant 16 : index
      %swap3A_1109 = tpu.vector_load %arg8[%swap3A_1106, %swap3A_1107, %swap3A_1108] {strides = array<i32>} : memref<4x128x128xf32, #tpu.memory_space<vmem>>, vector<1x1x16xf32>,
      %swap3A_1110 = vector.shape_cast %swap3A_1109 : vector<1x1x16xf32> to vector<16xf32>
      %swap3A_1111 = vector.shape_cast %get3A_1090 : vector<16xf32> to vector<1x1x16xf32>
      tpu.vector_store %arg8[%swap3A_1106, %swap3A_1107, %swap3A_1108], %swap3A_1111 {add = true, strides = array<i32>} : memref<4x128x128xf32, #tpu.memory_space<vmem>>, vector<1x1x16xf32>,
      %swap3A_1112 = arith.constant 3 : i32
      %swap3A_1113 = arith.index_cast %swap3A_1112 : i32 to index
      %swap3A_1114 = arith.index_cast %scan3A_1056 : i32 to index
      %swap3A_1115 = arith.constant 16 : index
      %swap3A_1116 = tpu.vector_load %arg8[%swap3A_1113, %swap3A_1114, %swap3A_1115] {strides = array<i32>} : memref<4x128x128xf32, #tpu.memory_space<vmem>>, vector<1x1x16xf32>,
      %swap3A_1117 = vector.shape_cast %swap3A_1116 : vector<1x1x16xf32> to vector<16xf32>
      %swap3A_1118 = vector.shape_cast %get3A_1090 : vector<16xf32> to vector<1x1x16xf32>
      tpu.vector_store %arg8[%swap3A_1113, %swap3A_1114, %swap3A_1115], %swap3A_1118 {add = true, strides = array<i32>} : memref<4x128x128xf32, #tpu.memory_space<vmem>>, vector<1x1x16xf32>,
      %get3A_1119 = arith.index_cast %scan3A_1056 : i32 to index
      %get3A_1120 = arith.constant 32 : index
      %get3A_1121 = tpu.vector_load %arg7[%get3A_1119, %get3A_1120] {strides = array<i32>} : memref<128x128xf32, #tpu.memory_space<vmem>>, vector<1x16xf32>,
      %get3A_1122 = vector.shape_cast %get3A_1121 : vector<1x16xf32> to vector<16xf32>
      %swap3A_1123 = arith.constant 0 : i32
      %swap3A_1124 = arith.index_cast %swap3A_1123 : i32 to index
      %swap3A_1125 = arith.index_cast %scan3A_1056 : i32 to index
      %swap3A_1126 = arith.constant 32 : index
      %swap3A_1127 = tpu.vector_load %arg8[%swap3A_1124, %swap3A_1125, %swap3A_1126] {strides = array<i32>} : memref<4x128x128xf32, #tpu.memory_space<vmem>>, vector<1x1x16xf32>,
      %swap3A_1128 = vector.shape_cast %swap3A_1127 : vector<1x1x16xf32> to vector<16xf32>
      %swap3A_1129 = vector.shape_cast %get3A_1122 : vector<16xf32> to vector<1x1x16xf32>
      tpu.vector_store %arg8[%swap3A_1124, %swap3A_1125, %swap3A_1126], %swap3A_1129 {add = true, strides = array<i32>} : memref<4x128x128xf32, #tpu.memory_space<vmem>>, vector<1x1x16xf32>,
      %swap3A_1130 = arith.constant 1 : i32
      %swap3A_1131 = arith.index_cast %swap3A_1130 : i32 to index
      %swap3A_1132 = arith.index_cast %scan3A_1056 : i32 to index
      %swap3A_1133 = arith.constant 32 : index
      %swap3A_1134 = tpu.vector_load %arg8[%swap3A_1131, %swap3A_1132, %swap3A_1133] {strides = array<i32>} : memref<4x128x128xf32, #tpu.memory_space<vmem>>, vector<1x1x16xf32>,
      %swap3A_1135 = vector.shape_cast %swap3A_1134 : vector<1x1x16xf32> to vector<16xf32>
      %swap3A_1136 = vector.shape_cast %get3A_1122 : vector<16xf32> to vector<1x1x16xf32>
      tpu.vector_store %arg8[%swap3A_1131, %swap3A_1132, %swap3A_1133], %swap3A_1136 {add = true, strides = array<i32>} : memref<4x128x128xf32, #tpu.memory_space<vmem>>, vector<1x1x16xf32>,
      %swap3A_1137 = arith.constant 2 : i32
      %swap3A_1138 = arith.index_cast %swap3A_1137 : i32 to index
      %swap3A_1139 = arith.index_cast %scan3A_1056 : i32 to index
      %swap3A_1140 = arith.constant 32 : index
      %swap3A_1141 = tpu.vector_load %arg8[%swap3A_1138, %swap3A_1139, %swap3A_1140] {strides = array<i32>} : memref<4x128x128xf32, #tpu.memory_space<vmem>>, vector<1x1x16xf32>,
      %swap3A_1142 = vector.shape_cast %swap3A_1141 : vector<1x1x16xf32> to vector<16xf32>
      %swap3A_1143 = vector.shape_cast %get3A_1122 : vector<16xf32> to vector<1x1x16xf32>
      tpu.vector_store %arg8[%swap3A_1138, %swap3A_1139, %swap3A_1140], %swap3A_1143 {add = true, strides = array<i32>} : memref<4x128x128xf32, #tpu.memory_space<vmem>>, vector<1x1x16xf32>,
      %swap3A_1144 = arith.constant 3 : i32
      %swap3A_1145 = arith.index_cast %swap3A_1144 : i32 to index
      %swap3A_1146 = arith.index_cast %scan3A_1056 : i32 to index
      %swap3A_1147 = arith.constant 32 : index
      %swap3A_1148 = tpu.vector_load %arg8[%swap3A_1145, %swap3A_1146, %swap3A_1147] {strides = array<i32>} : memref<4x128x128xf32, #tpu.memory_space<vmem>>, vector<1x1x16xf32>,
      %swap3A_1149 = vector.shape_cast %swap3A_1148 : vector<1x1x16xf32> to vector<16xf32>
      %swap3A_1150 = vector.shape_cast %get3A_1122 : vector<16xf32> to vector<1x1x16xf32>
      tpu.vector_store %arg8[%swap3A_1145, %swap3A_1146, %swap3A_1147], %swap3A_1150 {add = true, strides = array<i32>} : memref<4x128x128xf32, #tpu.memory_space<vmem>>, vector<1x1x16xf32>,
      %get3A_1151 = arith.index_cast %scan3A_1056 : i32 to index
      %get3A_1152 = arith.constant 48 : index
      %get3A_1153 = tpu.vector_load %arg7[%get3A_1151, %get3A_1152] {strides = array<i32>} : memref<128x128xf32, #tpu.memory_space<vmem>>, vector<1x16xf32>,
      %get3A_1154 = vector.shape_cast %get3A_1153 : vector<1x16xf32> to vector<16xf32>
      %swap3A_1155 = arith.constant 0 : i32
      %swap3A_1156 = arith.index_cast %swap3A_1155 : i32 to index
      %swap3A_1157 = arith.index_cast %scan3A_1056 : i32 to index
      %swap3A_1158 = arith.constant 48 : index
      %swap3A_1159 = tpu.vector_load %arg8[%swap3A_1156, %swap3A_1157, %swap3A_1158] {strides = array<i32>} : memref<4x128x128xf32, #tpu.memory_space<vmem>>, vector<1x1x16xf32>,
      %swap3A_1160 = vector.shape_cast %swap3A_1159 : vector<1x1x16xf32> to vector<16xf32>
      %swap3A_1161 = vector.shape_cast %get3A_1154 : vector<16xf32> to vector<1x1x16xf32>
      tpu.vector_store %arg8[%swap3A_1156, %swap3A_1157, %swap3A_1158], %swap3A_1161 {add = true, strides = array<i32>} : memref<4x128x128xf32, #tpu.memory_space<vmem>>, vector<1x1x16xf32>,
      %swap3A_1162 = arith.constant 1 : i32
      %swap3A_1163 = arith.index_cast %swap3A_1162 : i32 to index
      %swap3A_1164 = arith.index_cast %scan3A_1056 : i32 to index
      %swap3A_1165 = arith.constant 48 : index
      %swap3A_1166 = tpu.vector_load %arg8[%swap3A_1163, %swap3A_1164, %swap3A_1165] {strides = array<i32>} : memref<4x128x128xf32, #tpu.memory_space<vmem>>, vector<1x1x16xf32>,
      %swap3A_1167 = vector.shape_cast %swap3A_1166 : vector<1x1x16xf32> to vector<16xf32>
      %swap3A_1168 = vector.shape_cast %get3A_1154 : vector<16xf32> to vector<1x1x16xf32>
      tpu.vector_store %arg8[%swap3A_1163, %swap3A_1164, %swap3A_1165], %swap3A_1168 {add = true, strides = array<i32>} : memref<4x128x128xf32, #tpu.memory_space<vmem>>, vector<1x1x16xf32>,
      %swap3A_1169 = arith.constant 2 : i32
      %swap3A_1170 = arith.index_cast %swap3A_1169 : i32 to index
      %swap3A_1171 = arith.index_cast %scan3A_1056 : i32 to index
      %swap3A_1172 = arith.constant 48 : index
      %swap3A_1173 = tpu.vector_load %arg8[%swap3A_1170, %swap3A_1171, %swap3A_1172] {strides = array<i32>} : memref<4x128x128xf32, #tpu.memory_space<vmem>>, vector<1x1x16xf32>,
      %swap3A_1174 = vector.shape_cast %swap3A_1173 : vector<1x1x16xf32> to vector<16xf32>
      %swap3A_1175 = vector.shape_cast %get3A_1154 : vector<16xf32> to vector<1x1x16xf32>
      tpu.vector_store %arg8[%swap3A_1170, %swap3A_1171, %swap3A_1172], %swap3A_1175 {add = true, strides = array<i32>} : memref<4x128x128xf32, #tpu.memory_space<vmem>>, vector<1x1x16xf32>,
      %swap3A_1176 = arith.constant 3 : i32
      %swap3A_1177 = arith.index_cast %swap3A_1176 : i32 to index
      %swap3A_1178 = arith.index_cast %scan3A_1056 : i32 to index
      %swap3A_1179 = arith.constant 48 : index
      %swap3A_1180 = tpu.vector_load %arg8[%swap3A_1177, %swap3A_1178, %swap3A_1179] {strides = array<i32>} : memref<4x128x128xf32, #tpu.memory_space<vmem>>, vector<1x1x16xf32>,
      %swap3A_1181 = vector.shape_cast %swap3A_1180 : vector<1x1x16xf32> to vector<16xf32>
      %swap3A_1182 = vector.shape_cast %get3A_1154 : vector<16xf32> to vector<1x1x16xf32>
      tpu.vector_store %arg8[%swap3A_1177, %swap3A_1178, %swap3A_1179], %swap3A_1182 {add = true, strides = array<i32>} : memref<4x128x128xf32, #tpu.memory_space<vmem>>, vector<1x1x16xf32>,
      %get3A_1183 = arith.index_cast %scan3A_1056 : i32 to index
      %get3A_1184 = arith.constant 64 : index
      %get3A_1185 = tpu.vector_load %arg7[%get3A_1183, %get3A_1184] {strides = array<i32>} : memref<128x128xf32, #tpu.memory_space<vmem>>, vector<1x16xf32>,
      %get3A_1186 = vector.shape_cast %get3A_1185 : vector<1x16xf32> to vector<16xf32>
      %swap3A_1187 = arith.constant 0 : i32
      %swap3A_1188 = arith.index_cast %swap3A_1187 : i32 to index
      %swap3A_1189 = arith.index_cast %scan3A_1056 : i32 to index
      %swap3A_1190 = arith.constant 64 : index
      %swap3A_1191 = tpu.vector_load %arg8[%swap3A_1188, %swap3A_1189, %swap3A_1190] {strides = array<i32>} : memref<4x128x128xf32, #tpu.memory_space<vmem>>, vector<1x1x16xf32>,
      %swap3A_1192 = vector.shape_cast %swap3A_1191 : vector<1x1x16xf32> to vector<16xf32>
      %swap3A_1193 = vector.shape_cast %get3A_1186 : vector<16xf32> to vector<1x1x16xf32>
      tpu.vector_store %arg8[%swap3A_1188, %swap3A_1189, %swap3A_1190], %swap3A_1193 {add = true, strides = array<i32>} : memref<4x128x128xf32, #tpu.memory_space<vmem>>, vector<1x1x16xf32>,
      %swap3A_1194 = arith.constant 1 : i32
      %swap3A_1195 = arith.index_cast %swap3A_1194 : i32 to index
      %swap3A_1196 = arith.index_cast %scan3A_1056 : i32 to index
      %swap3A_1197 = arith.constant 64 : index
      %swap3A_1198 = tpu.vector_load %arg8[%swap3A_1195, %swap3A_1196, %swap3A_1197] {strides = array<i32>} : memref<4x128x128xf32, #tpu.memory_space<vmem>>, vector<1x1x16xf32>,
      %swap3A_1199 = vector.shape_cast %swap3A_1198 : vector<1x1x16xf32> to vector<16xf32>
      %swap3A_1200 = vector.shape_cast %get3A_1186 : vector<16xf32> to vector<1x1x16xf32>
      tpu.vector_store %arg8[%swap3A_1195, %swap3A_1196, %swap3A_1197], %swap3A_1200 {add = true, strides = array<i32>} : memref<4x128x128xf32, #tpu.memory_space<vmem>>, vector<1x1x16xf32>,
      %swap3A_1201 = arith.constant 2 : i32
      %swap3A_1202 = arith.index_cast %swap3A_1201 : i32 to index
      %swap3A_1203 = arith.index_cast %scan3A_1056 : i32 to index
      %swap3A_1204 = arith.constant 64 : index
      %swap3A_1205 = tpu.vector_load %arg8[%swap3A_1202, %swap3A_1203, %swap3A_1204] {strides = array<i32>} : memref<4x128x128xf32, #tpu.memory_space<vmem>>, vector<1x1x16xf32>,
      %swap3A_1206 = vector.shape_cast %swap3A_1205 : vector<1x1x16xf32> to vector<16xf32>
      %swap3A_1207 = vector.shape_cast %get3A_1186 : vector<16xf32> to vector<1x1x16xf32>
      tpu.vector_store %arg8[%swap3A_1202, %swap3A_1203, %swap3A_1204], %swap3A_1207 {add = true, strides = array<i32>} : memref<4x128x128xf32, #tpu.memory_space<vmem>>, vector<1x1x16xf32>,
      %swap3A_1208 = arith.constant 3 : i32
      %swap3A_1209 = arith.index_cast %swap3A_1208 : i32 to index
      %swap3A_1210 = arith.index_cast %scan3A_1056 : i32 to index
      %swap3A_1211 = arith.constant 64 : index
      %swap3A_1212 = tpu.vector_load %arg8[%swap3A_1209, %swap3A_1210, %swap3A_1211] {strides = array<i32>} : memref<4x128x128xf32, #tpu.memory_space<vmem>>, vector<1x1x16xf32>,
      %swap3A_1213 = vector.shape_cast %swap3A_1212 : vector<1x1x16xf32> to vector<16xf32>
      %swap3A_1214 = vector.shape_cast %get3A_1186 : vector<16xf32> to vector<1x1x16xf32>
      tpu.vector_store %arg8[%swap3A_1209, %swap3A_1210, %swap3A_1211], %swap3A_1214 {add = true, strides = array<i32>} : memref<4x128x128xf32, #tpu.memory_space<vmem>>, vector<1x1x16xf32>,
      %get3A_1215 = arith.index_cast %scan3A_1056 : i32 to index
      %get3A_1216 = arith.constant 80 : index
      %get3A_1217 = tpu.vector_load %arg7[%get3A_1215, %get3A_1216] {strides = array<i32>} : memref<128x128xf32, #tpu.memory_space<vmem>>, vector<1x16xf32>,
      %get3A_1218 = vector.shape_cast %get3A_1217 : vector<1x16xf32> to vector<16xf32>
      %swap3A_1219 = arith.constant 0 : i32
      %swap3A_1220 = arith.index_cast %swap3A_1219 : i32 to index
      %swap3A_1221 = arith.index_cast %scan3A_1056 : i32 to index
      %swap3A_1222 = arith.constant 80 : index
      %swap3A_1223 = tpu.vector_load %arg8[%swap3A_1220, %swap3A_1221, %swap3A_1222] {strides = array<i32>} : memref<4x128x128xf32, #tpu.memory_space<vmem>>, vector<1x1x16xf32>,
      %swap3A_1224 = vector.shape_cast %swap3A_1223 : vector<1x1x16xf32> to vector<16xf32>
      %swap3A_1225 = vector.shape_cast %get3A_1218 : vector<16xf32> to vector<1x1x16xf32>
      tpu.vector_store %arg8[%swap3A_1220, %swap3A_1221, %swap3A_1222], %swap3A_1225 {add = true, strides = array<i32>} : memref<4x128x128xf32, #tpu.memory_space<vmem>>, vector<1x1x16xf32>,
      %swap3A_1226 = arith.constant 1 : i32
      %swap3A_1227 = arith.index_cast %swap3A_1226 : i32 to index
      %swap3A_1228 = arith.index_cast %scan3A_1056 : i32 to index
      %swap3A_1229 = arith.constant 80 : index
      %swap3A_1230 = tpu.vector_load %arg8[%swap3A_1227, %swap3A_1228, %swap3A_1229] {strides = array<i32>} : memref<4x128x128xf32, #tpu.memory_space<vmem>>, vector<1x1x16xf32>,
      %swap3A_1231 = vector.shape_cast %swap3A_1230 : vector<1x1x16xf32> to vector<16xf32>
      %swap3A_1232 = vector.shape_cast %get3A_1218 : vector<16xf32> to vector<1x1x16xf32>
      tpu.vector_store %arg8[%swap3A_1227, %swap3A_1228, %swap3A_1229], %swap3A_1232 {add = true, strides = array<i32>} : memref<4x128x128xf32, #tpu.memory_space<vmem>>, vector<1x1x16xf32>,
      %swap3A_1233 = arith.constant 2 : i32
      %swap3A_1234 = arith.index_cast %swap3A_1233 : i32 to index
      %swap3A_1235 = arith.index_cast %scan3A_1056 : i32 to index
      %swap3A_1236 = arith.constant 80 : index
      %swap3A_1237 = tpu.vector_load %arg8[%swap3A_1234, %swap3A_1235, %swap3A_1236] {strides = array<i32>} : memref<4x128x128xf32, #tpu.memory_space<vmem>>, vector<1x1x16xf32>,
      %swap3A_1238 = vector.shape_cast %swap3A_1237 : vector<1x1x16xf32> to vector<16xf32>
      %swap3A_1239 = vector.shape_cast %get3A_1218 : vector<16xf32> to vector<1x1x16xf32>
      tpu.vector_store %arg8[%swap3A_1234, %swap3A_1235, %swap3A_1236], %swap3A_1239 {add = true, strides = array<i32>} : memref<4x128x128xf32, #tpu.memory_space<vmem>>, vector<1x1x16xf32>,
      %swap3A_1240 = arith.constant 3 : i32
      %swap3A_1241 = arith.index_cast %swap3A_1240 : i32 to index
      %swap3A_1242 = arith.index_cast %scan3A_1056 : i32 to index
      %swap3A_1243 = arith.constant 80 : index
      %swap3A_1244 = tpu.vector_load %arg8[%swap3A_1241, %swap3A_1242, %swap3A_1243] {strides = array<i32>} : memref<4x128x128xf32, #tpu.memory_space<vmem>>, vector<1x1x16xf32>,
      %swap3A_1245 = vector.shape_cast %swap3A_1244 : vector<1x1x16xf32> to vector<16xf32>
      %swap3A_1246 = vector.shape_cast %get3A_1218 : vector<16xf32> to vector<1x1x16xf32>
      tpu.vector_store %arg8[%swap3A_1241, %swap3A_1242, %swap3A_1243], %swap3A_1246 {add = true, strides = array<i32>} : memref<4x128x128xf32, #tpu.memory_space<vmem>>, vector<1x1x16xf32>,
      %get3A_1247 = arith.index_cast %scan3A_1056 : i32 to index
      %get3A_1248 = arith.constant 96 : index
      %get3A_1249 = tpu.vector_load %arg7[%get3A_1247, %get3A_1248] {strides = array<i32>} : memref<128x128xf32, #tpu.memory_space<vmem>>, vector<1x16xf32>,
      %get3A_1250 = vector.shape_cast %get3A_1249 : vector<1x16xf32> to vector<16xf32>
      %swap3A_1251 = arith.constant 0 : i32
      %swap3A_1252 = arith.index_cast %swap3A_1251 : i32 to index
      %swap3A_1253 = arith.index_cast %scan3A_1056 : i32 to index
      %swap3A_1254 = arith.constant 96 : index
      %swap3A_1255 = tpu.vector_load %arg8[%swap3A_1252, %swap3A_1253, %swap3A_1254] {strides = array<i32>} : memref<4x128x128xf32, #tpu.memory_space<vmem>>, vector<1x1x16xf32>,
      %swap3A_1256 = vector.shape_cast %swap3A_1255 : vector<1x1x16xf32> to vector<16xf32>
      %swap3A_1257 = vector.shape_cast %get3A_1250 : vector<16xf32> to vector<1x1x16xf32>
      tpu.vector_store %arg8[%swap3A_1252, %swap3A_1253, %swap3A_1254], %swap3A_1257 {add = true, strides = array<i32>} : memref<4x128x128xf32, #tpu.memory_space<vmem>>, vector<1x1x16xf32>,
      %swap3A_1258 = arith.constant 1 : i32
      %swap3A_1259 = arith.index_cast %swap3A_1258 : i32 to index
      %swap3A_1260 = arith.index_cast %scan3A_1056 : i32 to index
      %swap3A_1261 = arith.constant 96 : index
      %swap3A_1262 = tpu.vector_load %arg8[%swap3A_1259, %swap3A_1260, %swap3A_1261] {strides = array<i32>} : memref<4x128x128xf32, #tpu.memory_space<vmem>>, vector<1x1x16xf32>,
      %swap3A_1263 = vector.shape_cast %swap3A_1262 : vector<1x1x16xf32> to vector<16xf32>
      %swap3A_1264 = vector.shape_cast %get3A_1250 : vector<16xf32> to vector<1x1x16xf32>
      tpu.vector_store %arg8[%swap3A_1259, %swap3A_1260, %swap3A_1261], %swap3A_1264 {add = true, strides = array<i32>} : memref<4x128x128xf32, #tpu.memory_space<vmem>>, vector<1x1x16xf32>,
      %swap3A_1265 = arith.constant 2 : i32
      %swap3A_1266 = arith.index_cast %swap3A_1265 : i32 to index
      %swap3A_1267 = arith.index_cast %scan3A_1056 : i32 to index
      %swap3A_1268 = arith.constant 96 : index
      %swap3A_1269 = tpu.vector_load %arg8[%swap3A_1266, %swap3A_1267, %swap3A_1268] {strides = array<i32>} : memref<4x128x128xf32, #tpu.memory_space<vmem>>, vector<1x1x16xf32>,
      %swap3A_1270 = vector.shape_cast %swap3A_1269 : vector<1x1x16xf32> to vector<16xf32>
      %swap3A_1271 = vector.shape_cast %get3A_1250 : vector<16xf32> to vector<1x1x16xf32>
      tpu.vector_store %arg8[%swap3A_1266, %swap3A_1267, %swap3A_1268], %swap3A_1271 {add = true, strides = array<i32>} : memref<4x128x128xf32, #tpu.memory_space<vmem>>, vector<1x1x16xf32>,
      %swap3A_1272 = arith.constant 3 : i32
      %swap3A_1273 = arith.index_cast %swap3A_1272 : i32 to index
      %swap3A_1274 = arith.index_cast %scan3A_1056 : i32 to index
      %swap3A_1275 = arith.constant 96 : index
      %swap3A_1276 = tpu.vector_load %arg8[%swap3A_1273, %swap3A_1274, %swap3A_1275] {strides = array<i32>} : memref<4x128x128xf32, #tpu.memory_space<vmem>>, vector<1x1x16xf32>,
      %swap3A_1277 = vector.shape_cast %swap3A_1276 : vector<1x1x16xf32> to vector<16xf32>
      %swap3A_1278 = vector.shape_cast %get3A_1250 : vector<16xf32> to vector<1x1x16xf32>
      tpu.vector_store %arg8[%swap3A_1273, %swap3A_1274, %swap3A_1275], %swap3A_1278 {add = true, strides = array<i32>} : memref<4x128x128xf32, #tpu.memory_space<vmem>>, vector<1x1x16xf32>,
      %get3A_1279 = arith.index_cast %scan3A_1056 : i32 to index
      %get3A_1280 = arith.constant 112 : index
      %get3A_1281 = tpu.vector_load %arg7[%get3A_1279, %get3A_1280] {strides = array<i32>} : memref<128x128xf32, #tpu.memory_space<vmem>>, vector<1x16xf32>,
      %get3A_1282 = vector.shape_cast %get3A_1281 : vector<1x16xf32> to vector<16xf32>
      %swap3A_1283 = arith.constant 0 : i32
      %swap3A_1284 = arith.index_cast %swap3A_1283 : i32 to index
      %swap3A_1285 = arith.index_cast %scan3A_1056 : i32 to index
      %swap3A_1286 = arith.constant 112 : index
      %swap3A_1287 = tpu.vector_load %arg8[%swap3A_1284, %swap3A_1285, %swap3A_1286] {strides = array<i32>} : memref<4x128x128xf32, #tpu.memory_space<vmem>>, vector<1x1x16xf32>,
      %swap3A_1288 = vector.shape_cast %swap3A_1287 : vector<1x1x16xf32> to vector<16xf32>
      %swap3A_1289 = vector.shape_cast %get3A_1282 : vector<16xf32> to vector<1x1x16xf32>
      tpu.vector_store %arg8[%swap3A_1284, %swap3A_1285, %swap3A_1286], %swap3A_1289 {add = true, strides = array<i32>} : memref<4x128x128xf32, #tpu.memory_space<vmem>>, vector<1x1x16xf32>,
      %swap3A_1290 = arith.constant 1 : i32
      %swap3A_1291 = arith.index_cast %swap3A_1290 : i32 to index
      %swap3A_1292 = arith.index_cast %scan3A_1056 : i32 to index
      %swap3A_1293 = arith.constant 112 : index
      %swap3A_1294 = tpu.vector_load %arg8[%swap3A_1291, %swap3A_1292, %swap3A_1293] {strides = array<i32>} : memref<4x128x128xf32, #tpu.memory_space<vmem>>, vector<1x1x16xf32>,
      %swap3A_1295 = vector.shape_cast %swap3A_1294 : vector<1x1x16xf32> to vector<16xf32>
      %swap3A_1296 = vector.shape_cast %get3A_1282 : vector<16xf32> to vector<1x1x16xf32>
      tpu.vector_store %arg8[%swap3A_1291, %swap3A_1292, %swap3A_1293], %swap3A_1296 {add = true, strides = array<i32>} : memref<4x128x128xf32, #tpu.memory_space<vmem>>, vector<1x1x16xf32>,
      %swap3A_1297 = arith.constant 2 : i32
      %swap3A_1298 = arith.index_cast %swap3A_1297 : i32 to index
      %swap3A_1299 = arith.index_cast %scan3A_1056 : i32 to index
      %swap3A_1300 = arith.constant 112 : index
      %swap3A_1301 = tpu.vector_load %arg8[%swap3A_1298, %swap3A_1299, %swap3A_1300] {strides = array<i32>} : memref<4x128x128xf32, #tpu.memory_space<vmem>>, vector<1x1x16xf32>,
      %swap3A_1302 = vector.shape_cast %swap3A_1301 : vector<1x1x16xf32> to vector<16xf32>
      %swap3A_1303 = vector.shape_cast %get3A_1282 : vector<16xf32> to vector<1x1x16xf32>
      tpu.vector_store %arg8[%swap3A_1298, %swap3A_1299, %swap3A_1300], %swap3A_1303 {add = true, strides = array<i32>} : memref<4x128x128xf32, #tpu.memory_space<vmem>>, vector<1x1x16xf32>,
      %swap3A_1304 = arith.constant 3 : i32
      %swap3A_1305 = arith.index_cast %swap3A_1304 : i32 to index
      %swap3A_1306 = arith.index_cast %scan3A_1056 : i32 to index
      %swap3A_1307 = arith.constant 112 : index
      %swap3A_1308 = tpu.vector_load %arg8[%swap3A_1305, %swap3A_1306, %swap3A_1307] {strides = array<i32>} : memref<4x128x128xf32, #tpu.memory_space<vmem>>, vector<1x1x16xf32>,
      %swap3A_1309 = vector.shape_cast %swap3A_1308 : vector<1x1x16xf32> to vector<16xf32>
      %swap3A_1310 = vector.shape_cast %get3A_1282 : vector<16xf32> to vector<1x1x16xf32>
      tpu.vector_store %arg8[%swap3A_1305, %swap3A_1306, %swap3A_1307], %swap3A_1310 {add = true, strides = array<i32>} : memref<4x128x128xf32, #tpu.memory_space<vmem>>, vector<1x1x16xf32>,
    }
    %scan3A_589 = arith.constant 32 : i32
    %add3A_590 = arith.constant 64 : i32
    %add3A_591 = arith.addi %mul3A_2, %add3A_590 : i32
    %dma_start3A_592 = arith.constant 0 : i32
    %dma_start3A_593 = arith.constant 0 : i32
    %dma_start3A_594 = arith.constant 64 : i32
    %dma_start3A_595 = arith.constant 0 : i32
    %dma_start3A_596 = tpu.memref_slice %arg8[%dma_start3A_592, %dma_start3A_594, %dma_start3A_595] : memref<4x128x128xf32, #tpu.memory_space<vmem>> -> memref<1x32x128xf32, #tpu.memory_space<vmem>>
    %dma_start3A_597 = tpu.memref_squeeze %dma_start3A_596 : memref<1x32x128xf32, #tpu.memory_space<vmem>> -> memref<32x128xf32, #tpu.memory_space<vmem>>
    %dma_start3A_598 = arith.constant 0 : i32
    %dma_start3A_599 = tpu.memref_slice %arg5[%dma_start3A_593, %add3A_591, %dma_start3A_598] : memref<4x4096x128xf32, #tpu.memory_space<hbm>> -> memref<1x32x128xf32, #tpu.memory_space<hbm>>
    %dma_start3A_600 = tpu.memref_squeeze %dma_start3A_599 : memref<1x32x128xf32, #tpu.memory_space<hbm>> -> memref<32x128xf32, #tpu.memory_space<hbm>>
    %dma_start3A_601 = arith.constant 0 : i32
    %dma_start3A_602 = tpu.memref_slice %arg5[%dma_start3A_593, %add3A_591, %dma_start3A_601] : memref<4x4096x128xf32, #tpu.memory_space<hbm>> -> memref<1x32x128xf32, #tpu.memory_space<hbm>>
    %dma_start3A_603 = tpu.memref_squeeze %dma_start3A_602 : memref<1x32x128xf32, #tpu.memory_space<hbm>> -> memref<32x128xf32, #tpu.memory_space<hbm>>
    %dma_start3A_604 = arith.constant 64 : i32
    %dma_start3A_605 = arith.constant 0 : i32
    %dma_start3A_606 = tpu.memref_slice %arg8[%dma_start3A_592, %dma_start3A_604, %dma_start3A_605] : memref<4x128x128xf32, #tpu.memory_space<vmem>> -> memref<1x32x128xf32, #tpu.memory_space<vmem>>
    %dma_start3A_607 = tpu.memref_squeeze %dma_start3A_606 : memref<1x32x128xf32, #tpu.memory_space<vmem>> -> memref<32x128xf32, #tpu.memory_space<vmem>>
    tpu.enqueue_dma source(%dma_start3A_607 : memref<32x128xf32, #tpu.memory_space<vmem>>) target(%dma_start3A_603 : memref<32x128xf32, #tpu.memory_space<hbm>>) target_semaphore(%arg11 : memref<!tpu.dma_semaphore, #tpu.memory_space<semaphore_mem>>)
    %add3A_608 = arith.constant 64 : i32
    %add3A_609 = arith.addi %mul3A_2, %add3A_608 : i32
    %dma_start3A_610 = arith.constant 1 : i32
    %dma_start3A_611 = arith.constant 1 : i32
    %dma_start3A_612 = arith.constant 64 : i32
    %dma_start3A_613 = arith.constant 0 : i32
    %dma_start3A_614 = tpu.memref_slice %arg8[%dma_start3A_610, %dma_start3A_612, %dma_start3A_613] : memref<4x128x128xf32, #tpu.memory_space<vmem>> -> memref<1x32x128xf32, #tpu.memory_space<vmem>>
    %dma_start3A_615 = tpu.memref_squeeze %dma_start3A_614 : memref<1x32x128xf32, #tpu.memory_space<vmem>> -> memref<32x128xf32, #tpu.memory_space<vmem>>
    %dma_start3A_616 = arith.constant 0 : i32
    %dma_start3A_617 = tpu.memref_slice %arg5[%dma_start3A_611, %add3A_609, %dma_start3A_616] : memref<4x4096x128xf32, #tpu.memory_space<hbm>> -> memref<1x32x128xf32, #tpu.memory_space<hbm>>
    %dma_start3A_618 = tpu.memref_squeeze %dma_start3A_617 : memref<1x32x128xf32, #tpu.memory_space<hbm>> -> memref<32x128xf32, #tpu.memory_space<hbm>>
    %dma_start3A_619 = arith.constant 0 : i32
    %dma_start3A_620 = tpu.memref_slice %arg5[%dma_start3A_611, %add3A_609, %dma_start3A_619] : memref<4x4096x128xf32, #tpu.memory_space<hbm>> -> memref<1x32x128xf32, #tpu.memory_space<hbm>>
    %dma_start3A_621 = tpu.memref_squeeze %dma_start3A_620 : memref<1x32x128xf32, #tpu.memory_space<hbm>> -> memref<32x128xf32, #tpu.memory_space<hbm>>
    %dma_start3A_622 = arith.constant 64 : i32
    %dma_start3A_623 = arith.constant 0 : i32
    %dma_start3A_624 = tpu.memref_slice %arg8[%dma_start3A_610, %dma_start3A_622, %dma_start3A_623] : memref<4x128x128xf32, #tpu.memory_space<vmem>> -> memref<1x32x128xf32, #tpu.memory_space<vmem>>
    %dma_start3A_625 = tpu.memref_squeeze %dma_start3A_624 : memref<1x32x128xf32, #tpu.memory_space<vmem>> -> memref<32x128xf32, #tpu.memory_space<vmem>>
    tpu.enqueue_dma source(%dma_start3A_625 : memref<32x128xf32, #tpu.memory_space<vmem>>) target(%dma_start3A_621 : memref<32x128xf32, #tpu.memory_space<hbm>>) target_semaphore(%arg11 : memref<!tpu.dma_semaphore, #tpu.memory_space<semaphore_mem>>)
    %add3A_626 = arith.constant 64 : i32
    %add3A_627 = arith.addi %mul3A_2, %add3A_626 : i32
    %dma_start3A_628 = arith.constant 2 : i32
    %dma_start3A_629 = arith.constant 2 : i32
    %dma_start3A_630 = arith.constant 64 : i32
    %dma_start3A_631 = arith.constant 0 : i32
    %dma_start3A_632 = tpu.memref_slice %arg8[%dma_start3A_628, %dma_start3A_630, %dma_start3A_631] : memref<4x128x128xf32, #tpu.memory_space<vmem>> -> memref<1x32x128xf32, #tpu.memory_space<vmem>>
    %dma_start3A_633 = tpu.memref_squeeze %dma_start3A_632 : memref<1x32x128xf32, #tpu.memory_space<vmem>> -> memref<32x128xf32, #tpu.memory_space<vmem>>
    %dma_start3A_634 = arith.constant 0 : i32
    %dma_start3A_635 = tpu.memref_slice %arg5[%dma_start3A_629, %add3A_627, %dma_start3A_634] : memref<4x4096x128xf32, #tpu.memory_space<hbm>> -> memref<1x32x128xf32, #tpu.memory_space<hbm>>
    %dma_start3A_636 = tpu.memref_squeeze %dma_start3A_635 : memref<1x32x128xf32, #tpu.memory_space<hbm>> -> memref<32x128xf32, #tpu.memory_space<hbm>>
    %dma_start3A_637 = arith.constant 0 : i32
    %dma_start3A_638 = tpu.memref_slice %arg5[%dma_start3A_629, %add3A_627, %dma_start3A_637] : memref<4x4096x128xf32, #tpu.memory_space<hbm>> -> memref<1x32x128xf32, #tpu.memory_space<hbm>>
    %dma_start3A_639 = tpu.memref_squeeze %dma_start3A_638 : memref<1x32x128xf32, #tpu.memory_space<hbm>> -> memref<32x128xf32, #tpu.memory_space<hbm>>
    %dma_start3A_640 = arith.constant 64 : i32
    %dma_start3A_641 = arith.constant 0 : i32
    %dma_start3A_642 = tpu.memref_slice %arg8[%dma_start3A_628, %dma_start3A_640, %dma_start3A_641] : memref<4x128x128xf32, #tpu.memory_space<vmem>> -> memref<1x32x128xf32, #tpu.memory_space<vmem>>
    %dma_start3A_643 = tpu.memref_squeeze %dma_start3A_642 : memref<1x32x128xf32, #tpu.memory_space<vmem>> -> memref<32x128xf32, #tpu.memory_space<vmem>>
    tpu.enqueue_dma source(%dma_start3A_643 : memref<32x128xf32, #tpu.memory_space<vmem>>) target(%dma_start3A_639 : memref<32x128xf32, #tpu.memory_space<hbm>>) target_semaphore(%arg11 : memref<!tpu.dma_semaphore, #tpu.memory_space<semaphore_mem>>)
    %add3A_644 = arith.constant 64 : i32
    %add3A_645 = arith.addi %mul3A_2, %add3A_644 : i32
    %dma_start3A_646 = arith.constant 3 : i32
    %dma_start3A_647 = arith.constant 3 : i32
    %dma_start3A_648 = arith.constant 64 : i32
    %dma_start3A_649 = arith.constant 0 : i32
    %dma_start3A_650 = tpu.memref_slice %arg8[%dma_start3A_646, %dma_start3A_648, %dma_start3A_649] : memref<4x128x128xf32, #tpu.memory_space<vmem>> -> memref<1x32x128xf32, #tpu.memory_space<vmem>>
    %dma_start3A_651 = tpu.memref_squeeze %dma_start3A_650 : memref<1x32x128xf32, #tpu.memory_space<vmem>> -> memref<32x128xf32, #tpu.memory_space<vmem>>
    %dma_start3A_652 = arith.constant 0 : i32
    %dma_start3A_653 = tpu.memref_slice %arg5[%dma_start3A_647, %add3A_645, %dma_start3A_652] : memref<4x4096x128xf32, #tpu.memory_space<hbm>> -> memref<1x32x128xf32, #tpu.memory_space<hbm>>
    %dma_start3A_654 = tpu.memref_squeeze %dma_start3A_653 : memref<1x32x128xf32, #tpu.memory_space<hbm>> -> memref<32x128xf32, #tpu.memory_space<hbm>>
    %dma_start3A_655 = arith.constant 0 : i32
    %dma_start3A_656 = tpu.memref_slice %arg5[%dma_start3A_647, %add3A_645, %dma_start3A_655] : memref<4x4096x128xf32, #tpu.memory_space<hbm>> -> memref<1x32x128xf32, #tpu.memory_space<hbm>>
    %dma_start3A_657 = tpu.memref_squeeze %dma_start3A_656 : memref<1x32x128xf32, #tpu.memory_space<hbm>> -> memref<32x128xf32, #tpu.memory_space<hbm>>
    %dma_start3A_658 = arith.constant 64 : i32
    %dma_start3A_659 = arith.constant 0 : i32
    %dma_start3A_660 = tpu.memref_slice %arg8[%dma_start3A_646, %dma_start3A_658, %dma_start3A_659] : memref<4x128x128xf32, #tpu.memory_space<vmem>> -> memref<1x32x128xf32, #tpu.memory_space<vmem>>
    %dma_start3A_661 = tpu.memref_squeeze %dma_start3A_660 : memref<1x32x128xf32, #tpu.memory_space<vmem>> -> memref<32x128xf32, #tpu.memory_space<vmem>>
    tpu.enqueue_dma source(%dma_start3A_661 : memref<32x128xf32, #tpu.memory_space<vmem>>) target(%dma_start3A_657 : memref<32x128xf32, #tpu.memory_space<hbm>>) target_semaphore(%arg11 : memref<!tpu.dma_semaphore, #tpu.memory_space<semaphore_mem>>)
    %dma_wait3A_662 = arith.constant 0 : i32
    %dma_wait3A_663 = arith.constant 0 : i32
    %dma_wait3A_664 = arith.constant 3 : i32
    %dma_wait3A_665 = arith.constant 96 : i32
    %dma_wait3A_666 = arith.constant 0 : i32
    %dma_wait3A_667 = tpu.memref_slice %arg8[%dma_wait3A_663, %dma_wait3A_665, %dma_wait3A_666] : memref<4x128x128xf32, #tpu.memory_space<vmem>> -> memref<1x32x128xf32, #tpu.memory_space<vmem>>
    %dma_wait3A_668 = tpu.memref_squeeze %dma_wait3A_667 : memref<1x32x128xf32, #tpu.memory_space<vmem>> -> memref<32x128xf32, #tpu.memory_space<vmem>>
    %dma_wait3A_669 = arith.constant 96 : i32
    %dma_wait3A_670 = tpu.memref_slice %arg6[%dma_wait3A_662, %dma_wait3A_669] : memref<4x128xi32, #tpu.memory_space<vmem>> -> memref<1x32xi32, #tpu.memory_space<vmem>>
    %dma_wait3A_671 = tpu.memref_squeeze %dma_wait3A_670 : memref<1x32xi32, #tpu.memory_space<vmem>> -> memref<32xi32, #tpu.memory_space<vmem>>
    %dma_wait3A_672 = arith.constant 0 : i32
    %dma_wait3A_673 = arith.constant 0 : i32
    %dma_wait3A_674 = tpu.memref_slice %arg3[%dma_wait3A_672, %dma_wait3A_673] : memref<100000x128xf32, #tpu.memory_space<hbm>> -> memref<100000x128xf32, #tpu.memory_space<hbm>>
    %dma_wait3A_675 = tpu.memref_slice %arg9[%dma_wait3A_664] : memref<5x!tpu.dma_semaphore, #tpu.memory_space<semaphore_mem>> -> memref<1x!tpu.dma_semaphore, #tpu.memory_space<semaphore_mem>>
    %dma_wait3A_676 = tpu.memref_squeeze %dma_wait3A_675 : memref<1x!tpu.dma_semaphore, #tpu.memory_space<semaphore_mem>> -> memref<!tpu.dma_semaphore, #tpu.memory_space<semaphore_mem>>
    tpu.wait_indirect_dma semaphore(%dma_wait3A_676 : memref<!tpu.dma_semaphore, #tpu.memory_space<semaphore_mem>>) src(%dma_wait3A_674 : memref<100000x128xf32, #tpu.memory_space<hbm>>) dst(%dma_wait3A_668 : memref<32x128xf32, #tpu.memory_space<vmem>>)
    %dma_wait3A_677 = arith.constant 1 : i32
    %dma_wait3A_678 = arith.constant 1 : i32
    %dma_wait3A_679 = arith.constant 3 : i32
    %dma_wait3A_680 = arith.constant 96 : i32
    %dma_wait3A_681 = arith.constant 0 : i32
    %dma_wait3A_682 = tpu.memref_slice %arg8[%dma_wait3A_678, %dma_wait3A_680, %dma_wait3A_681] : memref<4x128x128xf32, #tpu.memory_space<vmem>> -> memref<1x32x128xf32, #tpu.memory_space<vmem>>
    %dma_wait3A_683 = tpu.memref_squeeze %dma_wait3A_682 : memref<1x32x128xf32, #tpu.memory_space<vmem>> -> memref<32x128xf32, #tpu.memory_space<vmem>>
    %dma_wait3A_684 = arith.constant 96 : i32
    %dma_wait3A_685 = tpu.memref_slice %arg6[%dma_wait3A_677, %dma_wait3A_684] : memref<4x128xi32, #tpu.memory_space<vmem>> -> memref<1x32xi32, #tpu.memory_space<vmem>>
    %dma_wait3A_686 = tpu.memref_squeeze %dma_wait3A_685 : memref<1x32xi32, #tpu.memory_space<vmem>> -> memref<32xi32, #tpu.memory_space<vmem>>
    %dma_wait3A_687 = arith.constant 0 : i32
    %dma_wait3A_688 = arith.constant 0 : i32
    %dma_wait3A_689 = tpu.memref_slice %arg3[%dma_wait3A_687, %dma_wait3A_688] : memref<100000x128xf32, #tpu.memory_space<hbm>> -> memref<100000x128xf32, #tpu.memory_space<hbm>>
    %dma_wait3A_690 = tpu.memref_slice %arg9[%dma_wait3A_679] : memref<5x!tpu.dma_semaphore, #tpu.memory_space<semaphore_mem>> -> memref<1x!tpu.dma_semaphore, #tpu.memory_space<semaphore_mem>>
    %dma_wait3A_691 = tpu.memref_squeeze %dma_wait3A_690 : memref<1x!tpu.dma_semaphore, #tpu.memory_space<semaphore_mem>> -> memref<!tpu.dma_semaphore, #tpu.memory_space<semaphore_mem>>
    tpu.wait_indirect_dma semaphore(%dma_wait3A_691 : memref<!tpu.dma_semaphore, #tpu.memory_space<semaphore_mem>>) src(%dma_wait3A_689 : memref<100000x128xf32, #tpu.memory_space<hbm>>) dst(%dma_wait3A_683 : memref<32x128xf32, #tpu.memory_space<vmem>>)
    %dma_wait3A_692 = arith.constant 2 : i32
    %dma_wait3A_693 = arith.constant 2 : i32
    %dma_wait3A_694 = arith.constant 3 : i32
    %dma_wait3A_695 = arith.constant 96 : i32
    %dma_wait3A_696 = arith.constant 0 : i32
    %dma_wait3A_697 = tpu.memref_slice %arg8[%dma_wait3A_693, %dma_wait3A_695, %dma_wait3A_696] : memref<4x128x128xf32, #tpu.memory_space<vmem>> -> memref<1x32x128xf32, #tpu.memory_space<vmem>>
    %dma_wait3A_698 = tpu.memref_squeeze %dma_wait3A_697 : memref<1x32x128xf32, #tpu.memory_space<vmem>> -> memref<32x128xf32, #tpu.memory_space<vmem>>
    %dma_wait3A_699 = arith.constant 96 : i32
    %dma_wait3A_700 = tpu.memref_slice %arg6[%dma_wait3A_692, %dma_wait3A_699] : memref<4x128xi32, #tpu.memory_space<vmem>> -> memref<1x32xi32, #tpu.memory_space<vmem>>
    %dma_wait3A_701 = tpu.memref_squeeze %dma_wait3A_700 : memref<1x32xi32, #tpu.memory_space<vmem>> -> memref<32xi32, #tpu.memory_space<vmem>>
    %dma_wait3A_702 = arith.constant 0 : i32
    %dma_wait3A_703 = arith.constant 0 : i32
    %dma_wait3A_704 = tpu.memref_slice %arg3[%dma_wait3A_702, %dma_wait3A_703] : memref<100000x128xf32, #tpu.memory_space<hbm>> -> memref<100000x128xf32, #tpu.memory_space<hbm>>
    %dma_wait3A_705 = tpu.memref_slice %arg9[%dma_wait3A_694] : memref<5x!tpu.dma_semaphore, #tpu.memory_space<semaphore_mem>> -> memref<1x!tpu.dma_semaphore, #tpu.memory_space<semaphore_mem>>
    %dma_wait3A_706 = tpu.memref_squeeze %dma_wait3A_705 : memref<1x!tpu.dma_semaphore, #tpu.memory_space<semaphore_mem>> -> memref<!tpu.dma_semaphore, #tpu.memory_space<semaphore_mem>>
    tpu.wait_indirect_dma semaphore(%dma_wait3A_706 : memref<!tpu.dma_semaphore, #tpu.memory_space<semaphore_mem>>) src(%dma_wait3A_704 : memref<100000x128xf32, #tpu.memory_space<hbm>>) dst(%dma_wait3A_698 : memref<32x128xf32, #tpu.memory_space<vmem>>)
    %dma_wait3A_707 = arith.constant 3 : i32
    %dma_wait3A_708 = arith.constant 3 : i32
    %dma_wait3A_709 = arith.constant 3 : i32
    %dma_wait3A_710 = arith.constant 96 : i32
    %dma_wait3A_711 = arith.constant 0 : i32
    %dma_wait3A_712 = tpu.memref_slice %arg8[%dma_wait3A_708, %dma_wait3A_710, %dma_wait3A_711] : memref<4x128x128xf32, #tpu.memory_space<vmem>> -> memref<1x32x128xf32, #tpu.memory_space<vmem>>
    %dma_wait3A_713 = tpu.memref_squeeze %dma_wait3A_712 : memref<1x32x128xf32, #tpu.memory_space<vmem>> -> memref<32x128xf32, #tpu.memory_space<vmem>>
    %dma_wait3A_714 = arith.constant 96 : i32
    %dma_wait3A_715 = tpu.memref_slice %arg6[%dma_wait3A_707, %dma_wait3A_714] : memref<4x128xi32, #tpu.memory_space<vmem>> -> memref<1x32xi32, #tpu.memory_space<vmem>>
    %dma_wait3A_716 = tpu.memref_squeeze %dma_wait3A_715 : memref<1x32xi32, #tpu.memory_space<vmem>> -> memref<32xi32, #tpu.memory_space<vmem>>
    %dma_wait3A_717 = arith.constant 0 : i32
    %dma_wait3A_718 = arith.constant 0 : i32
    %dma_wait3A_719 = tpu.memref_slice %arg3[%dma_wait3A_717, %dma_wait3A_718] : memref<100000x128xf32, #tpu.memory_space<hbm>> -> memref<100000x128xf32, #tpu.memory_space<hbm>>
    %dma_wait3A_720 = tpu.memref_slice %arg9[%dma_wait3A_709] : memref<5x!tpu.dma_semaphore, #tpu.memory_space<semaphore_mem>> -> memref<1x!tpu.dma_semaphore, #tpu.memory_space<semaphore_mem>>
    %dma_wait3A_721 = tpu.memref_squeeze %dma_wait3A_720 : memref<1x!tpu.dma_semaphore, #tpu.memory_space<semaphore_mem>> -> memref<!tpu.dma_semaphore, #tpu.memory_space<semaphore_mem>>
    tpu.wait_indirect_dma semaphore(%dma_wait3A_721 : memref<!tpu.dma_semaphore, #tpu.memory_space<semaphore_mem>>) src(%dma_wait3A_719 : memref<100000x128xf32, #tpu.memory_space<hbm>>) dst(%dma_wait3A_713 : memref<32x128xf32, #tpu.memory_space<vmem>>)
    %scan3A_722 = arith.constant 0 : i32
    %scan3A_723 = arith.constant 96 : i32
    %scan3A_724 = arith.constant 32 : i32
    %scan3A_725 = arith.addi %scan3A_723, %scan3A_724 : i32
    %scan3A_726 = arith.constant 1 : i32
    scf.for %scan3A_1056 = %scan3A_723 to %scan3A_725 step %scan3A_726  : i32 {
      %get3A = arith.index_cast %scan3A_1056 : i32 to index
      %get3A_1057 = arith.constant 0 : index
      %get3A_1058 = tpu.vector_load %arg7[%get3A, %get3A_1057] {strides = array<i32>} : memref<128x128xf32, #tpu.memory_space<vmem>>, vector<1x16xf32>,
      %get3A_1059 = vector.shape_cast %get3A_1058 : vector<1x16xf32> to vector<16xf32>
      %swap3A = arith.constant 0 : i32
      %swap3A_1060 = arith.index_cast %swap3A : i32 to index
      %swap3A_1061 = arith.index_cast %scan3A_1056 : i32 to index
      %swap3A_1062 = arith.constant 0 : index
      %swap3A_1063 = tpu.vector_load %arg8[%swap3A_1060, %swap3A_1061, %swap3A_1062] {strides = array<i32>} : memref<4x128x128xf32, #tpu.memory_space<vmem>>, vector<1x1x16xf32>,
      %swap3A_1064 = vector.shape_cast %swap3A_1063 : vector<1x1x16xf32> to vector<16xf32>
      %swap3A_1065 = vector.shape_cast %get3A_1059 : vector<16xf32> to vector<1x1x16xf32>
      tpu.vector_store %arg8[%swap3A_1060, %swap3A_1061, %swap3A_1062], %swap3A_1065 {add = true, strides = array<i32>} : memref<4x128x128xf32, #tpu.memory_space<vmem>>, vector<1x1x16xf32>,
      %swap3A_1066 = arith.constant 1 : i32
      %swap3A_1067 = arith.index_cast %swap3A_1066 : i32 to index
      %swap3A_1068 = arith.index_cast %scan3A_1056 : i32 to index
      %swap3A_1069 = arith.constant 0 : index
      %swap3A_1070 = tpu.vector_load %arg8[%swap3A_1067, %swap3A_1068, %swap3A_1069] {strides = array<i32>} : memref<4x128x128xf32, #tpu.memory_space<vmem>>, vector<1x1x16xf32>,
      %swap3A_1071 = vector.shape_cast %swap3A_1070 : vector<1x1x16xf32> to vector<16xf32>
      %swap3A_1072 = vector.shape_cast %get3A_1059 : vector<16xf32> to vector<1x1x16xf32>
      tpu.vector_store %arg8[%swap3A_1067, %swap3A_1068, %swap3A_1069], %swap3A_1072 {add = true, strides = array<i32>} : memref<4x128x128xf32, #tpu.memory_space<vmem>>, vector<1x1x16xf32>,
      %swap3A_1073 = arith.constant 2 : i32
      %swap3A_1074 = arith.index_cast %swap3A_1073 : i32 to index
      %swap3A_1075 = arith.index_cast %scan3A_1056 : i32 to index
      %swap3A_1076 = arith.constant 0 : index
      %swap3A_1077 = tpu.vector_load %arg8[%swap3A_1074, %swap3A_1075, %swap3A_1076] {strides = array<i32>} : memref<4x128x128xf32, #tpu.memory_space<vmem>>, vector<1x1x16xf32>,
      %swap3A_1078 = vector.shape_cast %swap3A_1077 : vector<1x1x16xf32> to vector<16xf32>
      %swap3A_1079 = vector.shape_cast %get3A_1059 : vector<16xf32> to vector<1x1x16xf32>
      tpu.vector_store %arg8[%swap3A_1074, %swap3A_1075, %swap3A_1076], %swap3A_1079 {add = true, strides = array<i32>} : memref<4x128x128xf32, #tpu.memory_space<vmem>>, vector<1x1x16xf32>,
      %swap3A_1080 = arith.constant 3 : i32
      %swap3A_1081 = arith.index_cast %swap3A_1080 : i32 to index
      %swap3A_1082 = arith.index_cast %scan3A_1056 : i32 to index
      %swap3A_1083 = arith.constant 0 : index
      %swap3A_1084 = tpu.vector_load %arg8[%swap3A_1081, %swap3A_1082, %swap3A_1083] {strides = array<i32>} : memref<4x128x128xf32, #tpu.memory_space<vmem>>, vector<1x1x16xf32>,
      %swap3A_1085 = vector.shape_cast %swap3A_1084 : vector<1x1x16xf32> to vector<16xf32>
      %swap3A_1086 = vector.shape_cast %get3A_1059 : vector<16xf32> to vector<1x1x16xf32>
      tpu.vector_store %arg8[%swap3A_1081, %swap3A_1082, %swap3A_1083], %swap3A_1086 {add = true, strides = array<i32>} : memref<4x128x128xf32, #tpu.memory_space<vmem>>, vector<1x1x16xf32>,
      %get3A_1087 = arith.index_cast %scan3A_1056 : i32 to index
      %get3A_1088 = arith.constant 16 : index
      %get3A_1089 = tpu.vector_load %arg7[%get3A_1087, %get3A_1088] {strides = array<i32>} : memref<128x128xf32, #tpu.memory_space<vmem>>, vector<1x16xf32>,
      %get3A_1090 = vector.shape_cast %get3A_1089 : vector<1x16xf32> to vector<16xf32>
      %swap3A_1091 = arith.constant 0 : i32
      %swap3A_1092 = arith.index_cast %swap3A_1091 : i32 to index
      %swap3A_1093 = arith.index_cast %scan3A_1056 : i32 to index
      %swap3A_1094 = arith.constant 16 : index
      %swap3A_1095 = tpu.vector_load %arg8[%swap3A_1092, %swap3A_1093, %swap3A_1094] {strides = array<i32>} : memref<4x128x128xf32, #tpu.memory_space<vmem>>, vector<1x1x16xf32>,
      %swap3A_1096 = vector.shape_cast %swap3A_1095 : vector<1x1x16xf32> to vector<16xf32>
      %swap3A_1097 = vector.shape_cast %get3A_1090 : vector<16xf32> to vector<1x1x16xf32>
      tpu.vector_store %arg8[%swap3A_1092, %swap3A_1093, %swap3A_1094], %swap3A_1097 {add = true, strides = array<i32>} : memref<4x128x128xf32, #tpu.memory_space<vmem>>, vector<1x1x16xf32>,
      %swap3A_1098 = arith.constant 1 : i32
      %swap3A_1099 = arith.index_cast %swap3A_1098 : i32 to index
      %swap3A_1100 = arith.index_cast %scan3A_1056 : i32 to index
      %swap3A_1101 = arith.constant 16 : index
      %swap3A_1102 = tpu.vector_load %arg8[%swap3A_1099, %swap3A_1100, %swap3A_1101] {strides = array<i32>} : memref<4x128x128xf32, #tpu.memory_space<vmem>>, vector<1x1x16xf32>,
      %swap3A_1103 = vector.shape_cast %swap3A_1102 : vector<1x1x16xf32> to vector<16xf32>
      %swap3A_1104 = vector.shape_cast %get3A_1090 : vector<16xf32> to vector<1x1x16xf32>
      tpu.vector_store %arg8[%swap3A_1099, %swap3A_1100, %swap3A_1101], %swap3A_1104 {add = true, strides = array<i32>} : memref<4x128x128xf32, #tpu.memory_space<vmem>>, vector<1x1x16xf32>,
      %swap3A_1105 = arith.constant 2 : i32
      %swap3A_1106 = arith.index_cast %swap3A_1105 : i32 to index
      %swap3A_1107 = arith.index_cast %scan3A_1056 : i32 to index
      %swap3A_1108 = arith.constant 16 : index
      %swap3A_1109 = tpu.vector_load %arg8[%swap3A_1106, %swap3A_1107, %swap3A_1108] {strides = array<i32>} : memref<4x128x128xf32, #tpu.memory_space<vmem>>, vector<1x1x16xf32>,
      %swap3A_1110 = vector.shape_cast %swap3A_1109 : vector<1x1x16xf32> to vector<16xf32>
      %swap3A_1111 = vector.shape_cast %get3A_1090 : vector<16xf32> to vector<1x1x16xf32>
      tpu.vector_store %arg8[%swap3A_1106, %swap3A_1107, %swap3A_1108], %swap3A_1111 {add = true, strides = array<i32>} : memref<4x128x128xf32, #tpu.memory_space<vmem>>, vector<1x1x16xf32>,
      %swap3A_1112 = arith.constant 3 : i32
      %swap3A_1113 = arith.index_cast %swap3A_1112 : i32 to index
      %swap3A_1114 = arith.index_cast %scan3A_1056 : i32 to index
      %swap3A_1115 = arith.constant 16 : index
      %swap3A_1116 = tpu.vector_load %arg8[%swap3A_1113, %swap3A_1114, %swap3A_1115] {strides = array<i32>} : memref<4x128x128xf32, #tpu.memory_space<vmem>>, vector<1x1x16xf32>,
      %swap3A_1117 = vector.shape_cast %swap3A_1116 : vector<1x1x16xf32> to vector<16xf32>
      %swap3A_1118 = vector.shape_cast %get3A_1090 : vector<16xf32> to vector<1x1x16xf32>
      tpu.vector_store %arg8[%swap3A_1113, %swap3A_1114, %swap3A_1115], %swap3A_1118 {add = true, strides = array<i32>} : memref<4x128x128xf32, #tpu.memory_space<vmem>>, vector<1x1x16xf32>,
      %get3A_1119 = arith.index_cast %scan3A_1056 : i32 to index
      %get3A_1120 = arith.constant 32 : index
      %get3A_1121 = tpu.vector_load %arg7[%get3A_1119, %get3A_1120] {strides = array<i32>} : memref<128x128xf32, #tpu.memory_space<vmem>>, vector<1x16xf32>,
      %get3A_1122 = vector.shape_cast %get3A_1121 : vector<1x16xf32> to vector<16xf32>
      %swap3A_1123 = arith.constant 0 : i32
      %swap3A_1124 = arith.index_cast %swap3A_1123 : i32 to index
      %swap3A_1125 = arith.index_cast %scan3A_1056 : i32 to index
      %swap3A_1126 = arith.constant 32 : index
      %swap3A_1127 = tpu.vector_load %arg8[%swap3A_1124, %swap3A_1125, %swap3A_1126] {strides = array<i32>} : memref<4x128x128xf32, #tpu.memory_space<vmem>>, vector<1x1x16xf32>,
      %swap3A_1128 = vector.shape_cast %swap3A_1127 : vector<1x1x16xf32> to vector<16xf32>
      %swap3A_1129 = vector.shape_cast %get3A_1122 : vector<16xf32> to vector<1x1x16xf32>
      tpu.vector_store %arg8[%swap3A_1124, %swap3A_1125, %swap3A_1126], %swap3A_1129 {add = true, strides = array<i32>} : memref<4x128x128xf32, #tpu.memory_space<vmem>>, vector<1x1x16xf32>,
      %swap3A_1130 = arith.constant 1 : i32
      %swap3A_1131 = arith.index_cast %swap3A_1130 : i32 to index
      %swap3A_1132 = arith.index_cast %scan3A_1056 : i32 to index
      %swap3A_1133 = arith.constant 32 : index
      %swap3A_1134 = tpu.vector_load %arg8[%swap3A_1131, %swap3A_1132, %swap3A_1133] {strides = array<i32>} : memref<4x128x128xf32, #tpu.memory_space<vmem>>, vector<1x1x16xf32>,
      %swap3A_1135 = vector.shape_cast %swap3A_1134 : vector<1x1x16xf32> to vector<16xf32>
      %swap3A_1136 = vector.shape_cast %get3A_1122 : vector<16xf32> to vector<1x1x16xf32>
      tpu.vector_store %arg8[%swap3A_1131, %swap3A_1132, %swap3A_1133], %swap3A_1136 {add = true, strides = array<i32>} : memref<4x128x128xf32, #tpu.memory_space<vmem>>, vector<1x1x16xf32>,
      %swap3A_1137 = arith.constant 2 : i32
      %swap3A_1138 = arith.index_cast %swap3A_1137 : i32 to index
      %swap3A_1139 = arith.index_cast %scan3A_1056 : i32 to index
      %swap3A_1140 = arith.constant 32 : index
      %swap3A_1141 = tpu.vector_load %arg8[%swap3A_1138, %swap3A_1139, %swap3A_1140] {strides = array<i32>} : memref<4x128x128xf32, #tpu.memory_space<vmem>>, vector<1x1x16xf32>,
      %swap3A_1142 = vector.shape_cast %swap3A_1141 : vector<1x1x16xf32> to vector<16xf32>
      %swap3A_1143 = vector.shape_cast %get3A_1122 : vector<16xf32> to vector<1x1x16xf32>
      tpu.vector_store %arg8[%swap3A_1138, %swap3A_1139, %swap3A_1140], %swap3A_1143 {add = true, strides = array<i32>} : memref<4x128x128xf32, #tpu.memory_space<vmem>>, vector<1x1x16xf32>,
      %swap3A_1144 = arith.constant 3 : i32
      %swap3A_1145 = arith.index_cast %swap3A_1144 : i32 to index
      %swap3A_1146 = arith.index_cast %scan3A_1056 : i32 to index
      %swap3A_1147 = arith.constant 32 : index
      %swap3A_1148 = tpu.vector_load %arg8[%swap3A_1145, %swap3A_1146, %swap3A_1147] {strides = array<i32>} : memref<4x128x128xf32, #tpu.memory_space<vmem>>, vector<1x1x16xf32>,
      %swap3A_1149 = vector.shape_cast %swap3A_1148 : vector<1x1x16xf32> to vector<16xf32>
      %swap3A_1150 = vector.shape_cast %get3A_1122 : vector<16xf32> to vector<1x1x16xf32>
      tpu.vector_store %arg8[%swap3A_1145, %swap3A_1146, %swap3A_1147], %swap3A_1150 {add = true, strides = array<i32>} : memref<4x128x128xf32, #tpu.memory_space<vmem>>, vector<1x1x16xf32>,
      %get3A_1151 = arith.index_cast %scan3A_1056 : i32 to index
      %get3A_1152 = arith.constant 48 : index
      %get3A_1153 = tpu.vector_load %arg7[%get3A_1151, %get3A_1152] {strides = array<i32>} : memref<128x128xf32, #tpu.memory_space<vmem>>, vector<1x16xf32>,
      %get3A_1154 = vector.shape_cast %get3A_1153 : vector<1x16xf32> to vector<16xf32>
      %swap3A_1155 = arith.constant 0 : i32
      %swap3A_1156 = arith.index_cast %swap3A_1155 : i32 to index
      %swap3A_1157 = arith.index_cast %scan3A_1056 : i32 to index
      %swap3A_1158 = arith.constant 48 : index
      %swap3A_1159 = tpu.vector_load %arg8[%swap3A_1156, %swap3A_1157, %swap3A_1158] {strides = array<i32>} : memref<4x128x128xf32, #tpu.memory_space<vmem>>, vector<1x1x16xf32>,
      %swap3A_1160 = vector.shape_cast %swap3A_1159 : vector<1x1x16xf32> to vector<16xf32>
      %swap3A_1161 = vector.shape_cast %get3A_1154 : vector<16xf32> to vector<1x1x16xf32>
      tpu.vector_store %arg8[%swap3A_1156, %swap3A_1157, %swap3A_1158], %swap3A_1161 {add = true, strides = array<i32>} : memref<4x128x128xf32, #tpu.memory_space<vmem>>, vector<1x1x16xf32>,
      %swap3A_1162 = arith.constant 1 : i32
      %swap3A_1163 = arith.index_cast %swap3A_1162 : i32 to index
      %swap3A_1164 = arith.index_cast %scan3A_1056 : i32 to index
      %swap3A_1165 = arith.constant 48 : index
      %swap3A_1166 = tpu.vector_load %arg8[%swap3A_1163, %swap3A_1164, %swap3A_1165] {strides = array<i32>} : memref<4x128x128xf32, #tpu.memory_space<vmem>>, vector<1x1x16xf32>,
      %swap3A_1167 = vector.shape_cast %swap3A_1166 : vector<1x1x16xf32> to vector<16xf32>
      %swap3A_1168 = vector.shape_cast %get3A_1154 : vector<16xf32> to vector<1x1x16xf32>
      tpu.vector_store %arg8[%swap3A_1163, %swap3A_1164, %swap3A_1165], %swap3A_1168 {add = true, strides = array<i32>} : memref<4x128x128xf32, #tpu.memory_space<vmem>>, vector<1x1x16xf32>,
      %swap3A_1169 = arith.constant 2 : i32
      %swap3A_1170 = arith.index_cast %swap3A_1169 : i32 to index
      %swap3A_1171 = arith.index_cast %scan3A_1056 : i32 to index
      %swap3A_1172 = arith.constant 48 : index
      %swap3A_1173 = tpu.vector_load %arg8[%swap3A_1170, %swap3A_1171, %swap3A_1172] {strides = array<i32>} : memref<4x128x128xf32, #tpu.memory_space<vmem>>, vector<1x1x16xf32>,
      %swap3A_1174 = vector.shape_cast %swap3A_1173 : vector<1x1x16xf32> to vector<16xf32>
      %swap3A_1175 = vector.shape_cast %get3A_1154 : vector<16xf32> to vector<1x1x16xf32>
      tpu.vector_store %arg8[%swap3A_1170, %swap3A_1171, %swap3A_1172], %swap3A_1175 {add = true, strides = array<i32>} : memref<4x128x128xf32, #tpu.memory_space<vmem>>, vector<1x1x16xf32>,
      %swap3A_1176 = arith.constant 3 : i32
      %swap3A_1177 = arith.index_cast %swap3A_1176 : i32 to index
      %swap3A_1178 = arith.index_cast %scan3A_1056 : i32 to index
      %swap3A_1179 = arith.constant 48 : index
      %swap3A_1180 = tpu.vector_load %arg8[%swap3A_1177, %swap3A_1178, %swap3A_1179] {strides = array<i32>} : memref<4x128x128xf32, #tpu.memory_space<vmem>>, vector<1x1x16xf32>,
      %swap3A_1181 = vector.shape_cast %swap3A_1180 : vector<1x1x16xf32> to vector<16xf32>
      %swap3A_1182 = vector.shape_cast %get3A_1154 : vector<16xf32> to vector<1x1x16xf32>
      tpu.vector_store %arg8[%swap3A_1177, %swap3A_1178, %swap3A_1179], %swap3A_1182 {add = true, strides = array<i32>} : memref<4x128x128xf32, #tpu.memory_space<vmem>>, vector<1x1x16xf32>,
      %get3A_1183 = arith.index_cast %scan3A_1056 : i32 to index
      %get3A_1184 = arith.constant 64 : index
      %get3A_1185 = tpu.vector_load %arg7[%get3A_1183, %get3A_1184] {strides = array<i32>} : memref<128x128xf32, #tpu.memory_space<vmem>>, vector<1x16xf32>,
      %get3A_1186 = vector.shape_cast %get3A_1185 : vector<1x16xf32> to vector<16xf32>
      %swap3A_1187 = arith.constant 0 : i32
      %swap3A_1188 = arith.index_cast %swap3A_1187 : i32 to index
      %swap3A_1189 = arith.index_cast %scan3A_1056 : i32 to index
      %swap3A_1190 = arith.constant 64 : index
      %swap3A_1191 = tpu.vector_load %arg8[%swap3A_1188, %swap3A_1189, %swap3A_1190] {strides = array<i32>} : memref<4x128x128xf32, #tpu.memory_space<vmem>>, vector<1x1x16xf32>,
      %swap3A_1192 = vector.shape_cast %swap3A_1191 : vector<1x1x16xf32> to vector<16xf32>
      %swap3A_1193 = vector.shape_cast %get3A_1186 : vector<16xf32> to vector<1x1x16xf32>
      tpu.vector_store %arg8[%swap3A_1188, %swap3A_1189, %swap3A_1190], %swap3A_1193 {add = true, strides = array<i32>} : memref<4x128x128xf32, #tpu.memory_space<vmem>>, vector<1x1x16xf32>,
      %swap3A_1194 = arith.constant 1 : i32
      %swap3A_1195 = arith.index_cast %swap3A_1194 : i32 to index
      %swap3A_1196 = arith.index_cast %scan3A_1056 : i32 to index
      %swap3A_1197 = arith.constant 64 : index
      %swap3A_1198 = tpu.vector_load %arg8[%swap3A_1195, %swap3A_1196, %swap3A_1197] {strides = array<i32>} : memref<4x128x128xf32, #tpu.memory_space<vmem>>, vector<1x1x16xf32>,
      %swap3A_1199 = vector.shape_cast %swap3A_1198 : vector<1x1x16xf32> to vector<16xf32>
      %swap3A_1200 = vector.shape_cast %get3A_1186 : vector<16xf32> to vector<1x1x16xf32>
      tpu.vector_store %arg8[%swap3A_1195, %swap3A_1196, %swap3A_1197], %swap3A_1200 {add = true, strides = array<i32>} : memref<4x128x128xf32, #tpu.memory_space<vmem>>, vector<1x1x16xf32>,
      %swap3A_1201 = arith.constant 2 : i32
      %swap3A_1202 = arith.index_cast %swap3A_1201 : i32 to index
      %swap3A_1203 = arith.index_cast %scan3A_1056 : i32 to index
      %swap3A_1204 = arith.constant 64 : index
      %swap3A_1205 = tpu.vector_load %arg8[%swap3A_1202, %swap3A_1203, %swap3A_1204] {strides = array<i32>} : memref<4x128x128xf32, #tpu.memory_space<vmem>>, vector<1x1x16xf32>,
      %swap3A_1206 = vector.shape_cast %swap3A_1205 : vector<1x1x16xf32> to vector<16xf32>
      %swap3A_1207 = vector.shape_cast %get3A_1186 : vector<16xf32> to vector<1x1x16xf32>
      tpu.vector_store %arg8[%swap3A_1202, %swap3A_1203, %swap3A_1204], %swap3A_1207 {add = true, strides = array<i32>} : memref<4x128x128xf32, #tpu.memory_space<vmem>>, vector<1x1x16xf32>,
      %swap3A_1208 = arith.constant 3 : i32
      %swap3A_1209 = arith.index_cast %swap3A_1208 : i32 to index
      %swap3A_1210 = arith.index_cast %scan3A_1056 : i32 to index
      %swap3A_1211 = arith.constant 64 : index
      %swap3A_1212 = tpu.vector_load %arg8[%swap3A_1209, %swap3A_1210, %swap3A_1211] {strides = array<i32>} : memref<4x128x128xf32, #tpu.memory_space<vmem>>, vector<1x1x16xf32>,
      %swap3A_1213 = vector.shape_cast %swap3A_1212 : vector<1x1x16xf32> to vector<16xf32>
      %swap3A_1214 = vector.shape_cast %get3A_1186 : vector<16xf32> to vector<1x1x16xf32>
      tpu.vector_store %arg8[%swap3A_1209, %swap3A_1210, %swap3A_1211], %swap3A_1214 {add = true, strides = array<i32>} : memref<4x128x128xf32, #tpu.memory_space<vmem>>, vector<1x1x16xf32>,
      %get3A_1215 = arith.index_cast %scan3A_1056 : i32 to index
      %get3A_1216 = arith.constant 80 : index
      %get3A_1217 = tpu.vector_load %arg7[%get3A_1215, %get3A_1216] {strides = array<i32>} : memref<128x128xf32, #tpu.memory_space<vmem>>, vector<1x16xf32>,
      %get3A_1218 = vector.shape_cast %get3A_1217 : vector<1x16xf32> to vector<16xf32>
      %swap3A_1219 = arith.constant 0 : i32
      %swap3A_1220 = arith.index_cast %swap3A_1219 : i32 to index
      %swap3A_1221 = arith.index_cast %scan3A_1056 : i32 to index
      %swap3A_1222 = arith.constant 80 : index
      %swap3A_1223 = tpu.vector_load %arg8[%swap3A_1220, %swap3A_1221, %swap3A_1222] {strides = array<i32>} : memref<4x128x128xf32, #tpu.memory_space<vmem>>, vector<1x1x16xf32>,
      %swap3A_1224 = vector.shape_cast %swap3A_1223 : vector<1x1x16xf32> to vector<16xf32>
      %swap3A_1225 = vector.shape_cast %get3A_1218 : vector<16xf32> to vector<1x1x16xf32>
      tpu.vector_store %arg8[%swap3A_1220, %swap3A_1221, %swap3A_1222], %swap3A_1225 {add = true, strides = array<i32>} : memref<4x128x128xf32, #tpu.memory_space<vmem>>, vector<1x1x16xf32>,
      %swap3A_1226 = arith.constant 1 : i32
      %swap3A_1227 = arith.index_cast %swap3A_1226 : i32 to index
      %swap3A_1228 = arith.index_cast %scan3A_1056 : i32 to index
      %swap3A_1229 = arith.constant 80 : index
      %swap3A_1230 = tpu.vector_load %arg8[%swap3A_1227, %swap3A_1228, %swap3A_1229] {strides = array<i32>} : memref<4x128x128xf32, #tpu.memory_space<vmem>>, vector<1x1x16xf32>,
      %swap3A_1231 = vector.shape_cast %swap3A_1230 : vector<1x1x16xf32> to vector<16xf32>
      %swap3A_1232 = vector.shape_cast %get3A_1218 : vector<16xf32> to vector<1x1x16xf32>
      tpu.vector_store %arg8[%swap3A_1227, %swap3A_1228, %swap3A_1229], %swap3A_1232 {add = true, strides = array<i32>} : memref<4x128x128xf32, #tpu.memory_space<vmem>>, vector<1x1x16xf32>,
      %swap3A_1233 = arith.constant 2 : i32
      %swap3A_1234 = arith.index_cast %swap3A_1233 : i32 to index
      %swap3A_1235 = arith.index_cast %scan3A_1056 : i32 to index
      %swap3A_1236 = arith.constant 80 : index
      %swap3A_1237 = tpu.vector_load %arg8[%swap3A_1234, %swap3A_1235, %swap3A_1236] {strides = array<i32>} : memref<4x128x128xf32, #tpu.memory_space<vmem>>, vector<1x1x16xf32>,
      %swap3A_1238 = vector.shape_cast %swap3A_1237 : vector<1x1x16xf32> to vector<16xf32>
      %swap3A_1239 = vector.shape_cast %get3A_1218 : vector<16xf32> to vector<1x1x16xf32>
      tpu.vector_store %arg8[%swap3A_1234, %swap3A_1235, %swap3A_1236], %swap3A_1239 {add = true, strides = array<i32>} : memref<4x128x128xf32, #tpu.memory_space<vmem>>, vector<1x1x16xf32>,
      %swap3A_1240 = arith.constant 3 : i32
      %swap3A_1241 = arith.index_cast %swap3A_1240 : i32 to index
      %swap3A_1242 = arith.index_cast %scan3A_1056 : i32 to index
      %swap3A_1243 = arith.constant 80 : index
      %swap3A_1244 = tpu.vector_load %arg8[%swap3A_1241, %swap3A_1242, %swap3A_1243] {strides = array<i32>} : memref<4x128x128xf32, #tpu.memory_space<vmem>>, vector<1x1x16xf32>,
      %swap3A_1245 = vector.shape_cast %swap3A_1244 : vector<1x1x16xf32> to vector<16xf32>
      %swap3A_1246 = vector.shape_cast %get3A_1218 : vector<16xf32> to vector<1x1x16xf32>
      tpu.vector_store %arg8[%swap3A_1241, %swap3A_1242, %swap3A_1243], %swap3A_1246 {add = true, strides = array<i32>} : memref<4x128x128xf32, #tpu.memory_space<vmem>>, vector<1x1x16xf32>,
      %get3A_1247 = arith.index_cast %scan3A_1056 : i32 to index
      %get3A_1248 = arith.constant 96 : index
      %get3A_1249 = tpu.vector_load %arg7[%get3A_1247, %get3A_1248] {strides = array<i32>} : memref<128x128xf32, #tpu.memory_space<vmem>>, vector<1x16xf32>,
      %get3A_1250 = vector.shape_cast %get3A_1249 : vector<1x16xf32> to vector<16xf32>
      %swap3A_1251 = arith.constant 0 : i32
      %swap3A_1252 = arith.index_cast %swap3A_1251 : i32 to index
      %swap3A_1253 = arith.index_cast %scan3A_1056 : i32 to index
      %swap3A_1254 = arith.constant 96 : index
      %swap3A_1255 = tpu.vector_load %arg8[%swap3A_1252, %swap3A_1253, %swap3A_1254] {strides = array<i32>} : memref<4x128x128xf32, #tpu.memory_space<vmem>>, vector<1x1x16xf32>,
      %swap3A_1256 = vector.shape_cast %swap3A_1255 : vector<1x1x16xf32> to vector<16xf32>
      %swap3A_1257 = vector.shape_cast %get3A_1250 : vector<16xf32> to vector<1x1x16xf32>
      tpu.vector_store %arg8[%swap3A_1252, %swap3A_1253, %swap3A_1254], %swap3A_1257 {add = true, strides = array<i32>} : memref<4x128x128xf32, #tpu.memory_space<vmem>>, vector<1x1x16xf32>,
      %swap3A_1258 = arith.constant 1 : i32
      %swap3A_1259 = arith.index_cast %swap3A_1258 : i32 to index
      %swap3A_1260 = arith.index_cast %scan3A_1056 : i32 to index
      %swap3A_1261 = arith.constant 96 : index
      %swap3A_1262 = tpu.vector_load %arg8[%swap3A_1259, %swap3A_1260, %swap3A_1261] {strides = array<i32>} : memref<4x128x128xf32, #tpu.memory_space<vmem>>, vector<1x1x16xf32>,
      %swap3A_1263 = vector.shape_cast %swap3A_1262 : vector<1x1x16xf32> to vector<16xf32>
      %swap3A_1264 = vector.shape_cast %get3A_1250 : vector<16xf32> to vector<1x1x16xf32>
      tpu.vector_store %arg8[%swap3A_1259, %swap3A_1260, %swap3A_1261], %swap3A_1264 {add = true, strides = array<i32>} : memref<4x128x128xf32, #tpu.memory_space<vmem>>, vector<1x1x16xf32>,
      %swap3A_1265 = arith.constant 2 : i32
      %swap3A_1266 = arith.index_cast %swap3A_1265 : i32 to index
      %swap3A_1267 = arith.index_cast %scan3A_1056 : i32 to index
      %swap3A_1268 = arith.constant 96 : index
      %swap3A_1269 = tpu.vector_load %arg8[%swap3A_1266, %swap3A_1267, %swap3A_1268] {strides = array<i32>} : memref<4x128x128xf32, #tpu.memory_space<vmem>>, vector<1x1x16xf32>,
      %swap3A_1270 = vector.shape_cast %swap3A_1269 : vector<1x1x16xf32> to vector<16xf32>
      %swap3A_1271 = vector.shape_cast %get3A_1250 : vector<16xf32> to vector<1x1x16xf32>
      tpu.vector_store %arg8[%swap3A_1266, %swap3A_1267, %swap3A_1268], %swap3A_1271 {add = true, strides = array<i32>} : memref<4x128x128xf32, #tpu.memory_space<vmem>>, vector<1x1x16xf32>,
      %swap3A_1272 = arith.constant 3 : i32
      %swap3A_1273 = arith.index_cast %swap3A_1272 : i32 to index
      %swap3A_1274 = arith.index_cast %scan3A_1056 : i32 to index
      %swap3A_1275 = arith.constant 96 : index
      %swap3A_1276 = tpu.vector_load %arg8[%swap3A_1273, %swap3A_1274, %swap3A_1275] {strides = array<i32>} : memref<4x128x128xf32, #tpu.memory_space<vmem>>, vector<1x1x16xf32>,
      %swap3A_1277 = vector.shape_cast %swap3A_1276 : vector<1x1x16xf32> to vector<16xf32>
      %swap3A_1278 = vector.shape_cast %get3A_1250 : vector<16xf32> to vector<1x1x16xf32>
      tpu.vector_store %arg8[%swap3A_1273, %swap3A_1274, %swap3A_1275], %swap3A_1278 {add = true, strides = array<i32>} : memref<4x128x128xf32, #tpu.memory_space<vmem>>, vector<1x1x16xf32>,
      %get3A_1279 = arith.index_cast %scan3A_1056 : i32 to index
      %get3A_1280 = arith.constant 112 : index
      %get3A_1281 = tpu.vector_load %arg7[%get3A_1279, %get3A_1280] {strides = array<i32>} : memref<128x128xf32, #tpu.memory_space<vmem>>, vector<1x16xf32>,
      %get3A_1282 = vector.shape_cast %get3A_1281 : vector<1x16xf32> to vector<16xf32>
      %swap3A_1283 = arith.constant 0 : i32
      %swap3A_1284 = arith.index_cast %swap3A_1283 : i32 to index
      %swap3A_1285 = arith.index_cast %scan3A_1056 : i32 to index
      %swap3A_1286 = arith.constant 112 : index
      %swap3A_1287 = tpu.vector_load %arg8[%swap3A_1284, %swap3A_1285, %swap3A_1286] {strides = array<i32>} : memref<4x128x128xf32, #tpu.memory_space<vmem>>, vector<1x1x16xf32>,
      %swap3A_1288 = vector.shape_cast %swap3A_1287 : vector<1x1x16xf32> to vector<16xf32>
      %swap3A_1289 = vector.shape_cast %get3A_1282 : vector<16xf32> to vector<1x1x16xf32>
      tpu.vector_store %arg8[%swap3A_1284, %swap3A_1285, %swap3A_1286], %swap3A_1289 {add = true, strides = array<i32>} : memref<4x128x128xf32, #tpu.memory_space<vmem>>, vector<1x1x16xf32>,
      %swap3A_1290 = arith.constant 1 : i32
      %swap3A_1291 = arith.index_cast %swap3A_1290 : i32 to index
      %swap3A_1292 = arith.index_cast %scan3A_1056 : i32 to index
      %swap3A_1293 = arith.constant 112 : index
      %swap3A_1294 = tpu.vector_load %arg8[%swap3A_1291, %swap3A_1292, %swap3A_1293] {strides = array<i32>} : memref<4x128x128xf32, #tpu.memory_space<vmem>>, vector<1x1x16xf32>,
      %swap3A_1295 = vector.shape_cast %swap3A_1294 : vector<1x1x16xf32> to vector<16xf32>
      %swap3A_1296 = vector.shape_cast %get3A_1282 : vector<16xf32> to vector<1x1x16xf32>
      tpu.vector_store %arg8[%swap3A_1291, %swap3A_1292, %swap3A_1293], %swap3A_1296 {add = true, strides = array<i32>} : memref<4x128x128xf32, #tpu.memory_space<vmem>>, vector<1x1x16xf32>,
      %swap3A_1297 = arith.constant 2 : i32
      %swap3A_1298 = arith.index_cast %swap3A_1297 : i32 to index
      %swap3A_1299 = arith.index_cast %scan3A_1056 : i32 to index
      %swap3A_1300 = arith.constant 112 : index
      %swap3A_1301 = tpu.vector_load %arg8[%swap3A_1298, %swap3A_1299, %swap3A_1300] {strides = array<i32>} : memref<4x128x128xf32, #tpu.memory_space<vmem>>, vector<1x1x16xf32>,
      %swap3A_1302 = vector.shape_cast %swap3A_1301 : vector<1x1x16xf32> to vector<16xf32>
      %swap3A_1303 = vector.shape_cast %get3A_1282 : vector<16xf32> to vector<1x1x16xf32>
      tpu.vector_store %arg8[%swap3A_1298, %swap3A_1299, %swap3A_1300], %swap3A_1303 {add = true, strides = array<i32>} : memref<4x128x128xf32, #tpu.memory_space<vmem>>, vector<1x1x16xf32>,
      %swap3A_1304 = arith.constant 3 : i32
      %swap3A_1305 = arith.index_cast %swap3A_1304 : i32 to index
      %swap3A_1306 = arith.index_cast %scan3A_1056 : i32 to index
      %swap3A_1307 = arith.constant 112 : index
      %swap3A_1308 = tpu.vector_load %arg8[%swap3A_1305, %swap3A_1306, %swap3A_1307] {strides = array<i32>} : memref<4x128x128xf32, #tpu.memory_space<vmem>>, vector<1x1x16xf32>,
      %swap3A_1309 = vector.shape_cast %swap3A_1308 : vector<1x1x16xf32> to vector<16xf32>
      %swap3A_1310 = vector.shape_cast %get3A_1282 : vector<16xf32> to vector<1x1x16xf32>
      tpu.vector_store %arg8[%swap3A_1305, %swap3A_1306, %swap3A_1307], %swap3A_1310 {add = true, strides = array<i32>} : memref<4x128x128xf32, #tpu.memory_space<vmem>>, vector<1x1x16xf32>,
    }
    %scan3A_727 = arith.constant 32 : i32
    %add3A_728 = arith.constant 96 : i32
    %add3A_729 = arith.addi %mul3A_2, %add3A_728 : i32
    %dma_start3A_730 = arith.constant 0 : i32
    %dma_start3A_731 = arith.constant 0 : i32
    %dma_start3A_732 = arith.constant 96 : i32
    %dma_start3A_733 = arith.constant 0 : i32
    %dma_start3A_734 = tpu.memref_slice %arg8[%dma_start3A_730, %dma_start3A_732, %dma_start3A_733] : memref<4x128x128xf32, #tpu.memory_space<vmem>> -> memref<1x32x128xf32, #tpu.memory_space<vmem>>
    %dma_start3A_735 = tpu.memref_squeeze %dma_start3A_734 : memref<1x32x128xf32, #tpu.memory_space<vmem>> -> memref<32x128xf32, #tpu.memory_space<vmem>>
    %dma_start3A_736 = arith.constant 0 : i32
    %dma_start3A_737 = tpu.memref_slice %arg5[%dma_start3A_731, %add3A_729, %dma_start3A_736] : memref<4x4096x128xf32, #tpu.memory_space<hbm>> -> memref<1x32x128xf32, #tpu.memory_space<hbm>>
    %dma_start3A_738 = tpu.memref_squeeze %dma_start3A_737 : memref<1x32x128xf32, #tpu.memory_space<hbm>> -> memref<32x128xf32, #tpu.memory_space<hbm>>
    %dma_start3A_739 = arith.constant 0 : i32
    %dma_start3A_740 = tpu.memref_slice %arg5[%dma_start3A_731, %add3A_729, %dma_start3A_739] : memref<4x4096x128xf32, #tpu.memory_space<hbm>> -> memref<1x32x128xf32, #tpu.memory_space<hbm>>
    %dma_start3A_741 = tpu.memref_squeeze %dma_start3A_740 : memref<1x32x128xf32, #tpu.memory_space<hbm>> -> memref<32x128xf32, #tpu.memory_space<hbm>>
    %dma_start3A_742 = arith.constant 96 : i32
    %dma_start3A_743 = arith.constant 0 : i32
    %dma_start3A_744 = tpu.memref_slice %arg8[%dma_start3A_730, %dma_start3A_742, %dma_start3A_743] : memref<4x128x128xf32, #tpu.memory_space<vmem>> -> memref<1x32x128xf32, #tpu.memory_space<vmem>>
    %dma_start3A_745 = tpu.memref_squeeze %dma_start3A_744 : memref<1x32x128xf32, #tpu.memory_space<vmem>> -> memref<32x128xf32, #tpu.memory_space<vmem>>
    tpu.enqueue_dma source(%dma_start3A_745 : memref<32x128xf32, #tpu.memory_space<vmem>>) target(%dma_start3A_741 : memref<32x128xf32, #tpu.memory_space<hbm>>) target_semaphore(%arg11 : memref<!tpu.dma_semaphore, #tpu.memory_space<semaphore_mem>>)
    %add3A_746 = arith.constant 96 : i32
    %add3A_747 = arith.addi %mul3A_2, %add3A_746 : i32
    %dma_start3A_748 = arith.constant 1 : i32
    %dma_start3A_749 = arith.constant 1 : i32
    %dma_start3A_750 = arith.constant 96 : i32
    %dma_start3A_751 = arith.constant 0 : i32
    %dma_start3A_752 = tpu.memref_slice %arg8[%dma_start3A_748, %dma_start3A_750, %dma_start3A_751] : memref<4x128x128xf32, #tpu.memory_space<vmem>> -> memref<1x32x128xf32, #tpu.memory_space<vmem>>
    %dma_start3A_753 = tpu.memref_squeeze %dma_start3A_752 : memref<1x32x128xf32, #tpu.memory_space<vmem>> -> memref<32x128xf32, #tpu.memory_space<vmem>>
    %dma_start3A_754 = arith.constant 0 : i32
    %dma_start3A_755 = tpu.memref_slice %arg5[%dma_start3A_749, %add3A_747, %dma_start3A_754] : memref<4x4096x128xf32, #tpu.memory_space<hbm>> -> memref<1x32x128xf32, #tpu.memory_space<hbm>>
    %dma_start3A_756 = tpu.memref_squeeze %dma_start3A_755 : memref<1x32x128xf32, #tpu.memory_space<hbm>> -> memref<32x128xf32, #tpu.memory_space<hbm>>
    %dma_start3A_757 = arith.constant 0 : i32
    %dma_start3A_758 = tpu.memref_slice %arg5[%dma_start3A_749, %add3A_747, %dma_start3A_757] : memref<4x4096x128xf32, #tpu.memory_space<hbm>> -> memref<1x32x128xf32, #tpu.memory_space<hbm>>
    %dma_start3A_759 = tpu.memref_squeeze %dma_start3A_758 : memref<1x32x128xf32, #tpu.memory_space<hbm>> -> memref<32x128xf32, #tpu.memory_space<hbm>>
    %dma_start3A_760 = arith.constant 96 : i32
    %dma_start3A_761 = arith.constant 0 : i32
    %dma_start3A_762 = tpu.memref_slice %arg8[%dma_start3A_748, %dma_start3A_760, %dma_start3A_761] : memref<4x128x128xf32, #tpu.memory_space<vmem>> -> memref<1x32x128xf32, #tpu.memory_space<vmem>>
    %dma_start3A_763 = tpu.memref_squeeze %dma_start3A_762 : memref<1x32x128xf32, #tpu.memory_space<vmem>> -> memref<32x128xf32, #tpu.memory_space<vmem>>
    tpu.enqueue_dma source(%dma_start3A_763 : memref<32x128xf32, #tpu.memory_space<vmem>>) target(%dma_start3A_759 : memref<32x128xf32, #tpu.memory_space<hbm>>) target_semaphore(%arg11 : memref<!tpu.dma_semaphore, #tpu.memory_space<semaphore_mem>>)
    %add3A_764 = arith.constant 96 : i32
    %add3A_765 = arith.addi %mul3A_2, %add3A_764 : i32
    %dma_start3A_766 = arith.constant 2 : i32
    %dma_start3A_767 = arith.constant 2 : i32
    %dma_start3A_768 = arith.constant 96 : i32
    %dma_start3A_769 = arith.constant 0 : i32
    %dma_start3A_770 = tpu.memref_slice %arg8[%dma_start3A_766, %dma_start3A_768, %dma_start3A_769] : memref<4x128x128xf32, #tpu.memory_space<vmem>> -> memref<1x32x128xf32, #tpu.memory_space<vmem>>
    %dma_start3A_771 = tpu.memref_squeeze %dma_start3A_770 : memref<1x32x128xf32, #tpu.memory_space<vmem>> -> memref<32x128xf32, #tpu.memory_space<vmem>>
    %dma_start3A_772 = arith.constant 0 : i32
    %dma_start3A_773 = tpu.memref_slice %arg5[%dma_start3A_767, %add3A_765, %dma_start3A_772] : memref<4x4096x128xf32, #tpu.memory_space<hbm>> -> memref<1x32x128xf32, #tpu.memory_space<hbm>>
    %dma_start3A_774 = tpu.memref_squeeze %dma_start3A_773 : memref<1x32x128xf32, #tpu.memory_space<hbm>> -> memref<32x128xf32, #tpu.memory_space<hbm>>
    %dma_start3A_775 = arith.constant 0 : i32
    %dma_start3A_776 = tpu.memref_slice %arg5[%dma_start3A_767, %add3A_765, %dma_start3A_775] : memref<4x4096x128xf32, #tpu.memory_space<hbm>> -> memref<1x32x128xf32, #tpu.memory_space<hbm>>
    %dma_start3A_777 = tpu.memref_squeeze %dma_start3A_776 : memref<1x32x128xf32, #tpu.memory_space<hbm>> -> memref<32x128xf32, #tpu.memory_space<hbm>>
    %dma_start3A_778 = arith.constant 96 : i32
    %dma_start3A_779 = arith.constant 0 : i32
    %dma_start3A_780 = tpu.memref_slice %arg8[%dma_start3A_766, %dma_start3A_778, %dma_start3A_779] : memref<4x128x128xf32, #tpu.memory_space<vmem>> -> memref<1x32x128xf32, #tpu.memory_space<vmem>>
    %dma_start3A_781 = tpu.memref_squeeze %dma_start3A_780 : memref<1x32x128xf32, #tpu.memory_space<vmem>> -> memref<32x128xf32, #tpu.memory_space<vmem>>
    tpu.enqueue_dma source(%dma_start3A_781 : memref<32x128xf32, #tpu.memory_space<vmem>>) target(%dma_start3A_777 : memref<32x128xf32, #tpu.memory_space<hbm>>) target_semaphore(%arg11 : memref<!tpu.dma_semaphore, #tpu.memory_space<semaphore_mem>>)
    %add3A_782 = arith.constant 96 : i32
    %add3A_783 = arith.addi %mul3A_2, %add3A_782 : i32
    %dma_start3A_784 = arith.constant 3 : i32
    %dma_start3A_785 = arith.constant 3 : i32
    %dma_start3A_786 = arith.constant 96 : i32
    %dma_start3A_787 = arith.constant 0 : i32
    %dma_start3A_788 = tpu.memref_slice %arg8[%dma_start3A_784, %dma_start3A_786, %dma_start3A_787] : memref<4x128x128xf32, #tpu.memory_space<vmem>> -> memref<1x32x128xf32, #tpu.memory_space<vmem>>
    %dma_start3A_789 = tpu.memref_squeeze %dma_start3A_788 : memref<1x32x128xf32, #tpu.memory_space<vmem>> -> memref<32x128xf32, #tpu.memory_space<vmem>>
    %dma_start3A_790 = arith.constant 0 : i32
    %dma_start3A_791 = tpu.memref_slice %arg5[%dma_start3A_785, %add3A_783, %dma_start3A_790] : memref<4x4096x128xf32, #tpu.memory_space<hbm>> -> memref<1x32x128xf32, #tpu.memory_space<hbm>>
    %dma_start3A_792 = tpu.memref_squeeze %dma_start3A_791 : memref<1x32x128xf32, #tpu.memory_space<hbm>> -> memref<32x128xf32, #tpu.memory_space<hbm>>
    %dma_start3A_793 = arith.constant 0 : i32
    %dma_start3A_794 = tpu.memref_slice %arg5[%dma_start3A_785, %add3A_783, %dma_start3A_793] : memref<4x4096x128xf32, #tpu.memory_space<hbm>> -> memref<1x32x128xf32, #tpu.memory_space<hbm>>
    %dma_start3A_795 = tpu.memref_squeeze %dma_start3A_794 : memref<1x32x128xf32, #tpu.memory_space<hbm>> -> memref<32x128xf32, #tpu.memory_space<hbm>>
    %dma_start3A_796 = arith.constant 96 : i32
    %dma_start3A_797 = arith.constant 0 : i32
    %dma_start3A_798 = tpu.memref_slice %arg8[%dma_start3A_784, %dma_start3A_796, %dma_start3A_797] : memref<4x128x128xf32, #tpu.memory_space<vmem>> -> memref<1x32x128xf32, #tpu.memory_space<vmem>>
    %dma_start3A_799 = tpu.memref_squeeze %dma_start3A_798 : memref<1x32x128xf32, #tpu.memory_space<vmem>> -> memref<32x128xf32, #tpu.memory_space<vmem>>
    tpu.enqueue_dma source(%dma_start3A_799 : memref<32x128xf32, #tpu.memory_space<vmem>>) target(%dma_start3A_795 : memref<32x128xf32, #tpu.memory_space<hbm>>) target_semaphore(%arg11 : memref<!tpu.dma_semaphore, #tpu.memory_space<semaphore_mem>>)
    %dma_wait3A_800 = arith.constant 0 : i32
    %dma_wait3A_801 = arith.constant 0 : i32
    %dma_wait3A_802 = arith.constant 0 : i32
    %dma_wait3A_803 = arith.constant 0 : i32
    %dma_wait3A_804 = tpu.memref_slice %arg8[%dma_wait3A_800, %dma_wait3A_802, %dma_wait3A_803] : memref<4x128x128xf32, #tpu.memory_space<vmem>> -> memref<1x32x128xf32, #tpu.memory_space<vmem>>
    %dma_wait3A_805 = tpu.memref_squeeze %dma_wait3A_804 : memref<1x32x128xf32, #tpu.memory_space<vmem>> -> memref<32x128xf32, #tpu.memory_space<vmem>>
    %dma_wait3A_806 = arith.constant 0 : i32
    %dma_wait3A_807 = tpu.memref_slice %arg5[%dma_wait3A_801, %add3A_315, %dma_wait3A_806] : memref<4x4096x128xf32, #tpu.memory_space<hbm>> -> memref<1x32x128xf32, #tpu.memory_space<hbm>>
    %dma_wait3A_808 = tpu.memref_squeeze %dma_wait3A_807 : memref<1x32x128xf32, #tpu.memory_space<hbm>> -> memref<32x128xf32, #tpu.memory_space<hbm>>
    %dma_wait3A_809 = arith.constant 0 : i32
    %dma_wait3A_810 = tpu.memref_slice %arg5[%dma_wait3A_801, %add3A_315, %dma_wait3A_809] : memref<4x4096x128xf32, #tpu.memory_space<hbm>> -> memref<1x32x128xf32, #tpu.memory_space<hbm>>
    %dma_wait3A_811 = tpu.memref_squeeze %dma_wait3A_810 : memref<1x32x128xf32, #tpu.memory_space<hbm>> -> memref<32x128xf32, #tpu.memory_space<hbm>>
    %dma_wait3A_812 = arith.constant 0 : i32
    %dma_wait3A_813 = arith.constant 0 : i32
    %dma_wait3A_814 = tpu.memref_slice %arg8[%dma_wait3A_800, %dma_wait3A_812, %dma_wait3A_813] : memref<4x128x128xf32, #tpu.memory_space<vmem>> -> memref<1x32x128xf32, #tpu.memory_space<vmem>>
    %dma_wait3A_815 = tpu.memref_squeeze %dma_wait3A_814 : memref<1x32x128xf32, #tpu.memory_space<vmem>> -> memref<32x128xf32, #tpu.memory_space<vmem>>
    tpu.wait_dma2 semaphore(%arg11 : memref<!tpu.dma_semaphore, #tpu.memory_space<semaphore_mem>>) src(%dma_wait3A_815 : memref<32x128xf32, #tpu.memory_space<vmem>>) dst(%dma_wait3A_811 : memref<32x128xf32, #tpu.memory_space<hbm>>)
    %dma_wait3A_816 = arith.constant 1 : i32
    %dma_wait3A_817 = arith.constant 1 : i32
    %dma_wait3A_818 = arith.constant 0 : i32
    %dma_wait3A_819 = arith.constant 0 : i32
    %dma_wait3A_820 = tpu.memref_slice %arg8[%dma_wait3A_816, %dma_wait3A_818, %dma_wait3A_819] : memref<4x128x128xf32, #tpu.memory_space<vmem>> -> memref<1x32x128xf32, #tpu.memory_space<vmem>>
    %dma_wait3A_821 = tpu.memref_squeeze %dma_wait3A_820 : memref<1x32x128xf32, #tpu.memory_space<vmem>> -> memref<32x128xf32, #tpu.memory_space<vmem>>
    %dma_wait3A_822 = arith.constant 0 : i32
    %dma_wait3A_823 = tpu.memref_slice %arg5[%dma_wait3A_817, %add3A_333, %dma_wait3A_822] : memref<4x4096x128xf32, #tpu.memory_space<hbm>> -> memref<1x32x128xf32, #tpu.memory_space<hbm>>
    %dma_wait3A_824 = tpu.memref_squeeze %dma_wait3A_823 : memref<1x32x128xf32, #tpu.memory_space<hbm>> -> memref<32x128xf32, #tpu.memory_space<hbm>>
    %dma_wait3A_825 = arith.constant 0 : i32
    %dma_wait3A_826 = tpu.memref_slice %arg5[%dma_wait3A_817, %add3A_333, %dma_wait3A_825] : memref<4x4096x128xf32, #tpu.memory_space<hbm>> -> memref<1x32x128xf32, #tpu.memory_space<hbm>>
    %dma_wait3A_827 = tpu.memref_squeeze %dma_wait3A_826 : memref<1x32x128xf32, #tpu.memory_space<hbm>> -> memref<32x128xf32, #tpu.memory_space<hbm>>
    %dma_wait3A_828 = arith.constant 0 : i32
    %dma_wait3A_829 = arith.constant 0 : i32
    %dma_wait3A_830 = tpu.memref_slice %arg8[%dma_wait3A_816, %dma_wait3A_828, %dma_wait3A_829] : memref<4x128x128xf32, #tpu.memory_space<vmem>> -> memref<1x32x128xf32, #tpu.memory_space<vmem>>
    %dma_wait3A_831 = tpu.memref_squeeze %dma_wait3A_830 : memref<1x32x128xf32, #tpu.memory_space<vmem>> -> memref<32x128xf32, #tpu.memory_space<vmem>>
    tpu.wait_dma2 semaphore(%arg11 : memref<!tpu.dma_semaphore, #tpu.memory_space<semaphore_mem>>) src(%dma_wait3A_831 : memref<32x128xf32, #tpu.memory_space<vmem>>) dst(%dma_wait3A_827 : memref<32x128xf32, #tpu.memory_space<hbm>>)
    %dma_wait3A_832 = arith.constant 2 : i32
    %dma_wait3A_833 = arith.constant 2 : i32
    %dma_wait3A_834 = arith.constant 0 : i32
    %dma_wait3A_835 = arith.constant 0 : i32
    %dma_wait3A_836 = tpu.memref_slice %arg8[%dma_wait3A_832, %dma_wait3A_834, %dma_wait3A_835] : memref<4x128x128xf32, #tpu.memory_space<vmem>> -> memref<1x32x128xf32, #tpu.memory_space<vmem>>
    %dma_wait3A_837 = tpu.memref_squeeze %dma_wait3A_836 : memref<1x32x128xf32, #tpu.memory_space<vmem>> -> memref<32x128xf32, #tpu.memory_space<vmem>>
    %dma_wait3A_838 = arith.constant 0 : i32
    %dma_wait3A_839 = tpu.memref_slice %arg5[%dma_wait3A_833, %add3A_351, %dma_wait3A_838] : memref<4x4096x128xf32, #tpu.memory_space<hbm>> -> memref<1x32x128xf32, #tpu.memory_space<hbm>>
    %dma_wait3A_840 = tpu.memref_squeeze %dma_wait3A_839 : memref<1x32x128xf32, #tpu.memory_space<hbm>> -> memref<32x128xf32, #tpu.memory_space<hbm>>
    %dma_wait3A_841 = arith.constant 0 : i32
    %dma_wait3A_842 = tpu.memref_slice %arg5[%dma_wait3A_833, %add3A_351, %dma_wait3A_841] : memref<4x4096x128xf32, #tpu.memory_space<hbm>> -> memref<1x32x128xf32, #tpu.memory_space<hbm>>
    %dma_wait3A_843 = tpu.memref_squeeze %dma_wait3A_842 : memref<1x32x128xf32, #tpu.memory_space<hbm>> -> memref<32x128xf32, #tpu.memory_space<hbm>>
    %dma_wait3A_844 = arith.constant 0 : i32
    %dma_wait3A_845 = arith.constant 0 : i32
    %dma_wait3A_846 = tpu.memref_slice %arg8[%dma_wait3A_832, %dma_wait3A_844, %dma_wait3A_845] : memref<4x128x128xf32, #tpu.memory_space<vmem>> -> memref<1x32x128xf32, #tpu.memory_space<vmem>>
    %dma_wait3A_847 = tpu.memref_squeeze %dma_wait3A_846 : memref<1x32x128xf32, #tpu.memory_space<vmem>> -> memref<32x128xf32, #tpu.memory_space<vmem>>
    tpu.wait_dma2 semaphore(%arg11 : memref<!tpu.dma_semaphore, #tpu.memory_space<semaphore_mem>>) src(%dma_wait3A_847 : memref<32x128xf32, #tpu.memory_space<vmem>>) dst(%dma_wait3A_843 : memref<32x128xf32, #tpu.memory_space<hbm>>)
    %dma_wait3A_848 = arith.constant 3 : i32
    %dma_wait3A_849 = arith.constant 3 : i32
    %dma_wait3A_850 = arith.constant 0 : i32
    %dma_wait3A_851 = arith.constant 0 : i32
    %dma_wait3A_852 = tpu.memref_slice %arg8[%dma_wait3A_848, %dma_wait3A_850, %dma_wait3A_851] : memref<4x128x128xf32, #tpu.memory_space<vmem>> -> memref<1x32x128xf32, #tpu.memory_space<vmem>>
    %dma_wait3A_853 = tpu.memref_squeeze %dma_wait3A_852 : memref<1x32x128xf32, #tpu.memory_space<vmem>> -> memref<32x128xf32, #tpu.memory_space<vmem>>
    %dma_wait3A_854 = arith.constant 0 : i32
    %dma_wait3A_855 = tpu.memref_slice %arg5[%dma_wait3A_849, %add3A_369, %dma_wait3A_854] : memref<4x4096x128xf32, #tpu.memory_space<hbm>> -> memref<1x32x128xf32, #tpu.memory_space<hbm>>
    %dma_wait3A_856 = tpu.memref_squeeze %dma_wait3A_855 : memref<1x32x128xf32, #tpu.memory_space<hbm>> -> memref<32x128xf32, #tpu.memory_space<hbm>>
    %dma_wait3A_857 = arith.constant 0 : i32
    %dma_wait3A_858 = tpu.memref_slice %arg5[%dma_wait3A_849, %add3A_369, %dma_wait3A_857] : memref<4x4096x128xf32, #tpu.memory_space<hbm>> -> memref<1x32x128xf32, #tpu.memory_space<hbm>>
    %dma_wait3A_859 = tpu.memref_squeeze %dma_wait3A_858 : memref<1x32x128xf32, #tpu.memory_space<hbm>> -> memref<32x128xf32, #tpu.memory_space<hbm>>
    %dma_wait3A_860 = arith.constant 0 : i32
    %dma_wait3A_861 = arith.constant 0 : i32
    %dma_wait3A_862 = tpu.memref_slice %arg8[%dma_wait3A_848, %dma_wait3A_860, %dma_wait3A_861] : memref<4x128x128xf32, #tpu.memory_space<vmem>> -> memref<1x32x128xf32, #tpu.memory_space<vmem>>
    %dma_wait3A_863 = tpu.memref_squeeze %dma_wait3A_862 : memref<1x32x128xf32, #tpu.memory_space<vmem>> -> memref<32x128xf32, #tpu.memory_space<vmem>>
    tpu.wait_dma2 semaphore(%arg11 : memref<!tpu.dma_semaphore, #tpu.memory_space<semaphore_mem>>) src(%dma_wait3A_863 : memref<32x128xf32, #tpu.memory_space<vmem>>) dst(%dma_wait3A_859 : memref<32x128xf32, #tpu.memory_space<hbm>>)
    %dma_wait3A_864 = arith.constant 0 : i32
    %dma_wait3A_865 = arith.constant 0 : i32
    %dma_wait3A_866 = arith.constant 32 : i32
    %dma_wait3A_867 = arith.constant 0 : i32
    %dma_wait3A_868 = tpu.memref_slice %arg8[%dma_wait3A_864, %dma_wait3A_866, %dma_wait3A_867] : memref<4x128x128xf32, #tpu.memory_space<vmem>> -> memref<1x32x128xf32, #tpu.memory_space<vmem>>
    %dma_wait3A_869 = tpu.memref_squeeze %dma_wait3A_868 : memref<1x32x128xf32, #tpu.memory_space<vmem>> -> memref<32x128xf32, #tpu.memory_space<vmem>>
    %dma_wait3A_870 = arith.constant 0 : i32
    %dma_wait3A_871 = tpu.memref_slice %arg5[%dma_wait3A_865, %add3A_453, %dma_wait3A_870] : memref<4x4096x128xf32, #tpu.memory_space<hbm>> -> memref<1x32x128xf32, #tpu.memory_space<hbm>>
    %dma_wait3A_872 = tpu.memref_squeeze %dma_wait3A_871 : memref<1x32x128xf32, #tpu.memory_space<hbm>> -> memref<32x128xf32, #tpu.memory_space<hbm>>
    %dma_wait3A_873 = arith.constant 0 : i32
    %dma_wait3A_874 = tpu.memref_slice %arg5[%dma_wait3A_865, %add3A_453, %dma_wait3A_873] : memref<4x4096x128xf32, #tpu.memory_space<hbm>> -> memref<1x32x128xf32, #tpu.memory_space<hbm>>
    %dma_wait3A_875 = tpu.memref_squeeze %dma_wait3A_874 : memref<1x32x128xf32, #tpu.memory_space<hbm>> -> memref<32x128xf32, #tpu.memory_space<hbm>>
    %dma_wait3A_876 = arith.constant 32 : i32
    %dma_wait3A_877 = arith.constant 0 : i32
    %dma_wait3A_878 = tpu.memref_slice %arg8[%dma_wait3A_864, %dma_wait3A_876, %dma_wait3A_877] : memref<4x128x128xf32, #tpu.memory_space<vmem>> -> memref<1x32x128xf32, #tpu.memory_space<vmem>>
    %dma_wait3A_879 = tpu.memref_squeeze %dma_wait3A_878 : memref<1x32x128xf32, #tpu.memory_space<vmem>> -> memref<32x128xf32, #tpu.memory_space<vmem>>
    tpu.wait_dma2 semaphore(%arg11 : memref<!tpu.dma_semaphore, #tpu.memory_space<semaphore_mem>>) src(%dma_wait3A_879 : memref<32x128xf32, #tpu.memory_space<vmem>>) dst(%dma_wait3A_875 : memref<32x128xf32, #tpu.memory_space<hbm>>)
    %dma_wait3A_880 = arith.constant 1 : i32
    %dma_wait3A_881 = arith.constant 1 : i32
    %dma_wait3A_882 = arith.constant 32 : i32
    %dma_wait3A_883 = arith.constant 0 : i32
    %dma_wait3A_884 = tpu.memref_slice %arg8[%dma_wait3A_880, %dma_wait3A_882, %dma_wait3A_883] : memref<4x128x128xf32, #tpu.memory_space<vmem>> -> memref<1x32x128xf32, #tpu.memory_space<vmem>>
    %dma_wait3A_885 = tpu.memref_squeeze %dma_wait3A_884 : memref<1x32x128xf32, #tpu.memory_space<vmem>> -> memref<32x128xf32, #tpu.memory_space<vmem>>
    %dma_wait3A_886 = arith.constant 0 : i32
    %dma_wait3A_887 = tpu.memref_slice %arg5[%dma_wait3A_881, %add3A_471, %dma_wait3A_886] : memref<4x4096x128xf32, #tpu.memory_space<hbm>> -> memref<1x32x128xf32, #tpu.memory_space<hbm>>
    %dma_wait3A_888 = tpu.memref_squeeze %dma_wait3A_887 : memref<1x32x128xf32, #tpu.memory_space<hbm>> -> memref<32x128xf32, #tpu.memory_space<hbm>>
    %dma_wait3A_889 = arith.constant 0 : i32
    %dma_wait3A_890 = tpu.memref_slice %arg5[%dma_wait3A_881, %add3A_471, %dma_wait3A_889] : memref<4x4096x128xf32, #tpu.memory_space<hbm>> -> memref<1x32x128xf32, #tpu.memory_space<hbm>>
    %dma_wait3A_891 = tpu.memref_squeeze %dma_wait3A_890 : memref<1x32x128xf32, #tpu.memory_space<hbm>> -> memref<32x128xf32, #tpu.memory_space<hbm>>
    %dma_wait3A_892 = arith.constant 32 : i32
    %dma_wait3A_893 = arith.constant 0 : i32
    %dma_wait3A_894 = tpu.memref_slice %arg8[%dma_wait3A_880, %dma_wait3A_892, %dma_wait3A_893] : memref<4x128x128xf32, #tpu.memory_space<vmem>> -> memref<1x32x128xf32, #tpu.memory_space<vmem>>
    %dma_wait3A_895 = tpu.memref_squeeze %dma_wait3A_894 : memref<1x32x128xf32, #tpu.memory_space<vmem>> -> memref<32x128xf32, #tpu.memory_space<vmem>>
    tpu.wait_dma2 semaphore(%arg11 : memref<!tpu.dma_semaphore, #tpu.memory_space<semaphore_mem>>) src(%dma_wait3A_895 : memref<32x128xf32, #tpu.memory_space<vmem>>) dst(%dma_wait3A_891 : memref<32x128xf32, #tpu.memory_space<hbm>>)
    %dma_wait3A_896 = arith.constant 2 : i32
    %dma_wait3A_897 = arith.constant 2 : i32
    %dma_wait3A_898 = arith.constant 32 : i32
    %dma_wait3A_899 = arith.constant 0 : i32
    %dma_wait3A_900 = tpu.memref_slice %arg8[%dma_wait3A_896, %dma_wait3A_898, %dma_wait3A_899] : memref<4x128x128xf32, #tpu.memory_space<vmem>> -> memref<1x32x128xf32, #tpu.memory_space<vmem>>
    %dma_wait3A_901 = tpu.memref_squeeze %dma_wait3A_900 : memref<1x32x128xf32, #tpu.memory_space<vmem>> -> memref<32x128xf32, #tpu.memory_space<vmem>>
    %dma_wait3A_902 = arith.constant 0 : i32
    %dma_wait3A_903 = tpu.memref_slice %arg5[%dma_wait3A_897, %add3A_489, %dma_wait3A_902] : memref<4x4096x128xf32, #tpu.memory_space<hbm>> -> memref<1x32x128xf32, #tpu.memory_space<hbm>>
    %dma_wait3A_904 = tpu.memref_squeeze %dma_wait3A_903 : memref<1x32x128xf32, #tpu.memory_space<hbm>> -> memref<32x128xf32, #tpu.memory_space<hbm>>
    %dma_wait3A_905 = arith.constant 0 : i32
    %dma_wait3A_906 = tpu.memref_slice %arg5[%dma_wait3A_897, %add3A_489, %dma_wait3A_905] : memref<4x4096x128xf32, #tpu.memory_space<hbm>> -> memref<1x32x128xf32, #tpu.memory_space<hbm>>
    %dma_wait3A_907 = tpu.memref_squeeze %dma_wait3A_906 : memref<1x32x128xf32, #tpu.memory_space<hbm>> -> memref<32x128xf32, #tpu.memory_space<hbm>>
    %dma_wait3A_908 = arith.constant 32 : i32
    %dma_wait3A_909 = arith.constant 0 : i32
    %dma_wait3A_910 = tpu.memref_slice %arg8[%dma_wait3A_896, %dma_wait3A_908, %dma_wait3A_909] : memref<4x128x128xf32, #tpu.memory_space<vmem>> -> memref<1x32x128xf32, #tpu.memory_space<vmem>>
    %dma_wait3A_911 = tpu.memref_squeeze %dma_wait3A_910 : memref<1x32x128xf32, #tpu.memory_space<vmem>> -> memref<32x128xf32, #tpu.memory_space<vmem>>
    tpu.wait_dma2 semaphore(%arg11 : memref<!tpu.dma_semaphore, #tpu.memory_space<semaphore_mem>>) src(%dma_wait3A_911 : memref<32x128xf32, #tpu.memory_space<vmem>>) dst(%dma_wait3A_907 : memref<32x128xf32, #tpu.memory_space<hbm>>)
    %dma_wait3A_912 = arith.constant 3 : i32
    %dma_wait3A_913 = arith.constant 3 : i32
    %dma_wait3A_914 = arith.constant 32 : i32
    %dma_wait3A_915 = arith.constant 0 : i32
    %dma_wait3A_916 = tpu.memref_slice %arg8[%dma_wait3A_912, %dma_wait3A_914, %dma_wait3A_915] : memref<4x128x128xf32, #tpu.memory_space<vmem>> -> memref<1x32x128xf32, #tpu.memory_space<vmem>>
    %dma_wait3A_917 = tpu.memref_squeeze %dma_wait3A_916 : memref<1x32x128xf32, #tpu.memory_space<vmem>> -> memref<32x128xf32, #tpu.memory_space<vmem>>
    %dma_wait3A_918 = arith.constant 0 : i32
    %dma_wait3A_919 = tpu.memref_slice %arg5[%dma_wait3A_913, %add3A_507, %dma_wait3A_918] : memref<4x4096x128xf32, #tpu.memory_space<hbm>> -> memref<1x32x128xf32, #tpu.memory_space<hbm>>
    %dma_wait3A_920 = tpu.memref_squeeze %dma_wait3A_919 : memref<1x32x128xf32, #tpu.memory_space<hbm>> -> memref<32x128xf32, #tpu.memory_space<hbm>>
    %dma_wait3A_921 = arith.constant 0 : i32
    %dma_wait3A_922 = tpu.memref_slice %arg5[%dma_wait3A_913, %add3A_507, %dma_wait3A_921] : memref<4x4096x128xf32, #tpu.memory_space<hbm>> -> memref<1x32x128xf32, #tpu.memory_space<hbm>>
    %dma_wait3A_923 = tpu.memref_squeeze %dma_wait3A_922 : memref<1x32x128xf32, #tpu.memory_space<hbm>> -> memref<32x128xf32, #tpu.memory_space<hbm>>
    %dma_wait3A_924 = arith.constant 32 : i32
    %dma_wait3A_925 = arith.constant 0 : i32
    %dma_wait3A_926 = tpu.memref_slice %arg8[%dma_wait3A_912, %dma_wait3A_924, %dma_wait3A_925] : memref<4x128x128xf32, #tpu.memory_space<vmem>> -> memref<1x32x128xf32, #tpu.memory_space<vmem>>
    %dma_wait3A_927 = tpu.memref_squeeze %dma_wait3A_926 : memref<1x32x128xf32, #tpu.memory_space<vmem>> -> memref<32x128xf32, #tpu.memory_space<vmem>>
    tpu.wait_dma2 semaphore(%arg11 : memref<!tpu.dma_semaphore, #tpu.memory_space<semaphore_mem>>) src(%dma_wait3A_927 : memref<32x128xf32, #tpu.memory_space<vmem>>) dst(%dma_wait3A_923 : memref<32x128xf32, #tpu.memory_space<hbm>>)
    %dma_wait3A_928 = arith.constant 0 : i32
    %dma_wait3A_929 = arith.constant 0 : i32
    %dma_wait3A_930 = arith.constant 64 : i32
    %dma_wait3A_931 = arith.constant 0 : i32
    %dma_wait3A_932 = tpu.memref_slice %arg8[%dma_wait3A_928, %dma_wait3A_930, %dma_wait3A_931] : memref<4x128x128xf32, #tpu.memory_space<vmem>> -> memref<1x32x128xf32, #tpu.memory_space<vmem>>
    %dma_wait3A_933 = tpu.memref_squeeze %dma_wait3A_932 : memref<1x32x128xf32, #tpu.memory_space<vmem>> -> memref<32x128xf32, #tpu.memory_space<vmem>>
    %dma_wait3A_934 = arith.constant 0 : i32
    %dma_wait3A_935 = tpu.memref_slice %arg5[%dma_wait3A_929, %add3A_591, %dma_wait3A_934] : memref<4x4096x128xf32, #tpu.memory_space<hbm>> -> memref<1x32x128xf32, #tpu.memory_space<hbm>>
    %dma_wait3A_936 = tpu.memref_squeeze %dma_wait3A_935 : memref<1x32x128xf32, #tpu.memory_space<hbm>> -> memref<32x128xf32, #tpu.memory_space<hbm>>
    %dma_wait3A_937 = arith.constant 0 : i32
    %dma_wait3A_938 = tpu.memref_slice %arg5[%dma_wait3A_929, %add3A_591, %dma_wait3A_937] : memref<4x4096x128xf32, #tpu.memory_space<hbm>> -> memref<1x32x128xf32, #tpu.memory_space<hbm>>
    %dma_wait3A_939 = tpu.memref_squeeze %dma_wait3A_938 : memref<1x32x128xf32, #tpu.memory_space<hbm>> -> memref<32x128xf32, #tpu.memory_space<hbm>>
    %dma_wait3A_940 = arith.constant 64 : i32
    %dma_wait3A_941 = arith.constant 0 : i32
    %dma_wait3A_942 = tpu.memref_slice %arg8[%dma_wait3A_928, %dma_wait3A_940, %dma_wait3A_941] : memref<4x128x128xf32, #tpu.memory_space<vmem>> -> memref<1x32x128xf32, #tpu.memory_space<vmem>>
    %dma_wait3A_943 = tpu.memref_squeeze %dma_wait3A_942 : memref<1x32x128xf32, #tpu.memory_space<vmem>> -> memref<32x128xf32, #tpu.memory_space<vmem>>
    tpu.wait_dma2 semaphore(%arg11 : memref<!tpu.dma_semaphore, #tpu.memory_space<semaphore_mem>>) src(%dma_wait3A_943 : memref<32x128xf32, #tpu.memory_space<vmem>>) dst(%dma_wait3A_939 : memref<32x128xf32, #tpu.memory_space<hbm>>)
    %dma_wait3A_944 = arith.constant 1 : i32
    %dma_wait3A_945 = arith.constant 1 : i32
    %dma_wait3A_946 = arith.constant 64 : i32
    %dma_wait3A_947 = arith.constant 0 : i32
    %dma_wait3A_948 = tpu.memref_slice %arg8[%dma_wait3A_944, %dma_wait3A_946, %dma_wait3A_947] : memref<4x128x128xf32, #tpu.memory_space<vmem>> -> memref<1x32x128xf32, #tpu.memory_space<vmem>>
    %dma_wait3A_949 = tpu.memref_squeeze %dma_wait3A_948 : memref<1x32x128xf32, #tpu.memory_space<vmem>> -> memref<32x128xf32, #tpu.memory_space<vmem>>
    %dma_wait3A_950 = arith.constant 0 : i32
    %dma_wait3A_951 = tpu.memref_slice %arg5[%dma_wait3A_945, %add3A_609, %dma_wait3A_950] : memref<4x4096x128xf32, #tpu.memory_space<hbm>> -> memref<1x32x128xf32, #tpu.memory_space<hbm>>
    %dma_wait3A_952 = tpu.memref_squeeze %dma_wait3A_951 : memref<1x32x128xf32, #tpu.memory_space<hbm>> -> memref<32x128xf32, #tpu.memory_space<hbm>>
    %dma_wait3A_953 = arith.constant 0 : i32
    %dma_wait3A_954 = tpu.memref_slice %arg5[%dma_wait3A_945, %add3A_609, %dma_wait3A_953] : memref<4x4096x128xf32, #tpu.memory_space<hbm>> -> memref<1x32x128xf32, #tpu.memory_space<hbm>>
    %dma_wait3A_955 = tpu.memref_squeeze %dma_wait3A_954 : memref<1x32x128xf32, #tpu.memory_space<hbm>> -> memref<32x128xf32, #tpu.memory_space<hbm>>
    %dma_wait3A_956 = arith.constant 64 : i32
    %dma_wait3A_957 = arith.constant 0 : i32
    %dma_wait3A_958 = tpu.memref_slice %arg8[%dma_wait3A_944, %dma_wait3A_956, %dma_wait3A_957] : memref<4x128x128xf32, #tpu.memory_space<vmem>> -> memref<1x32x128xf32, #tpu.memory_space<vmem>>
    %dma_wait3A_959 = tpu.memref_squeeze %dma_wait3A_958 : memref<1x32x128xf32, #tpu.memory_space<vmem>> -> memref<32x128xf32, #tpu.memory_space<vmem>>
    tpu.wait_dma2 semaphore(%arg11 : memref<!tpu.dma_semaphore, #tpu.memory_space<semaphore_mem>>) src(%dma_wait3A_959 : memref<32x128xf32, #tpu.memory_space<vmem>>) dst(%dma_wait3A_955 : memref<32x128xf32, #tpu.memory_space<hbm>>)
    %dma_wait3A_960 = arith.constant 2 : i32
    %dma_wait3A_961 = arith.constant 2 : i32
    %dma_wait3A_962 = arith.constant 64 : i32
    %dma_wait3A_963 = arith.constant 0 : i32
    %dma_wait3A_964 = tpu.memref_slice %arg8[%dma_wait3A_960, %dma_wait3A_962, %dma_wait3A_963] : memref<4x128x128xf32, #tpu.memory_space<vmem>> -> memref<1x32x128xf32, #tpu.memory_space<vmem>>
    %dma_wait3A_965 = tpu.memref_squeeze %dma_wait3A_964 : memref<1x32x128xf32, #tpu.memory_space<vmem>> -> memref<32x128xf32, #tpu.memory_space<vmem>>
    %dma_wait3A_966 = arith.constant 0 : i32
    %dma_wait3A_967 = tpu.memref_slice %arg5[%dma_wait3A_961, %add3A_627, %dma_wait3A_966] : memref<4x4096x128xf32, #tpu.memory_space<hbm>> -> memref<1x32x128xf32, #tpu.memory_space<hbm>>
    %dma_wait3A_968 = tpu.memref_squeeze %dma_wait3A_967 : memref<1x32x128xf32, #tpu.memory_space<hbm>> -> memref<32x128xf32, #tpu.memory_space<hbm>>
    %dma_wait3A_969 = arith.constant 0 : i32
    %dma_wait3A_970 = tpu.memref_slice %arg5[%dma_wait3A_961, %add3A_627, %dma_wait3A_969] : memref<4x4096x128xf32, #tpu.memory_space<hbm>> -> memref<1x32x128xf32, #tpu.memory_space<hbm>>
    %dma_wait3A_971 = tpu.memref_squeeze %dma_wait3A_970 : memref<1x32x128xf32, #tpu.memory_space<hbm>> -> memref<32x128xf32, #tpu.memory_space<hbm>>
    %dma_wait3A_972 = arith.constant 64 : i32
    %dma_wait3A_973 = arith.constant 0 : i32
    %dma_wait3A_974 = tpu.memref_slice %arg8[%dma_wait3A_960, %dma_wait3A_972, %dma_wait3A_973] : memref<4x128x128xf32, #tpu.memory_space<vmem>> -> memref<1x32x128xf32, #tpu.memory_space<vmem>>
    %dma_wait3A_975 = tpu.memref_squeeze %dma_wait3A_974 : memref<1x32x128xf32, #tpu.memory_space<vmem>> -> memref<32x128xf32, #tpu.memory_space<vmem>>
    tpu.wait_dma2 semaphore(%arg11 : memref<!tpu.dma_semaphore, #tpu.memory_space<semaphore_mem>>) src(%dma_wait3A_975 : memref<32x128xf32, #tpu.memory_space<vmem>>) dst(%dma_wait3A_971 : memref<32x128xf32, #tpu.memory_space<hbm>>)
    %dma_wait3A_976 = arith.constant 3 : i32
    %dma_wait3A_977 = arith.constant 3 : i32
    %dma_wait3A_978 = arith.constant 64 : i32
    %dma_wait3A_979 = arith.constant 0 : i32
    %dma_wait3A_980 = tpu.memref_slice %arg8[%dma_wait3A_976, %dma_wait3A_978, %dma_wait3A_979] : memref<4x128x128xf32, #tpu.memory_space<vmem>> -> memref<1x32x128xf32, #tpu.memory_space<vmem>>
    %dma_wait3A_981 = tpu.memref_squeeze %dma_wait3A_980 : memref<1x32x128xf32, #tpu.memory_space<vmem>> -> memref<32x128xf32, #tpu.memory_space<vmem>>
    %dma_wait3A_982 = arith.constant 0 : i32
    %dma_wait3A_983 = tpu.memref_slice %arg5[%dma_wait3A_977, %add3A_645, %dma_wait3A_982] : memref<4x4096x128xf32, #tpu.memory_space<hbm>> -> memref<1x32x128xf32, #tpu.memory_space<hbm>>
    %dma_wait3A_984 = tpu.memref_squeeze %dma_wait3A_983 : memref<1x32x128xf32, #tpu.memory_space<hbm>> -> memref<32x128xf32, #tpu.memory_space<hbm>>
    %dma_wait3A_985 = arith.constant 0 : i32
    %dma_wait3A_986 = tpu.memref_slice %arg5[%dma_wait3A_977, %add3A_645, %dma_wait3A_985] : memref<4x4096x128xf32, #tpu.memory_space<hbm>> -> memref<1x32x128xf32, #tpu.memory_space<hbm>>
    %dma_wait3A_987 = tpu.memref_squeeze %dma_wait3A_986 : memref<1x32x128xf32, #tpu.memory_space<hbm>> -> memref<32x128xf32, #tpu.memory_space<hbm>>
    %dma_wait3A_988 = arith.constant 64 : i32
    %dma_wait3A_989 = arith.constant 0 : i32
    %dma_wait3A_990 = tpu.memref_slice %arg8[%dma_wait3A_976, %dma_wait3A_988, %dma_wait3A_989] : memref<4x128x128xf32, #tpu.memory_space<vmem>> -> memref<1x32x128xf32, #tpu.memory_space<vmem>>
    %dma_wait3A_991 = tpu.memref_squeeze %dma_wait3A_990 : memref<1x32x128xf32, #tpu.memory_space<vmem>> -> memref<32x128xf32, #tpu.memory_space<vmem>>
    tpu.wait_dma2 semaphore(%arg11 : memref<!tpu.dma_semaphore, #tpu.memory_space<semaphore_mem>>) src(%dma_wait3A_991 : memref<32x128xf32, #tpu.memory_space<vmem>>) dst(%dma_wait3A_987 : memref<32x128xf32, #tpu.memory_space<hbm>>)
    %dma_wait3A_992 = arith.constant 0 : i32
    %dma_wait3A_993 = arith.constant 0 : i32
    %dma_wait3A_994 = arith.constant 96 : i32
    %dma_wait3A_995 = arith.constant 0 : i32
    %dma_wait3A_996 = tpu.memref_slice %arg8[%dma_wait3A_992, %dma_wait3A_994, %dma_wait3A_995] : memref<4x128x128xf32, #tpu.memory_space<vmem>> -> memref<1x32x128xf32, #tpu.memory_space<vmem>>
    %dma_wait3A_997 = tpu.memref_squeeze %dma_wait3A_996 : memref<1x32x128xf32, #tpu.memory_space<vmem>> -> memref<32x128xf32, #tpu.memory_space<vmem>>
    %dma_wait3A_998 = arith.constant 0 : i32
    %dma_wait3A_999 = tpu.memref_slice %arg5[%dma_wait3A_993, %add3A_729, %dma_wait3A_998] : memref<4x4096x128xf32, #tpu.memory_space<hbm>> -> memref<1x32x128xf32, #tpu.memory_space<hbm>>
    %dma_wait3A_1000 = tpu.memref_squeeze %dma_wait3A_999 : memref<1x32x128xf32, #tpu.memory_space<hbm>> -> memref<32x128xf32, #tpu.memory_space<hbm>>
    %dma_wait3A_1001 = arith.constant 0 : i32
    %dma_wait3A_1002 = tpu.memref_slice %arg5[%dma_wait3A_993, %add3A_729, %dma_wait3A_1001] : memref<4x4096x128xf32, #tpu.memory_space<hbm>> -> memref<1x32x128xf32, #tpu.memory_space<hbm>>
    %dma_wait3A_1003 = tpu.memref_squeeze %dma_wait3A_1002 : memref<1x32x128xf32, #tpu.memory_space<hbm>> -> memref<32x128xf32, #tpu.memory_space<hbm>>
    %dma_wait3A_1004 = arith.constant 96 : i32
    %dma_wait3A_1005 = arith.constant 0 : i32
    %dma_wait3A_1006 = tpu.memref_slice %arg8[%dma_wait3A_992, %dma_wait3A_1004, %dma_wait3A_1005] : memref<4x128x128xf32, #tpu.memory_space<vmem>> -> memref<1x32x128xf32, #tpu.memory_space<vmem>>
    %dma_wait3A_1007 = tpu.memref_squeeze %dma_wait3A_1006 : memref<1x32x128xf32, #tpu.memory_space<vmem>> -> memref<32x128xf32, #tpu.memory_space<vmem>>
    tpu.wait_dma2 semaphore(%arg11 : memref<!tpu.dma_semaphore, #tpu.memory_space<semaphore_mem>>) src(%dma_wait3A_1007 : memref<32x128xf32, #tpu.memory_space<vmem>>) dst(%dma_wait3A_1003 : memref<32x128xf32, #tpu.memory_space<hbm>>)
    %dma_wait3A_1008 = arith.constant 1 : i32
    %dma_wait3A_1009 = arith.constant 1 : i32
    %dma_wait3A_1010 = arith.constant 96 : i32
    %dma_wait3A_1011 = arith.constant 0 : i32
    %dma_wait3A_1012 = tpu.memref_slice %arg8[%dma_wait3A_1008, %dma_wait3A_1010, %dma_wait3A_1011] : memref<4x128x128xf32, #tpu.memory_space<vmem>> -> memref<1x32x128xf32, #tpu.memory_space<vmem>>
    %dma_wait3A_1013 = tpu.memref_squeeze %dma_wait3A_1012 : memref<1x32x128xf32, #tpu.memory_space<vmem>> -> memref<32x128xf32, #tpu.memory_space<vmem>>
    %dma_wait3A_1014 = arith.constant 0 : i32
    %dma_wait3A_1015 = tpu.memref_slice %arg5[%dma_wait3A_1009, %add3A_747, %dma_wait3A_1014] : memref<4x4096x128xf32, #tpu.memory_space<hbm>> -> memref<1x32x128xf32, #tpu.memory_space<hbm>>
    %dma_wait3A_1016 = tpu.memref_squeeze %dma_wait3A_1015 : memref<1x32x128xf32, #tpu.memory_space<hbm>> -> memref<32x128xf32, #tpu.memory_space<hbm>>
    %dma_wait3A_1017 = arith.constant 0 : i32
    %dma_wait3A_1018 = tpu.memref_slice %arg5[%dma_wait3A_1009, %add3A_747, %dma_wait3A_1017] : memref<4x4096x128xf32, #tpu.memory_space<hbm>> -> memref<1x32x128xf32, #tpu.memory_space<hbm>>
    %dma_wait3A_1019 = tpu.memref_squeeze %dma_wait3A_1018 : memref<1x32x128xf32, #tpu.memory_space<hbm>> -> memref<32x128xf32, #tpu.memory_space<hbm>>
    %dma_wait3A_1020 = arith.constant 96 : i32
    %dma_wait3A_1021 = arith.constant 0 : i32
    %dma_wait3A_1022 = tpu.memref_slice %arg8[%dma_wait3A_1008, %dma_wait3A_1020, %dma_wait3A_1021] : memref<4x128x128xf32, #tpu.memory_space<vmem>> -> memref<1x32x128xf32, #tpu.memory_space<vmem>>
    %dma_wait3A_1023 = tpu.memref_squeeze %dma_wait3A_1022 : memref<1x32x128xf32, #tpu.memory_space<vmem>> -> memref<32x128xf32, #tpu.memory_space<vmem>>
    tpu.wait_dma2 semaphore(%arg11 : memref<!tpu.dma_semaphore, #tpu.memory_space<semaphore_mem>>) src(%dma_wait3A_1023 : memref<32x128xf32, #tpu.memory_space<vmem>>) dst(%dma_wait3A_1019 : memref<32x128xf32, #tpu.memory_space<hbm>>)
    %dma_wait3A_1024 = arith.constant 2 : i32
    %dma_wait3A_1025 = arith.constant 2 : i32
    %dma_wait3A_1026 = arith.constant 96 : i32
    %dma_wait3A_1027 = arith.constant 0 : i32
    %dma_wait3A_1028 = tpu.memref_slice %arg8[%dma_wait3A_1024, %dma_wait3A_1026, %dma_wait3A_1027] : memref<4x128x128xf32, #tpu.memory_space<vmem>> -> memref<1x32x128xf32, #tpu.memory_space<vmem>>
    %dma_wait3A_1029 = tpu.memref_squeeze %dma_wait3A_1028 : memref<1x32x128xf32, #tpu.memory_space<vmem>> -> memref<32x128xf32, #tpu.memory_space<vmem>>
    %dma_wait3A_1030 = arith.constant 0 : i32
    %dma_wait3A_1031 = tpu.memref_slice %arg5[%dma_wait3A_1025, %add3A_765, %dma_wait3A_1030] : memref<4x4096x128xf32, #tpu.memory_space<hbm>> -> memref<1x32x128xf32, #tpu.memory_space<hbm>>
    %dma_wait3A_1032 = tpu.memref_squeeze %dma_wait3A_1031 : memref<1x32x128xf32, #tpu.memory_space<hbm>> -> memref<32x128xf32, #tpu.memory_space<hbm>>
    %dma_wait3A_1033 = arith.constant 0 : i32
    %dma_wait3A_1034 = tpu.memref_slice %arg5[%dma_wait3A_1025, %add3A_765, %dma_wait3A_1033] : memref<4x4096x128xf32, #tpu.memory_space<hbm>> -> memref<1x32x128xf32, #tpu.memory_space<hbm>>
    %dma_wait3A_1035 = tpu.memref_squeeze %dma_wait3A_1034 : memref<1x32x128xf32, #tpu.memory_space<hbm>> -> memref<32x128xf32, #tpu.memory_space<hbm>>
    %dma_wait3A_1036 = arith.constant 96 : i32
    %dma_wait3A_1037 = arith.constant 0 : i32
    %dma_wait3A_1038 = tpu.memref_slice %arg8[%dma_wait3A_1024, %dma_wait3A_1036, %dma_wait3A_1037] : memref<4x128x128xf32, #tpu.memory_space<vmem>> -> memref<1x32x128xf32, #tpu.memory_space<vmem>>
    %dma_wait3A_1039 = tpu.memref_squeeze %dma_wait3A_1038 : memref<1x32x128xf32, #tpu.memory_space<vmem>> -> memref<32x128xf32, #tpu.memory_space<vmem>>
    tpu.wait_dma2 semaphore(%arg11 : memref<!tpu.dma_semaphore, #tpu.memory_space<semaphore_mem>>) src(%dma_wait3A_1039 : memref<32x128xf32, #tpu.memory_space<vmem>>) dst(%dma_wait3A_1035 : memref<32x128xf32, #tpu.memory_space<hbm>>)
    %dma_wait3A_1040 = arith.constant 3 : i32
    %dma_wait3A_1041 = arith.constant 3 : i32
    %dma_wait3A_1042 = arith.constant 96 : i32
    %dma_wait3A_1043 = arith.constant 0 : i32
    %dma_wait3A_1044 = tpu.memref_slice %arg8[%dma_wait3A_1040, %dma_wait3A_1042, %dma_wait3A_1043] : memref<4x128x128xf32, #tpu.memory_space<vmem>> -> memref<1x32x128xf32, #tpu.memory_space<vmem>>
    %dma_wait3A_1045 = tpu.memref_squeeze %dma_wait3A_1044 : memref<1x32x128xf32, #tpu.memory_space<vmem>> -> memref<32x128xf32, #tpu.memory_space<vmem>>
    %dma_wait3A_1046 = arith.constant 0 : i32
    %dma_wait3A_1047 = tpu.memref_slice %arg5[%dma_wait3A_1041, %add3A_783, %dma_wait3A_1046] : memref<4x4096x128xf32, #tpu.memory_space<hbm>> -> memref<1x32x128xf32, #tpu.memory_space<hbm>>
    %dma_wait3A_1048 = tpu.memref_squeeze %dma_wait3A_1047 : memref<1x32x128xf32, #tpu.memory_space<hbm>> -> memref<32x128xf32, #tpu.memory_space<hbm>>
    %dma_wait3A_1049 = arith.constant 0 : i32
    %dma_wait3A_1050 = tpu.memref_slice %arg5[%dma_wait3A_1041, %add3A_783, %dma_wait3A_1049] : memref<4x4096x128xf32, #tpu.memory_space<hbm>> -> memref<1x32x128xf32, #tpu.memory_space<hbm>>
    %dma_wait3A_1051 = tpu.memref_squeeze %dma_wait3A_1050 : memref<1x32x128xf32, #tpu.memory_space<hbm>> -> memref<32x128xf32, #tpu.memory_space<hbm>>
    %dma_wait3A_1052 = arith.constant 96 : i32
    %dma_wait3A_1053 = arith.constant 0 : i32
    %dma_wait3A_1054 = tpu.memref_slice %arg8[%dma_wait3A_1040, %dma_wait3A_1052, %dma_wait3A_1053] : memref<4x128x128xf32, #tpu.memory_space<vmem>> -> memref<1x32x128xf32, #tpu.memory_space<vmem>>
    %dma_wait3A_1055 = tpu.memref_squeeze %dma_wait3A_1054 : memref<1x32x128xf32, #tpu.memory_space<vmem>> -> memref<32x128xf32, #tpu.memory_space<vmem>>
    tpu.wait_dma2 semaphore(%arg11 : memref<!tpu.dma_semaphore, #tpu.memory_space<semaphore_mem>>) src(%dma_wait3A_1055 : memref<32x128xf32, #tpu.memory_space<vmem>>) dst(%dma_wait3A_1051 : memref<32x128xf32, #tpu.memory_space<hbm>>)
    return
  }
}

</mosaic_0001>

<sc_bundles>
// kernel: kernel.3.cloned.1.call-start
scs
__scs_entry_jumppad:
0x0: {  	(pc) =	sbr.rel $0x88, $3  }
0x1: {  	(tag) =	ssettag $0x0;
	lr =	simm.s32 $0x1  }
0x2: {  	[smem:$0x3F9E] =	sst lr;
	_ =	strace $0xD0000000  }
0x3: {  	_ = 	snop  }
0x4: {  	_ = 	snop  }
0x5: {  	_ = 	snop  }
0x6: {  	_ = 	snop  }
0x7: {  	_ = 	snop  }
__scs_overlays_trampoline_lowered:
0x8: {  	[smem:$0x3FAD] =	sst s0  }
0x9: {  	[smem:$0x3FAE] =	sst s1  }
0xa: {  	[smem:$0x3FAF] =	sst s2  }
0xb: {  	[smem:$0x3FB0] =	sst s3  }
0xc: {  	[smem:$0x3FB1] =	sst s4  }
0xd: {  	[smem:$0x3FB2] =	sst s5  }
0xe: {  	[smem:$0x3FB3] =	sst s6  }
0xf: {  	[smem:$0x3FB4] =	sst s7  }
0x10: {  	[smem:$0x3FB5] =	sst s8  }
0x11: {  	[smem:$0x3FB6] =	sst s9;
	s0 =	simm.s32 @!p0 $0x0  }
0x12: {  	s1 =	sld [smem:$0x3F9C];
	s0 =	simm.s32 @p0 $0x1  }
0x13: {  	[smem:$0x3FB7] =	sst s0;
	s0 =	simm.s32 @!p1 $0x0  }
0x14: {  	s2 =	sld [smem:$0x3F9B];
	s0 =	simm.s32 @p1 $0x1  }
0x15: {  	[smem:$0x3FB8] =	sst s0;
	s0 =	simm.s32 @!p2 $0x0  }
0x16: {  	s3 =	sld [smem:$0x3FDB];
	s0 =	simm.s32 @p2 $0x1  }
0x17: {  	s4 =	simm.s32 $0x1BF5;
	[smem:$0x3FBA] =	sst s0  }
0x18: {  	s0 =	sld [smem:$0x3F9D];
	_ =	swait.ge [sflag:s4], $0x0  }
0x19: {  	s7 =	sld [smem:$0x3F9E]  }
0x1a: {  	s8 =	sadd.s32 $0xFFFFE003, lr  }
0x1b: {  	s9 =	sadd.s32 $0xFFFFFEF7, lr;
	s5 =	simm.s32 $0xFFFFFFFF;
	p2 =	slt.u32 s8, $0xFFFFF086  }
0x1c: {  	p1 =	slt.u32 s9, $0xF7A;
	s5 =	simm.s32 @!p2 $0x0  }
0x1d: {  	s5 =	simm.s32 @p1 $0x1;
	p0 =	seq.s32 s7, s2  }
0x1e: {  	s7 =	smul.u32 @!p0 $0xF7A, s2;
	p2 =	seq.s32 @!p0 s5, $0x0  }
0x1f: {  	s9 =	smul.u32 $0xF7A, s1;
	s8 =	simm.s32 @!p0 $0x1BF5;
	p2 =	por !p2, p0  }
0x20: {  	[sflag:s8] =	ssyncset.s32 @!p0 $0xFFFFF086;
	s6 =	sadd.s32 @!p0 s3, s7;
	s7 =	simm.s32 @!p0 $0x108  }
0x21: {  	s3 =	sadd.s32 s3, s9;
	s6 =	sadd.s32 @!p0 $0x88, s6;
	s7 =	simm.s32 @p2 $0x1082  }
0x22: {  	[simem:s7], [sflag:s8] =	dma.local @!p0 [hbm:s6], $0xF7A  }
0x23: {  	s9 =	sor.u32 $0xD0000000, s2;
	s6 =	simm.s32 $0x108;
	_ =	swait.ge @!p0 [sflag:s8], $0x0  }
0x24: {  	s3 =	sadd.s32 $0x88, s3;
	s6 =	simm.s32 @!p1 $0x1082;
	[sflag:s4] =	ssyncset.s32 $0xFFFFF086  }
0x25: {  	[simem:s6], [sflag:s4] =	dma.local [hbm:s3], $0xF7A  }
0x26: {  	[smem:$0x3F9E] =	sst s1;
	(tag) =	ssettag s2;
	_ =	strace s9  }
0x27: {  	s1 =	sld [smem:$0x3FAE]  }
0x28: {  	s2 =	sld [smem:$0x3FAF]  }
0x29: {  	s4 =	sld [smem:$0x3FB1]  }
0x2a: {  	p0 =	seq.s32 s5, $0x0;
	s5 =	sld [smem:$0x3FB2]  }
0x2b: {  	s6 =	sld [smem:$0x3FB3]  }
0x2c: {  	s7 =	sld [smem:$0x3FB4]  }
0x2d: {  	s3 =	simm.s32 $0x108;
	s8 =	sld [smem:$0x3FB5]  }
0x2e: {  	s3 =	simm.s32 @!p0 $0x1082;
	s9 =	sld [smem:$0x3FB6]  }
0x2f: {  	lr =	sadd.s32 s0, s3;
	s0 =	sld [smem:$0x3FAD]  }
0x30: {  	s3 =	sld [smem:$0x3FB0]  }
0x31: {  	[smem:$0x3FB9] =	sst s10  }
0x32: {  	s10 =	sld [smem:$0x3FB7];
	_ =	sdelay $0x3  }
0x33: {  	p0 =	seq.s32 s10, $0x1;
	s10 =	sld [smem:$0x3FB9];
	_ =	sdelay $0x3  }
0x34: {  	[smem:$0x3FB9] =	sst s10  }
0x35: {  	s10 =	sld [smem:$0x3FB8];
	_ =	sdelay $0x3  }
0x36: {  	p1 =	seq.s32 s10, $0x1;
	s10 =	sld [smem:$0x3FB9];
	_ =	sdelay $0x3  }
0x37: {  	[smem:$0x3FB9] =	sst s10  }
0x38: {  	s10 =	sld [smem:$0x3FBA]  }
0x39: {  	_ = 	snop;
	(pc) =	sbr.ind lr, $3  }
0x3a: {  	_ = 	snop  }
0x3b: {  	_ = 	snop  }
0x3c: {  	p2 =	seq.s32 s10, $0x1;
	s10 =	sld [smem:$0x3FB9]  }
0x3d: {  	_ =	shalt  }
0x3e: {  	_ =	shalt  }
0x3f: {  	_ =	shalt  }
0x40: {  	_ =	shalt  }
0x41: {  	_ =	shalt  }
0x42: {  	_ =	shalt  }
0x43: {  	_ =	shalt  }
0x44: {  	_ =	shalt  }
0x45: {  	_ =	shalt  }
0x46: {  	_ =	shalt  }
0x47: {  	_ =	shalt  }
0x48: {  	_ =	shalt  }
0x49: {  	_ =	shalt  }
0x4a: {  	_ =	shalt  }
0x4b: {  	_ =	shalt  }
0x4c: {  	_ =	shalt  }
0x4d: {  	_ =	shalt  }
0x4e: {  	_ =	shalt  }
0x4f: {  	_ =	shalt  }
0x50: {  	_ =	shalt  }
0x51: {  	_ =	shalt  }
0x52: {  	_ =	shalt  }
0x53: {  	_ =	shalt  }
0x54: {  	_ =	shalt  }
0x55: {  	_ =	shalt  }
0x56: {  	_ =	shalt  }
0x57: {  	_ =	shalt  }
0x58: {  	_ =	shalt  }
0x59: {  	_ =	shalt  }
0x5a: {  	_ =	shalt  }
0x5b: {  	_ =	shalt  }
0x5c: {  	_ =	shalt  }
0x5d: {  	_ =	shalt  }
0x5e: {  	_ =	shalt  }
0x5f: {  	_ =	shalt  }
0x60: {  	_ =	shalt  }
0x61: {  	_ =	shalt  }
0x62: {  	_ =	shalt  }
0x63: {  	_ =	shalt  }
0x64: {  	_ =	shalt  }
0x65: {  	_ =	shalt  }
0x66: {  	_ =	shalt  }
0x67: {  	_ =	shalt  }
0x68: {  	_ =	shalt  }
0x69: {  	_ =	shalt  }
0x6a: {  	_ =	shalt  }
0x6b: {  	_ =	shalt  }
0x6c: {  	_ =	shalt  }
0x6d: {  	_ =	shalt  }
0x6e: {  	_ =	shalt  }
0x6f: {  	_ =	shalt  }
0x70: {  	_ =	shalt  }
0x71: {  	_ =	shalt  }
0x72: {  	_ =	shalt  }
0x73: {  	_ =	shalt  }
0x74: {  	_ =	shalt  }
0x75: {  	_ =	shalt  }
0x76: {  	_ =	shalt  }
0x77: {  	_ =	shalt  }
0x78: {  	_ =	shalt  }
0x79: {  	_ =	shalt  }
0x7a: {  	_ =	shalt  }
0x7b: {  	_ =	shalt  }
0x7c: {  	_ =	shalt  }
0x7d: {  	_ =	shalt  }
0x7e: {  	_ =	shalt  }
0x7f: {  	_ =	shalt  }
0x80: {  	_ =	shalt  }
0x81: {  	_ =	shalt  }
0x82: {  	_ =	shalt  }
0x83: {  	_ =	shalt  }
0x84: {  	_ =	shalt  }
0x85: {  	_ =	shalt  }
0x86: {  	_ =	shalt  }
0x87: {  	_ =	shalt  }
.Lfunc_end0:
.L_simem_size_0:
called_computation_lowered:
.L_overlay_start_0:
0x88: {  	s2 =	sld [smem:$0x3FD9]  }
0x89: {  	s3 =	sld [smem:$0x3FFE];
	_ =	sdelay $0x1  }
0x8a: {  	s1 =	srdreg.scid  }
0x8b: {  	s0 =	sand.u32 $0x1, s1  }
0x8c: {  	s18 =	sshll.u32 s0, $0xA;
	s2 =	sadd.s32 s3, s2  }
0x8d: {  	s2 =	sadd.s32 s2, s18  }
0x8e: {  	[smem:$0x3FC5] =	sst s2  }
0x8f: {  	_ = 	snop  }
0x90: {  	s2 =	sld [smem:$0x3FC9]  }
0x91: {  	s19 =	sld [smem:$0x3FC8]  }
0x92: {  	s4 =	sld [smem:$0x3FC7]  }
0x93: {  	s5 =	sld [smem:$0x3FD0];
	(tm) =	ssettm $0x1  }
0x94: {  	s6 =	sld [smem:$0x3FFB];
	_ =	sdelay $0x3  }
0x95: {  	_ =	strace s6  }
0x96: {  	s6 =	sld [smem:$0x3FFC];
	_ =	sdelay $0x3  }
0x97: {  	_ =	strace s6  }
0x98: {  	s6 =	sld [smem:$0x3FFD];
	_ =	sdelay $0x3  }
0x99: {  	_ =	strace s6  }
0x9a: {  	_ =	strace $0x8FFFFFFF  }
0x9b: {  	s20 =	sld [smem:$0x3FDB];
	_ =	sdelay $0x1  }
0x9c: {  	s7 =	simm.s32 $_scs_section_size  }
0x9d: {  	s8 =	simm.s32 $_size__tile_overlayer_lowered;
	s9 =	simm.s32 $_tile_overlayer_lowered  }
0x9e: {  	s23 =	simm.s32 $0x1BFF;
	s22 =	sshll.u32 s9, $0x1;
	s6 =	sadd.s32 s7, s20  }
0x9f: {  	s10 =	simm.s32 $0x0;
	s21 =	sshll.u32 s8, $0x1;
	s8 =	sadd.s32 s22, s6  }
0xa0: {  	[timem:s10], [sflag:s23] =	dma.local [hbm:s8], s21  }
0xa1: {  	_ =	swait.ge [sflag:s23], s21  }
0xa2: {  	s7 =	ssub.s32 $0x0, s21;
	[sflag:s23] =	ssyncset.done $0x0  }
0xa3: {  	[sflag:s23] =	ssyncadd.s32 s7;
	_ =	sdelay $0x1  }
0xa4: {  	s24 =	simm.s32 $0x1B8B  }
0xa5: {  	_ =	swait.ge [sflag:s24], $0x1  }
0xa6: {  	[sflag:s24] =	ssyncset.done $0x0  }
0xa7: {  	s25 =	simm.s32 $0x1B8E;
	[sflag:s24] =	ssyncadd.s32 $0xFFFFFFFF  }
0xa8: {  	s26 =	simm.s32 $execute0_lowered;
	[smem:$0x3FD2] =	sst s25  }
0xa9: {  	s7 =	sshll.u32 s26, $0x1;
	_ =	strace $0x80000046;
	[dreg:$0x1] =	wrdreg $0xFFFFFFFF  }
0xaa: {  	s28 =	simm.s32 $_size_execute0_lowered;
	s6 =	sadd.s32 s6, s7;
	[dreg:$0x0] =	wrdreg $0x0  }
0xab: {  	s7 =	sshll.u32 s28, $0x1;
	[dreg:$0x2] =	wrdreg s6  }
0xac: {  	[dreg:$0x3] =	wrdreg s7  }
0xad: {  	[dreg:$0x4] =	wrdreg $0xC0  }
0xae: {  	_ =	task [dreg:s10], $0x5FFFF  }
0xaf: {  	[dreg:$0x1] =	wrdreg $0xFFFFFFFF  }
0xb0: {  	[dreg:$0x0] =	wrdreg $0x60  }
0xb1: {  	[dreg:$0x2] =	wrdreg s2  }
0xb2: {  	[dreg:$0x3] =	wrdreg s19  }
0xb3: {  	[dreg:$0x4] =	wrdreg s4  }
0xb4: {  	[dreg:$0x5] =	wrdreg s5  }
0xb5: {  	[dreg:$0x6] =	wrdreg $0x9  }
0xb6: {  	_ =	task.clear_ibuf [dreg:s10], $0x7FFFF;
	_ =	strace $0x90000046  }
0xb7: {  	s29 =	simm.s32 $0x9;
	_ =	strace $0x80000048  }
0xb8: {  	_ =	swait.ge [sflag:s29], $0x1  }
0xb9: {  	[sflag:s29] =	ssyncadd.s32 $0xFFFFFFFF  }
0xba: {  	_ =	strace $0x90000048  }
0xbb: {  	_ =	sfence  }
0xbc: {  	s30 =	sld [smem:$0x0];
	_ =	sdelay $0x2  }
0xbd: {  	s31 =	sshll.u32 s1, $0xD;
	s1 =	sshrl.u32 s1, $0x2  }
0xbe: {  	s3 =	sand.u32 $0x4000, s31;
	s1 =	sadd.s32 s1, s30  }
0xbf: {  	s0 =	sor.u32 s3, s0;
	s1 =	sshll.u32 s1, $0x11  }
0xc0: {  	s0 =	sor.u32 s1, s0  }
0xc1: {  	s0 =	sadd.s32 $0x8F2B, s0  }
0xc2: {  	[sflag:s0] =	ssyncadd.remote.s32 $0x1  }
0xc3: {  	_ =	sfence.sel $0xFFFF  }
0xc4: {  	[dreg:$0x0] =	wrdreg $0xFFFFFFFF;
	(pc) =	sbr.abs _section_cstart, $3  }
0xc5: {  	[dreg:$0x1] =	wrdreg $0xFFFFFFFF  }
0xc6: {  	_ =	task.clear_ibuf [dreg:s10], $0x2FFFF;
	_ =	strace $0x9FFFFFFF  }
0xc7: {  	(tm) =	ssettm $0x7FFFFFFF  }
tec
execute0_lowered:
.L_overlay_start_1:
0x0: {  	(tag) =	ssettag $0x1  }
0x1: {  	s0 =	rddreg [dreg:$0x0]  }
0x2: {  	s1 =	rddreg [dreg:$0x1]  }
0x3: {  	s2 =	rddreg [dreg:$0x2];
	s5 =	srdreg.scid  }
0x4: {  	s4 =	rddreg [dreg:$0x3];
	s6 =	stileid.u32;
	s5 =	sand.u32 $0x1, s5  }
0x5: {  	s3 =	simm.s32 $0x0;
	s6 =	sshll.u32 s6, $0x8;
	s7 =	sshll.u32 s5, $0x7  }
0x6: {  	[smem:$0x7FF] =	sst s3;
	s5 =	ssub.s32 $0x2, s5;
	s6 =	sor.u32 s7, s6  }
0x7: {  	_ =	strace $0x80000047;
	s13 =	sshrl.u32 s5, $0x1;
	s8 =	sshrl.u32 s6, $0x1  }
0x8: {  	s6 =	sshll.u32 s6, $0x4;
	s7 =	ssub.s32 s5, s13;
	s0 =	sadd.s32 s0, s8  }
0x9: {  	s5 =	sadd.s32 s4, s6;
	s14 =	sadd.s32 s2, s6;
	[dreg:$0x5] =	wrdreg s0  }
0xa: {  	[dreg:$0x6] =	wrdreg s14;
	s15 =	sadd.s32 $0x10000, s5  }
0xb: {  	s31 =	simm.s32 $0x9200;
	s16 =	sadd.s32 $0x20000, s5;
	[dreg:$0x7] =	wrdreg s15  }
0xc: {  	s29 =	simm.s32 $0xD200;
	s17 =	sadd.s32 $0x30000, s5;
	[dreg:$0x8] =	wrdreg s16  }
0xd: {  	s9 =	simm.s32 $0x7200;
	s18 =	sadd.s32 $0x200, s5;
	[dreg:$0x9] =	wrdreg s17  }
0xe: {  	s10 =	simm.s32 $0xB200;
	s19 =	sadd.s32 $0x10200, s5;
	[dreg:$0xa] =	wrdreg s18  }
0xf: {  	s11 =	simm.s32 $0xF200;
	s20 =	sadd.s32 $0x20200, s5;
	[dreg:$0xb] =	wrdreg s19  }
0x10: {  	s12 =	simm.s32 $0x13200;
	s21 =	sadd.s32 $0x30200, s5;
	[dreg:$0xc] =	wrdreg s20  }
0x11: {  	s28 =	simm.s32 $0x4;
	s22 =	sadd.s32 $0x400, s5;
	[dreg:$0xd] =	wrdreg s21  }
0x12: {  	s13 =	simm.s32 $0x6;
	s23 =	sadd.s32 $0x10400, s5;
	[dreg:$0xe] =	wrdreg s22  }
0x13: {  	s2 =	simm.s32 $0x11200;
	s24 =	sadd.s32 $0x20400, s5;
	[dreg:$0xf] =	wrdreg s23  }
0x14: {  	s4 =	simm.s32 $0x6200;
	s25 =	sadd.s32 $0x30400, s5;
	[dreg:$0x10] =	wrdreg s24  }
0x15: {  	s6 =	simm.s32 $0xA200;
	s26 =	sadd.s32 $0x600, s5;
	[dreg:$0x11] =	wrdreg s25  }
0x16: {  	s8 =	simm.s32 $0x12200;
	s30 =	sadd.s32 $0x10600, s5;
	[dreg:$0x12] =	wrdreg s26  }
0x17: {  	s0 =	simm.s32 $0x10200;
	s14 =	simm.s32 $0x2;
	[dreg:$0x13] =	wrdreg s30  }
0x18: {  	s20 =	sadd.s32 $0x20600, s5;
	s21 =	sadd.s32 $0x30600, s5;
	s22 =	smax.u32 s7, $0x1  }
0x19: {  	s23 =	simm.s32 $0x8;
	s24 =	simm.s32 $0x20;
	s19 =	simm.s32 $0xC200  }
0x1a: {  	s26 =	simm.s32 $0x5200;
	s7 =	simm.s32 $0xE200;
	s25 =	simm.s32 $0x1  }
0x1b: {  	s15 =	simm.s32 $0x3;
	s16 =	simm.s32 $0x7;
	s17 =	simm.s32 $0x0  }
.LBB2_1:
0x1c: {  	s18 =	rddreg [dreg:$0x5]  }
0x1d: {  	[tilespmem:s3], [sflag:$0x8] =	stream.linear.gather [hbm4b:s18+s3], $0x200, $0x38;
	[tilespmem:$0x14200] =	vst v63  }
0x1e: {  	_ =	swait.ge [sflag:s23], $0x200  }
0x1f: {  	[sflag:s23] =	ssyncset.done $0x0  }
0x20: {  	s18 =	simm.s32 $0x4200;
	[sflag:s23] =	ssyncadd.s32 $0xFFFFFE00  }
0x21: {  	[tilespmem:s18], [sflag:$0x1] =	stream.indirect.gather [hbm4b:s1+s24], $0x80, s3, s24, $0xb8;
	[tilespmem:$0x14200] =	vst v63  }
0x22: {  	s30 =	simm.s32 $0x8200;
	s18 =	simm.s32 $0x80  }
0x23: {  	[tilespmem:s30], [sflag:$0x1] =	stream.indirect.gather [hbm4b:s1+s24], $0x80, s18, s24, $0xb8;
	[tilespmem:$0x14200] =	vst v63  }
0x24: {  	s18 =	simm.s32 $0x100  }
0x25: {  	[tilespmem:s19], [sflag:$0x1] =	stream.indirect.gather [hbm4b:s1+s24], $0x80, s18, s24, $0xb8;
	[tilespmem:$0x14200] =	vst v63  }
0x26: {  	s19 =	simm.s32 $0x180  }
0x27: {  	[tilespmem:s0], [sflag:$0x1] =	stream.indirect.gather [hbm4b:s1+s24], $0x80, s19, s24, $0xb8;
	[tilespmem:$0x14200] =	vst v63  }
0x28: {  	s18 =	rddreg [dreg:$0x6];
	s19 =	simm.s32 $0x200  }
0x29: {  	[tilespmem:s19], [sflag:$0x6] =	stream.linear.gather [hbm4b:s18+s3], $0x4000, $0x38;
	[tilespmem:$0x14200] =	vst v63  }
0x2a: {  	_ = 	snop  }
0x2b: {  	[tilespmem:s26], [sflag:$0x2] =	stream.indirect.gather [hbm4b:s1+s24], $0x80, s24, s24, $0xb8;
	[tilespmem:$0x14200] =	vst v63  }
0x2c: {  	s19 =	simm.s32 $0xA0  }
0x2d: {  	[tilespmem:s31], [sflag:$0x2] =	stream.indirect.gather [hbm4b:s1+s24], $0x80, s19, s24, $0xb8;
	[tilespmem:$0x14200] =	vst v63  }
0x2e: {  	s19 =	simm.s32 $0x120  }
0x2f: {  	[tilespmem:s29], [sflag:$0x2] =	stream.indirect.gather [hbm4b:s1+s24], $0x80, s19, s24, $0xb8;
	[tilespmem:$0x14200] =	vst v63  }
0x30: {  	s19 =	simm.s32 $0x1A0  }
0x31: {  	[tilespmem:s2], [sflag:$0x2] =	stream.indirect.gather [hbm4b:s1+s24], $0x80, s19, s24, $0xb8;
	[tilespmem:$0x14200] =	vst v63  }
0x32: {  	s19 =	simm.s32 $0x40  }
0x33: {  	[tilespmem:s4], [sflag:$0x3] =	stream.indirect.gather [hbm4b:s1+s24], $0x80, s19, s24, $0xb8;
	[tilespmem:$0x14200] =	vst v63  }
0x34: {  	s19 =	simm.s32 $0xC0  }
0x35: {  	[tilespmem:s6], [sflag:$0x3] =	stream.indirect.gather [hbm4b:s1+s24], $0x80, s19, s24, $0xb8;
	[tilespmem:$0x14200] =	vst v63  }
0x36: {  	s19 =	simm.s32 $0x140  }
0x37: {  	[tilespmem:s7], [sflag:$0x3] =	stream.indirect.gather [hbm4b:s1+s24], $0x80, s19, s24, $0xb8;
	[tilespmem:$0x14200] =	vst v63  }
0x38: {  	s19 =	simm.s32 $0x1C0  }
0x39: {  	[tilespmem:s8], [sflag:$0x3] =	stream.indirect.gather [hbm4b:s1+s24], $0x80, s19, s24, $0xb8;
	[tilespmem:$0x14200] =	vst v63  }
0x3a: {  	s19 =	simm.s32 $0x60  }
0x3b: {  	[tilespmem:s9], [sflag:$0x4] =	stream.indirect.gather [hbm4b:s1+s24], $0x80, s19, s24, $0xb8;
	[tilespmem:$0x14200] =	vst v63  }
0x3c: {  	s19 =	simm.s32 $0xE0  }
0x3d: {  	[tilespmem:s10], [sflag:$0x4] =	stream.indirect.gather [hbm4b:s1+s24], $0x80, s19, s24, $0xb8;
	[tilespmem:$0x14200] =	vst v63  }
0x3e: {  	s19 =	simm.s32 $0x160  }
0x3f: {  	[tilespmem:s11], [sflag:$0x4] =	stream.indirect.gather [hbm4b:s1+s24], $0x80, s19, s24, $0xb8;
	[tilespmem:$0x14200] =	vst v63  }
0x40: {  	s19 =	simm.s32 $0x1E0  }
0x41: {  	[tilespmem:s12], [sflag:$0x4] =	stream.indirect.gather [hbm4b:s1+s24], $0x80, s19, s24, $0xb8;
	[tilespmem:$0x14200] =	vst v63  }
0x42: {  	_ =	swait.ge [sflag:s13], $0x4000  }
0x43: {  	[sflag:s13] =	ssyncset.done $0x0  }
0x44: {  	[sflag:s13] =	ssyncadd.s32 $0xFFFFC000  }
0x45: {  	_ =	swait.ge [sflag:s25], $0x1000  }
0x46: {  	[sflag:s25] =	ssyncset.done $0x0  }
0x47: {  	[sflag:s25] =	ssyncadd.s32 $0xFFFFF000  }
0x48: {  	_ =	swait.ge [sflag:s25], $0x1000  }
0x49: {  	[sflag:s25] =	ssyncset.done $0x0  }
0x4a: {  	[sflag:s25] =	ssyncadd.s32 $0xFFFFF000  }
0x4b: {  	_ =	swait.ge [sflag:s25], $0x1000  }
0x4c: {  	[sflag:s25] =	ssyncset.done $0x0  }
0x4d: {  	[sflag:s25] =	ssyncadd.s32 $0xFFFFF000  }
0x4e: {  	_ =	swait.ge [sflag:s25], $0x1000  }
0x4f: {  	[sflag:s25] =	ssyncset.done $0x0  }
0x50: {  	s30 =	simm.s32 $0x0;
	s18 =	simm.s32 $0x200;
	[sflag:s25] =	ssyncadd.s32 $0xFFFFF000  }
.LBB2_2:
0x51: {  	p0 =	sne.s32 s18, $0x3E00;
	v0 =	vld [tilespmem:s30+$0x270]  }
0x52: {  	v1 =	vld [tilespmem:s30+$0x200]  }
0x53: {  	v2 =	vld [tilespmem:s30+$0x210]  }
0x54: {  	v3 =	vld [tilespmem:s30+$0x220]  }
0x55: {  	v4 =	vld [tilespmem:s30+$0x230]  }
0x56: {  	[tilespmem:s30+$0x10270] =	vst.add.f32.msk $0xffff, v0  }
0x57: {  	v5 =	vld [tilespmem:s30+$0x240]  }
0x58: {  	v6 =	vld [tilespmem:s30+$0x250]  }
0x59: {  	v7 =	vld [tilespmem:s30+$0x260]  }
0x5a: {  	[tilespmem:s30+$0x4200] =	vst.add.f32.msk $0xffff, v1  }
0x5b: {  	[tilespmem:s30+$0x8200] =	vst.add.f32.msk $0xffff, v1  }
0x5c: {  	[tilespmem:s30+$0xC200] =	vst.add.f32.msk $0xffff, v1  }
0x5d: {  	[tilespmem:s30+$0x10200] =	vst.add.f32.msk $0xffff, v1  }
0x5e: {  	[tilespmem:s30+$0x4210] =	vst.add.f32.msk $0xffff, v2  }
0x5f: {  	[tilespmem:s30+$0x8210] =	vst.add.f32.msk $0xffff, v2  }
0x60: {  	[tilespmem:s30+$0xC210] =	vst.add.f32.msk $0xffff, v2  }
0x61: {  	[tilespmem:s30+$0x10210] =	vst.add.f32.msk $0xffff, v2  }
0x62: {  	[tilespmem:s30+$0x4220] =	vst.add.f32.msk $0xffff, v3  }
0x63: {  	[tilespmem:s30+$0x8220] =	vst.add.f32.msk $0xffff, v3  }
0x64: {  	[tilespmem:s30+$0xC220] =	vst.add.f32.msk $0xffff, v3  }
0x65: {  	[tilespmem:s30+$0x10220] =	vst.add.f32.msk $0xffff, v3  }
0x66: {  	[tilespmem:s30+$0x4230] =	vst.add.f32.msk $0xffff, v4  }
0x67: {  	[tilespmem:s30+$0x8230] =	vst.add.f32.msk $0xffff, v4  }
0x68: {  	[tilespmem:s30+$0xC230] =	vst.add.f32.msk $0xffff, v4  }
0x69: {  	[tilespmem:s30+$0x10230] =	vst.add.f32.msk $0xffff, v4  }
0x6a: {  	[tilespmem:s30+$0x4240] =	vst.add.f32.msk $0xffff, v5  }
0x6b: {  	[tilespmem:s30+$0x8240] =	vst.add.f32.msk $0xffff, v5  }
0x6c: {  	[tilespmem:s30+$0xC240] =	vst.add.f32.msk $0xffff, v5  }
0x6d: {  	[tilespmem:s30+$0x10240] =	vst.add.f32.msk $0xffff, v5  }
0x6e: {  	[tilespmem:s30+$0x4250] =	vst.add.f32.msk $0xffff, v6  }
0x6f: {  	[tilespmem:s30+$0x8250] =	vst.add.f32.msk $0xffff, v6  }
0x70: {  	[tilespmem:s30+$0xC250] =	vst.add.f32.msk $0xffff, v6  }
0x71: {  	[tilespmem:s30+$0x10250] =	vst.add.f32.msk $0xffff, v6  }
0x72: {  	[tilespmem:s30+$0x4260] =	vst.add.f32.msk $0xffff, v7  }
0x73: {  	[tilespmem:s30+$0x8260] =	vst.add.f32.msk $0xffff, v7  }
.Ltmp0:
0x74: {  	[tilespmem:s30+$0xC260] =	vst.add.f32.msk $0xffff, v7;
	(pc) =	sbr.rel @p0 .LBB2_2-.Ltmp0, $4  }
0x75: {  	[tilespmem:s30+$0x10260] =	vst.add.f32.msk $0xffff, v7  }
0x76: {  	[tilespmem:s30+$0x4270] =	vst.add.f32.msk $0xffff, v0  }
0x77: {  	[tilespmem:s30+$0x8270] =	vst.add.f32.msk $0xffff, v0  }
0x78: {  	[tilespmem:s30+$0xC270] =	vst.add.f32.msk $0xffff, v0;
	s30 =	sshra.s32 s18, $0x2;
	s18 =	sadd.s32 $0x200, s18  }
0x79: {  	v0 =	vld [tilespmem:s30+$0x270]  }
0x7a: {  	v1 =	vld [tilespmem:s30+$0x200]  }
0x7b: {  	v2 =	vld [tilespmem:s30+$0x210]  }
0x7c: {  	v3 =	vld [tilespmem:s30+$0x220]  }
0x7d: {  	v4 =	vld [tilespmem:s30+$0x230]  }
0x7e: {  	v5 =	vld [tilespmem:s30+$0x240]  }
0x7f: {  	v6 =	vld [tilespmem:s30+$0x250]  }
0x80: {  	v7 =	vld [tilespmem:s30+$0x260]  }
0x81: {  	[tilespmem:s30+$0x10270] =	vst.add.f32.msk $0xffff, v0  }
0x82: {  	[tilespmem:s30+$0x4200] =	vst.add.f32.msk $0xffff, v1  }
0x83: {  	[tilespmem:s30+$0x8200] =	vst.add.f32.msk $0xffff, v1  }
0x84: {  	[tilespmem:s30+$0xC200] =	vst.add.f32.msk $0xffff, v1  }
0x85: {  	[tilespmem:s30+$0x10200] =	vst.add.f32.msk $0xffff, v1  }
0x86: {  	[tilespmem:s30+$0x4210] =	vst.add.f32.msk $0xffff, v2  }
0x87: {  	[tilespmem:s30+$0x8210] =	vst.add.f32.msk $0xffff, v2  }
0x88: {  	[tilespmem:s30+$0xC210] =	vst.add.f32.msk $0xffff, v2  }
0x89: {  	[tilespmem:s30+$0x10210] =	vst.add.f32.msk $0xffff, v2  }
0x8a: {  	[tilespmem:s30+$0x4220] =	vst.add.f32.msk $0xffff, v3  }
0x8b: {  	[tilespmem:s30+$0x8220] =	vst.add.f32.msk $0xffff, v3  }
0x8c: {  	[tilespmem:s30+$0xC220] =	vst.add.f32.msk $0xffff, v3  }
0x8d: {  	[tilespmem:s30+$0x10220] =	vst.add.f32.msk $0xffff, v3  }
0x8e: {  	[tilespmem:s30+$0x4230] =	vst.add.f32.msk $0xffff, v4  }
0x8f: {  	[tilespmem:s30+$0x8230] =	vst.add.f32.msk $0xffff, v4  }
0x90: {  	[tilespmem:s30+$0xC230] =	vst.add.f32.msk $0xffff, v4  }
0x91: {  	[tilespmem:s30+$0x10230] =	vst.add.f32.msk $0xffff, v4  }
0x92: {  	[tilespmem:s30+$0x4240] =	vst.add.f32.msk $0xffff, v5  }
0x93: {  	[tilespmem:s30+$0x8240] =	vst.add.f32.msk $0xffff, v5  }
0x94: {  	[tilespmem:s30+$0xC240] =	vst.add.f32.msk $0xffff, v5  }
0x95: {  	[tilespmem:s30+$0x10240] =	vst.add.f32.msk $0xffff, v5  }
0x96: {  	[tilespmem:s30+$0x4250] =	vst.add.f32.msk $0xffff, v6  }
0x97: {  	[tilespmem:s30+$0x8250] =	vst.add.f32.msk $0xffff, v6  }
0x98: {  	[tilespmem:s30+$0xC250] =	vst.add.f32.msk $0xffff, v6  }
0x99: {  	[tilespmem:s30+$0x10250] =	vst.add.f32.msk $0xffff, v6  }
0x9a: {  	[tilespmem:s30+$0x4260] =	vst.add.f32.msk $0xffff, v7  }
0x9b: {  	[tilespmem:s30+$0x8260] =	vst.add.f32.msk $0xffff, v7  }
0x9c: {  	[tilespmem:s30+$0xC260] =	vst.add.f32.msk $0xffff, v7  }
0x9d: {  	[tilespmem:s30+$0x10260] =	vst.add.f32.msk $0xffff, v7  }
0x9e: {  	[tilespmem:s30+$0x4270] =	vst.add.f32.msk $0xffff, v0  }
0x9f: {  	[tilespmem:s30+$0x8270] =	vst.add.f32.msk $0xffff, v0  }
0xa0: {  	s18 =	simm.s32 $0x0;
	[tilespmem:s30+$0xC270] =	vst.add.f32.msk $0xffff, v0;
	s30 =	simm.s32 $0x4200  }
0xa1: {  	[hbm4b:s5+s18] =	stream.linear.scatter [tilespmem:s30], [sflag:$0x7], $0x1000, $0x38;
	[tilespmem:$0x14200] =	vst v63  }
0xa2: {  	s19 =	simm.s32 $0x8200;
	s30 =	rddreg [dreg:$0x7]  }
0xa3: {  	[hbm4b:s30+s18] =	stream.linear.scatter [tilespmem:s19], [sflag:$0x7], $0x1000, $0x38;
	[tilespmem:$0x14200] =	vst v63  }
0xa4: {  	s30 =	rddreg [dreg:$0x8];
	s19 =	simm.s32 $0xC200  }
0xa5: {  	[hbm4b:s30+s18] =	stream.linear.scatter [tilespmem:s19], [sflag:$0x7], $0x1000, $0x38;
	[tilespmem:$0x14200] =	vst v63  }
0xa6: {  	s30 =	rddreg [dreg:$0x9]  }
0xa7: {  	[hbm4b:s30+s18] =	stream.linear.scatter [tilespmem:s0], [sflag:$0x7], $0x1000, $0x38;
	[tilespmem:$0x14200] =	vst v63  }
0xa8: {  	_ =	swait.ge [sflag:s14], $0x1000  }
0xa9: {  	[sflag:s14] =	ssyncset.done $0x0  }
0xaa: {  	[sflag:s14] =	ssyncadd.s32 $0xFFFFF000  }
0xab: {  	_ =	swait.ge [sflag:s14], $0x1000  }
0xac: {  	[sflag:s14] =	ssyncset.done $0x0  }
0xad: {  	[sflag:s14] =	ssyncadd.s32 $0xFFFFF000  }
0xae: {  	_ =	swait.ge [sflag:s14], $0x1000  }
0xaf: {  	[sflag:s14] =	ssyncset.done $0x0  }
0xb0: {  	[sflag:s14] =	ssyncadd.s32 $0xFFFFF000  }
0xb1: {  	_ =	swait.ge [sflag:s14], $0x1000  }
0xb2: {  	[sflag:s14] =	ssyncset.done $0x0  }
0xb3: {  	s30 =	simm.s32 $0x0;
	s18 =	simm.s32 $0x200;
	[sflag:s14] =	ssyncadd.s32 $0xFFFFF000  }
.LBB2_4:
0xb4: {  	p0 =	sne.s32 s18, $0x3E00;
	v0 =	vld [tilespmem:s30+$0x1270]  }
0xb5: {  	v1 =	vld [tilespmem:s30+$0x1200]  }
0xb6: {  	v2 =	vld [tilespmem:s30+$0x1210]  }
0xb7: {  	v3 =	vld [tilespmem:s30+$0x1220]  }
0xb8: {  	v4 =	vld [tilespmem:s30+$0x1230]  }
0xb9: {  	[tilespmem:s30+$0x11270] =	vst.add.f32.msk $0xffff, v0  }
0xba: {  	v5 =	vld [tilespmem:s30+$0x1240]  }
0xbb: {  	v6 =	vld [tilespmem:s30+$0x1250]  }
0xbc: {  	v7 =	vld [tilespmem:s30+$0x1260]  }
0xbd: {  	[tilespmem:s30+$0x5200] =	vst.add.f32.msk $0xffff, v1  }
0xbe: {  	[tilespmem:s30+$0x9200] =	vst.add.f32.msk $0xffff, v1  }
0xbf: {  	[tilespmem:s30+$0xD200] =	vst.add.f32.msk $0xffff, v1  }
0xc0: {  	[tilespmem:s30+$0x11200] =	vst.add.f32.msk $0xffff, v1  }
0xc1: {  	[tilespmem:s30+$0x5210] =	vst.add.f32.msk $0xffff, v2  }
0xc2: {  	[tilespmem:s30+$0x9210] =	vst.add.f32.msk $0xffff, v2  }
0xc3: {  	[tilespmem:s30+$0xD210] =	vst.add.f32.msk $0xffff, v2  }
0xc4: {  	[tilespmem:s30+$0x11210] =	vst.add.f32.msk $0xffff, v2  }
0xc5: {  	[tilespmem:s30+$0x5220] =	vst.add.f32.msk $0xffff, v3  }
0xc6: {  	[tilespmem:s30+$0x9220] =	vst.add.f32.msk $0xffff, v3  }
0xc7: {  	[tilespmem:s30+$0xD220] =	vst.add.f32.msk $0xffff, v3  }
0xc8: {  	[tilespmem:s30+$0x11220] =	vst.add.f32.msk $0xffff, v3  }
0xc9: {  	[tilespmem:s30+$0x5230] =	vst.add.f32.msk $0xffff, v4  }
0xca: {  	[tilespmem:s30+$0x9230] =	vst.add.f32.msk $0xffff, v4  }
0xcb: {  	[tilespmem:s30+$0xD230] =	vst.add.f32.msk $0xffff, v4  }
0xcc: {  	[tilespmem:s30+$0x11230] =	vst.add.f32.msk $0xffff, v4  }
0xcd: {  	[tilespmem:s30+$0x5240] =	vst.add.f32.msk $0xffff, v5  }
0xce: {  	[tilespmem:s30+$0x9240] =	vst.add.f32.msk $0xffff, v5  }
0xcf: {  	[tilespmem:s30+$0xD240] =	vst.add.f32.msk $0xffff, v5  }
0xd0: {  	[tilespmem:s30+$0x11240] =	vst.add.f32.msk $0xffff, v5  }
0xd1: {  	[tilespmem:s30+$0x5250] =	vst.add.f32.msk $0xffff, v6  }
0xd2: {  	[tilespmem:s30+$0x9250] =	vst.add.f32.msk $0xffff, v6  }
0xd3: {  	[tilespmem:s30+$0xD250] =	vst.add.f32.msk $0xffff, v6  }
0xd4: {  	[tilespmem:s30+$0x11250] =	vst.add.f32.msk $0xffff, v6  }
0xd5: {  	[tilespmem:s30+$0x5260] =	vst.add.f32.msk $0xffff, v7  }
0xd6: {  	[tilespmem:s30+$0x9260] =	vst.add.f32.msk $0xffff, v7  }
.Ltmp1:
0xd7: {  	[tilespmem:s30+$0xD260] =	vst.add.f32.msk $0xffff, v7;
	(pc) =	sbr.rel @p0 .LBB2_4-.Ltmp1, $4  }
0xd8: {  	[tilespmem:s30+$0x11260] =	vst.add.f32.msk $0xffff, v7  }
0xd9: {  	[tilespmem:s30+$0x5270] =	vst.add.f32.msk $0xffff, v0  }
0xda: {  	[tilespmem:s30+$0x9270] =	vst.add.f32.msk $0xffff, v0  }
0xdb: {  	[tilespmem:s30+$0xD270] =	vst.add.f32.msk $0xffff, v0;
	s30 =	sshra.s32 s18, $0x2;
	s18 =	sadd.s32 $0x200, s18  }
0xdc: {  	v0 =	vld [tilespmem:s30+$0x1270]  }
0xdd: {  	v1 =	vld [tilespmem:s30+$0x1200]  }
0xde: {  	v2 =	vld [tilespmem:s30+$0x1210]  }
0xdf: {  	v3 =	vld [tilespmem:s30+$0x1220]  }
0xe0: {  	v4 =	vld [tilespmem:s30+$0x1230]  }
0xe1: {  	v5 =	vld [tilespmem:s30+$0x1240]  }
0xe2: {  	v6 =	vld [tilespmem:s30+$0x1250]  }
0xe3: {  	v7 =	vld [tilespmem:s30+$0x1260]  }
0xe4: {  	[tilespmem:s30+$0x11270] =	vst.add.f32.msk $0xffff, v0  }
0xe5: {  	[tilespmem:s30+$0x5200] =	vst.add.f32.msk $0xffff, v1  }
0xe6: {  	[tilespmem:s30+$0x9200] =	vst.add.f32.msk $0xffff, v1  }
0xe7: {  	[tilespmem:s30+$0xD200] =	vst.add.f32.msk $0xffff, v1  }
0xe8: {  	[tilespmem:s30+$0x11200] =	vst.add.f32.msk $0xffff, v1  }
0xe9: {  	[tilespmem:s30+$0x5210] =	vst.add.f32.msk $0xffff, v2  }
0xea: {  	[tilespmem:s30+$0x9210] =	vst.add.f32.msk $0xffff, v2  }
0xeb: {  	[tilespmem:s30+$0xD210] =	vst.add.f32.msk $0xffff, v2  }
0xec: {  	[tilespmem:s30+$0x11210] =	vst.add.f32.msk $0xffff, v2  }
0xed: {  	[tilespmem:s30+$0x5220] =	vst.add.f32.msk $0xffff, v3  }
0xee: {  	[tilespmem:s30+$0x9220] =	vst.add.f32.msk $0xffff, v3  }
0xef: {  	[tilespmem:s30+$0xD220] =	vst.add.f32.msk $0xffff, v3  }
0xf0: {  	[tilespmem:s30+$0x11220] =	vst.add.f32.msk $0xffff, v3  }
0xf1: {  	[tilespmem:s30+$0x5230] =	vst.add.f32.msk $0xffff, v4  }
0xf2: {  	[tilespmem:s30+$0x9230] =	vst.add.f32.msk $0xffff, v4  }
0xf3: {  	[tilespmem:s30+$0xD230] =	vst.add.f32.msk $0xffff, v4  }
0xf4: {  	[tilespmem:s30+$0x11230] =	vst.add.f32.msk $0xffff, v4  }
0xf5: {  	[tilespmem:s30+$0x5240] =	vst.add.f32.msk $0xffff, v5  }
0xf6: {  	[tilespmem:s30+$0x9240] =	vst.add.f32.msk $0xffff, v5  }
0xf7: {  	[tilespmem:s30+$0xD240] =	vst.add.f32.msk $0xffff, v5  }
0xf8: {  	[tilespmem:s30+$0x11240] =	vst.add.f32.msk $0xffff, v5  }
0xf9: {  	[tilespmem:s30+$0x5250] =	vst.add.f32.msk $0xffff, v6  }
0xfa: {  	[tilespmem:s30+$0x9250] =	vst.add.f32.msk $0xffff, v6  }
0xfb: {  	[tilespmem:s30+$0xD250] =	vst.add.f32.msk $0xffff, v6  }
0xfc: {  	[tilespmem:s30+$0x11250] =	vst.add.f32.msk $0xffff, v6  }
0xfd: {  	[tilespmem:s30+$0x5260] =	vst.add.f32.msk $0xffff, v7  }
0xfe: {  	[tilespmem:s30+$0x9260] =	vst.add.f32.msk $0xffff, v7  }
0xff: {  	[tilespmem:s30+$0xD260] =	vst.add.f32.msk $0xffff, v7  }
0x100: {  	[tilespmem:s30+$0x11260] =	vst.add.f32.msk $0xffff, v7  }
0x101: {  	[tilespmem:s30+$0x5270] =	vst.add.f32.msk $0xffff, v0  }
0x102: {  	[tilespmem:s30+$0x9270] =	vst.add.f32.msk $0xffff, v0  }
0x103: {  	s18 =	simm.s32 $0x0;
	[tilespmem:s30+$0xD270] =	vst.add.f32.msk $0xffff, v0;
	s30 =	rddreg [dreg:$0xa]  }
0x104: {  	[hbm4b:s30+s18] =	stream.linear.scatter [tilespmem:s26], [sflag:$0x7], $0x1000, $0x38;
	[tilespmem:$0x14200] =	vst v63  }
0x105: {  	s30 =	rddreg [dreg:$0xb]  }
0x106: {  	[hbm4b:s30+s18] =	stream.linear.scatter [tilespmem:s31], [sflag:$0x7], $0x1000, $0x38;
	[tilespmem:$0x14200] =	vst v63  }
0x107: {  	s30 =	rddreg [dreg:$0xc]  }
0x108: {  	[hbm4b:s30+s18] =	stream.linear.scatter [tilespmem:s29], [sflag:$0x7], $0x1000, $0x38;
	[tilespmem:$0x14200] =	vst v63  }
0x109: {  	s30 =	rddreg [dreg:$0xd]  }
0x10a: {  	[hbm4b:s30+s18] =	stream.linear.scatter [tilespmem:s2], [sflag:$0x7], $0x1000, $0x38;
	[tilespmem:$0x14200] =	vst v63  }
0x10b: {  	_ =	swait.ge [sflag:s15], $0x1000  }
0x10c: {  	[sflag:s15] =	ssyncset.done $0x0  }
0x10d: {  	[sflag:s15] =	ssyncadd.s32 $0xFFFFF000  }
0x10e: {  	_ =	swait.ge [sflag:s15], $0x1000  }
0x10f: {  	[sflag:s15] =	ssyncset.done $0x0  }
0x110: {  	[sflag:s15] =	ssyncadd.s32 $0xFFFFF000  }
0x111: {  	_ =	swait.ge [sflag:s15], $0x1000  }
0x112: {  	[sflag:s15] =	ssyncset.done $0x0  }
0x113: {  	[sflag:s15] =	ssyncadd.s32 $0xFFFFF000  }
0x114: {  	_ =	swait.ge [sflag:s15], $0x1000  }
0x115: {  	[sflag:s15] =	ssyncset.done $0x0  }
0x116: {  	s30 =	simm.s32 $0x0;
	s18 =	simm.s32 $0x200;
	[sflag:s15] =	ssyncadd.s32 $0xFFFFF000  }
.LBB2_6:
0x117: {  	p0 =	sne.s32 s18, $0x3E00;
	v0 =	vld [tilespmem:s30+$0x2270]  }
0x118: {  	v1 =	vld [tilespmem:s30+$0x2200]  }
0x119: {  	v2 =	vld [tilespmem:s30+$0x2210]  }
0x11a: {  	v3 =	vld [tilespmem:s30+$0x2220]  }
0x11b: {  	v4 =	vld [tilespmem:s30+$0x2230]  }
0x11c: {  	[tilespmem:s30+$0x12270] =	vst.add.f32.msk $0xffff, v0  }
0x11d: {  	v5 =	vld [tilespmem:s30+$0x2240]  }
0x11e: {  	v6 =	vld [tilespmem:s30+$0x2250]  }
0x11f: {  	v7 =	vld [tilespmem:s30+$0x2260]  }
0x120: {  	[tilespmem:s30+$0x6200] =	vst.add.f32.msk $0xffff, v1  }
0x121: {  	[tilespmem:s30+$0xA200] =	vst.add.f32.msk $0xffff, v1  }
0x122: {  	[tilespmem:s30+$0xE200] =	vst.add.f32.msk $0xffff, v1  }
0x123: {  	[tilespmem:s30+$0x12200] =	vst.add.f32.msk $0xffff, v1  }
0x124: {  	[tilespmem:s30+$0x6210] =	vst.add.f32.msk $0xffff, v2  }
0x125: {  	[tilespmem:s30+$0xA210] =	vst.add.f32.msk $0xffff, v2  }
0x126: {  	[tilespmem:s30+$0xE210] =	vst.add.f32.msk $0xffff, v2  }
0x127: {  	[tilespmem:s30+$0x12210] =	vst.add.f32.msk $0xffff, v2  }
0x128: {  	[tilespmem:s30+$0x6220] =	vst.add.f32.msk $0xffff, v3  }
0x129: {  	[tilespmem:s30+$0xA220] =	vst.add.f32.msk $0xffff, v3  }
0x12a: {  	[tilespmem:s30+$0xE220] =	vst.add.f32.msk $0xffff, v3  }
0x12b: {  	[tilespmem:s30+$0x12220] =	vst.add.f32.msk $0xffff, v3  }
0x12c: {  	[tilespmem:s30+$0x6230] =	vst.add.f32.msk $0xffff, v4  }
0x12d: {  	[tilespmem:s30+$0xA230] =	vst.add.f32.msk $0xffff, v4  }
0x12e: {  	[tilespmem:s30+$0xE230] =	vst.add.f32.msk $0xffff, v4  }
0x12f: {  	[tilespmem:s30+$0x12230] =	vst.add.f32.msk $0xffff, v4  }
0x130: {  	[tilespmem:s30+$0x6240] =	vst.add.f32.msk $0xffff, v5  }
0x131: {  	[tilespmem:s30+$0xA240] =	vst.add.f32.msk $0xffff, v5  }
0x132: {  	[tilespmem:s30+$0xE240] =	vst.add.f32.msk $0xffff, v5  }
0x133: {  	[tilespmem:s30+$0x12240] =	vst.add.f32.msk $0xffff, v5  }
0x134: {  	[tilespmem:s30+$0x6250] =	vst.add.f32.msk $0xffff, v6  }
0x135: {  	[tilespmem:s30+$0xA250] =	vst.add.f32.msk $0xffff, v6  }
0x136: {  	[tilespmem:s30+$0xE250] =	vst.add.f32.msk $0xffff, v6  }
0x137: {  	[tilespmem:s30+$0x12250] =	vst.add.f32.msk $0xffff, v6  }
0x138: {  	[tilespmem:s30+$0x6260] =	vst.add.f32.msk $0xffff, v7  }
0x139: {  	[tilespmem:s30+$0xA260] =	vst.add.f32.msk $0xffff, v7  }
.Ltmp2:
0x13a: {  	[tilespmem:s30+$0xE260] =	vst.add.f32.msk $0xffff, v7;
	(pc) =	sbr.rel @p0 .LBB2_6-.Ltmp2, $4  }
0x13b: {  	[tilespmem:s30+$0x12260] =	vst.add.f32.msk $0xffff, v7  }
0x13c: {  	[tilespmem:s30+$0x6270] =	vst.add.f32.msk $0xffff, v0  }
0x13d: {  	[tilespmem:s30+$0xA270] =	vst.add.f32.msk $0xffff, v0  }
0x13e: {  	[tilespmem:s30+$0xE270] =	vst.add.f32.msk $0xffff, v0;
	s30 =	sshra.s32 s18, $0x2;
	s18 =	sadd.s32 $0x200, s18  }
0x13f: {  	v0 =	vld [tilespmem:s30+$0x2270]  }
0x140: {  	v1 =	vld [tilespmem:s30+$0x2200]  }
0x141: {  	v2 =	vld [tilespmem:s30+$0x2210]  }
0x142: {  	v3 =	vld [tilespmem:s30+$0x2220]  }
0x143: {  	v4 =	vld [tilespmem:s30+$0x2230]  }
0x144: {  	v5 =	vld [tilespmem:s30+$0x2240]  }
0x145: {  	v6 =	vld [tilespmem:s30+$0x2250]  }
0x146: {  	v7 =	vld [tilespmem:s30+$0x2260]  }
0x147: {  	[tilespmem:s30+$0x12270] =	vst.add.f32.msk $0xffff, v0  }
0x148: {  	[tilespmem:s30+$0x6200] =	vst.add.f32.msk $0xffff, v1  }
0x149: {  	[tilespmem:s30+$0xA200] =	vst.add.f32.msk $0xffff, v1  }
0x14a: {  	[tilespmem:s30+$0xE200] =	vst.add.f32.msk $0xffff, v1  }
0x14b: {  	[tilespmem:s30+$0x12200] =	vst.add.f32.msk $0xffff, v1  }
0x14c: {  	[tilespmem:s30+$0x6210] =	vst.add.f32.msk $0xffff, v2  }
0x14d: {  	[tilespmem:s30+$0xA210] =	vst.add.f32.msk $0xffff, v2  }
0x14e: {  	[tilespmem:s30+$0xE210] =	vst.add.f32.msk $0xffff, v2  }
0x14f: {  	[tilespmem:s30+$0x12210] =	vst.add.f32.msk $0xffff, v2  }
0x150: {  	[tilespmem:s30+$0x6220] =	vst.add.f32.msk $0xffff, v3  }
0x151: {  	[tilespmem:s30+$0xA220] =	vst.add.f32.msk $0xffff, v3  }
0x152: {  	[tilespmem:s30+$0xE220] =	vst.add.f32.msk $0xffff, v3  }
0x153: {  	[tilespmem:s30+$0x12220] =	vst.add.f32.msk $0xffff, v3  }
0x154: {  	[tilespmem:s30+$0x6230] =	vst.add.f32.msk $0xffff, v4  }
0x155: {  	[tilespmem:s30+$0xA230] =	vst.add.f32.msk $0xffff, v4  }
0x156: {  	[tilespmem:s30+$0xE230] =	vst.add.f32.msk $0xffff, v4  }
0x157: {  	[tilespmem:s30+$0x12230] =	vst.add.f32.msk $0xffff, v4  }
0x158: {  	[tilespmem:s30+$0x6240] =	vst.add.f32.msk $0xffff, v5  }
0x159: {  	[tilespmem:s30+$0xA240] =	vst.add.f32.msk $0xffff, v5  }
0x15a: {  	[tilespmem:s30+$0xE240] =	vst.add.f32.msk $0xffff, v5  }
0x15b: {  	[tilespmem:s30+$0x12240] =	vst.add.f32.msk $0xffff, v5  }
0x15c: {  	[tilespmem:s30+$0x6250] =	vst.add.f32.msk $0xffff, v6  }
0x15d: {  	[tilespmem:s30+$0xA250] =	vst.add.f32.msk $0xffff, v6  }
0x15e: {  	[tilespmem:s30+$0xE250] =	vst.add.f32.msk $0xffff, v6  }
0x15f: {  	[tilespmem:s30+$0x12250] =	vst.add.f32.msk $0xffff, v6  }
0x160: {  	[tilespmem:s30+$0x6260] =	vst.add.f32.msk $0xffff, v7  }
0x161: {  	[tilespmem:s30+$0xA260] =	vst.add.f32.msk $0xffff, v7  }
0x162: {  	[tilespmem:s30+$0xE260] =	vst.add.f32.msk $0xffff, v7  }
0x163: {  	[tilespmem:s30+$0x12260] =	vst.add.f32.msk $0xffff, v7  }
0x164: {  	[tilespmem:s30+$0x6270] =	vst.add.f32.msk $0xffff, v0  }
0x165: {  	[tilespmem:s30+$0xA270] =	vst.add.f32.msk $0xffff, v0  }
0x166: {  	s18 =	simm.s32 $0x0;
	[tilespmem:s30+$0xE270] =	vst.add.f32.msk $0xffff, v0;
	s30 =	rddreg [dreg:$0xe]  }
0x167: {  	[hbm4b:s30+s18] =	stream.linear.scatter [tilespmem:s4], [sflag:$0x7], $0x1000, $0x38;
	[tilespmem:$0x14200] =	vst v63  }
0x168: {  	s30 =	rddreg [dreg:$0xf]  }
0x169: {  	[hbm4b:s30+s18] =	stream.linear.scatter [tilespmem:s6], [sflag:$0x7], $0x1000, $0x38;
	[tilespmem:$0x14200] =	vst v63  }
0x16a: {  	s30 =	rddreg [dreg:$0x10]  }
0x16b: {  	[hbm4b:s30+s18] =	stream.linear.scatter [tilespmem:s7], [sflag:$0x7], $0x1000, $0x38;
	[tilespmem:$0x14200] =	vst v63  }
0x16c: {  	s30 =	rddreg [dreg:$0x11]  }
0x16d: {  	[hbm4b:s30+s18] =	stream.linear.scatter [tilespmem:s8], [sflag:$0x7], $0x1000, $0x38;
	[tilespmem:$0x14200] =	vst v63  }
0x16e: {  	_ =	swait.ge [sflag:s28], $0x1000  }
0x16f: {  	[sflag:s28] =	ssyncset.done $0x0  }
0x170: {  	[sflag:s28] =	ssyncadd.s32 $0xFFFFF000  }
0x171: {  	_ =	swait.ge [sflag:s28], $0x1000  }
0x172: {  	[sflag:s28] =	ssyncset.done $0x0  }
0x173: {  	[sflag:s28] =	ssyncadd.s32 $0xFFFFF000  }
0x174: {  	_ =	swait.ge [sflag:s28], $0x1000  }
0x175: {  	[sflag:s28] =	ssyncset.done $0x0  }
0x176: {  	[sflag:s28] =	ssyncadd.s32 $0xFFFFF000  }
0x177: {  	_ =	swait.ge [sflag:s28], $0x1000  }
0x178: {  	[sflag:s28] =	ssyncset.done $0x0  }
0x179: {  	s30 =	simm.s32 $0x0;
	s18 =	simm.s32 $0x200;
	[sflag:s28] =	ssyncadd.s32 $0xFFFFF000  }
.LBB2_8:
0x17a: {  	p0 =	sne.s32 s18, $0x3E00;
	v0 =	vld [tilespmem:s30+$0x3270]  }
0x17b: {  	v1 =	vld [tilespmem:s30+$0x3200]  }
0x17c: {  	v2 =	vld [tilespmem:s30+$0x3210]  }
0x17d: {  	v3 =	vld [tilespmem:s30+$0x3220]  }
0x17e: {  	v4 =	vld [tilespmem:s30+$0x3230]  }
0x17f: {  	[tilespmem:s30+$0x13270] =	vst.add.f32.msk $0xffff, v0  }
0x180: {  	v5 =	vld [tilespmem:s30+$0x3240]  }
0x181: {  	v6 =	vld [tilespmem:s30+$0x3250]  }
0x182: {  	v7 =	vld [tilespmem:s30+$0x3260]  }
0x183: {  	[tilespmem:s30+$0x7200] =	vst.add.f32.msk $0xffff, v1  }
0x184: {  	[tilespmem:s30+$0xB200] =	vst.add.f32.msk $0xffff, v1  }
0x185: {  	[tilespmem:s30+$0xF200] =	vst.add.f32.msk $0xffff, v1  }
0x186: {  	[tilespmem:s30+$0x13200] =	vst.add.f32.msk $0xffff, v1  }
0x187: {  	[tilespmem:s30+$0x7210] =	vst.add.f32.msk $0xffff, v2  }
0x188: {  	[tilespmem:s30+$0xB210] =	vst.add.f32.msk $0xffff, v2  }
0x189: {  	[tilespmem:s30+$0xF210] =	vst.add.f32.msk $0xffff, v2  }
0x18a: {  	[tilespmem:s30+$0x13210] =	vst.add.f32.msk $0xffff, v2  }
0x18b: {  	[tilespmem:s30+$0x7220] =	vst.add.f32.msk $0xffff, v3  }
0x18c: {  	[tilespmem:s30+$0xB220] =	vst.add.f32.msk $0xffff, v3  }
0x18d: {  	[tilespmem:s30+$0xF220] =	vst.add.f32.msk $0xffff, v3  }
0x18e: {  	[tilespmem:s30+$0x13220] =	vst.add.f32.msk $0xffff, v3  }
0x18f: {  	[tilespmem:s30+$0x7230] =	vst.add.f32.msk $0xffff, v4  }
0x190: {  	[tilespmem:s30+$0xB230] =	vst.add.f32.msk $0xffff, v4  }
0x191: {  	[tilespmem:s30+$0xF230] =	vst.add.f32.msk $0xffff, v4  }
0x192: {  	[tilespmem:s30+$0x13230] =	vst.add.f32.msk $0xffff, v4  }
0x193: {  	[tilespmem:s30+$0x7240] =	vst.add.f32.msk $0xffff, v5  }
0x194: {  	[tilespmem:s30+$0xB240] =	vst.add.f32.msk $0xffff, v5  }
0x195: {  	[tilespmem:s30+$0xF240] =	vst.add.f32.msk $0xffff, v5  }
0x196: {  	[tilespmem:s30+$0x13240] =	vst.add.f32.msk $0xffff, v5  }
0x197: {  	[tilespmem:s30+$0x7250] =	vst.add.f32.msk $0xffff, v6  }
0x198: {  	[tilespmem:s30+$0xB250] =	vst.add.f32.msk $0xffff, v6  }
0x199: {  	[tilespmem:s30+$0xF250] =	vst.add.f32.msk $0xffff, v6  }
0x19a: {  	[tilespmem:s30+$0x13250] =	vst.add.f32.msk $0xffff, v6  }
0x19b: {  	[tilespmem:s30+$0x7260] =	vst.add.f32.msk $0xffff, v7  }
0x19c: {  	[tilespmem:s30+$0xB260] =	vst.add.f32.msk $0xffff, v7  }
.Ltmp3:
0x19d: {  	[tilespmem:s30+$0xF260] =	vst.add.f32.msk $0xffff, v7;
	(pc) =	sbr.rel @p0 .LBB2_8-.Ltmp3, $4  }
0x19e: {  	[tilespmem:s30+$0x13260] =	vst.add.f32.msk $0xffff, v7  }
0x19f: {  	[tilespmem:s30+$0x7270] =	vst.add.f32.msk $0xffff, v0  }
0x1a0: {  	[tilespmem:s30+$0xB270] =	vst.add.f32.msk $0xffff, v0  }
0x1a1: {  	[tilespmem:s30+$0xF270] =	vst.add.f32.msk $0xffff, v0;
	s30 =	sshra.s32 s18, $0x2;
	s18 =	sadd.s32 $0x200, s18  }
0x1a2: {  	v0 =	vld [tilespmem:s30+$0x3270]  }
0x1a3: {  	v1 =	vld [tilespmem:s30+$0x3200]  }
0x1a4: {  	v2 =	vld [tilespmem:s30+$0x3210]  }
0x1a5: {  	v3 =	vld [tilespmem:s30+$0x3220]  }
0x1a6: {  	v4 =	vld [tilespmem:s30+$0x3230]  }
0x1a7: {  	v5 =	vld [tilespmem:s30+$0x3240]  }
0x1a8: {  	v6 =	vld [tilespmem:s30+$0x3250]  }
0x1a9: {  	v7 =	vld [tilespmem:s30+$0x3260]  }
0x1aa: {  	[tilespmem:s30+$0x13270] =	vst.add.f32.msk $0xffff, v0  }
0x1ab: {  	[tilespmem:s30+$0x7200] =	vst.add.f32.msk $0xffff, v1  }
0x1ac: {  	[tilespmem:s30+$0xB200] =	vst.add.f32.msk $0xffff, v1  }
0x1ad: {  	[tilespmem:s30+$0xF200] =	vst.add.f32.msk $0xffff, v1  }
0x1ae: {  	[tilespmem:s30+$0x13200] =	vst.add.f32.msk $0xffff, v1  }
0x1af: {  	[tilespmem:s30+$0x7210] =	vst.add.f32.msk $0xffff, v2  }
0x1b0: {  	[tilespmem:s30+$0xB210] =	vst.add.f32.msk $0xffff, v2  }
0x1b1: {  	[tilespmem:s30+$0xF210] =	vst.add.f32.msk $0xffff, v2  }
0x1b2: {  	[tilespmem:s30+$0x13210] =	vst.add.f32.msk $0xffff, v2  }
0x1b3: {  	[tilespmem:s30+$0x7220] =	vst.add.f32.msk $0xffff, v3  }
0x1b4: {  	[tilespmem:s30+$0xB220] =	vst.add.f32.msk $0xffff, v3  }
0x1b5: {  	[tilespmem:s30+$0xF220] =	vst.add.f32.msk $0xffff, v3  }
0x1b6: {  	[tilespmem:s30+$0x13220] =	vst.add.f32.msk $0xffff, v3  }
0x1b7: {  	[tilespmem:s30+$0x7230] =	vst.add.f32.msk $0xffff, v4  }
0x1b8: {  	[tilespmem:s30+$0xB230] =	vst.add.f32.msk $0xffff, v4  }
0x1b9: {  	[tilespmem:s30+$0xF230] =	vst.add.f32.msk $0xffff, v4  }
0x1ba: {  	[tilespmem:s30+$0x13230] =	vst.add.f32.msk $0xffff, v4  }
0x1bb: {  	[tilespmem:s30+$0x7240] =	vst.add.f32.msk $0xffff, v5  }
0x1bc: {  	[tilespmem:s30+$0xB240] =	vst.add.f32.msk $0xffff, v5  }
0x1bd: {  	[tilespmem:s30+$0xF240] =	vst.add.f32.msk $0xffff, v5  }
0x1be: {  	[tilespmem:s30+$0x13240] =	vst.add.f32.msk $0xffff, v5  }
0x1bf: {  	[tilespmem:s30+$0x7250] =	vst.add.f32.msk $0xffff, v6  }
0x1c0: {  	[tilespmem:s30+$0xB250] =	vst.add.f32.msk $0xffff, v6  }
0x1c1: {  	[tilespmem:s30+$0xF250] =	vst.add.f32.msk $0xffff, v6  }
0x1c2: {  	[tilespmem:s30+$0x13250] =	vst.add.f32.msk $0xffff, v6  }
0x1c3: {  	[tilespmem:s30+$0x7260] =	vst.add.f32.msk $0xffff, v7  }
0x1c4: {  	[tilespmem:s30+$0xB260] =	vst.add.f32.msk $0xffff, v7  }
0x1c5: {  	[tilespmem:s30+$0xF260] =	vst.add.f32.msk $0xffff, v7  }
0x1c6: {  	[tilespmem:s30+$0x13260] =	vst.add.f32.msk $0xffff, v7  }
0x1c7: {  	[tilespmem:s30+$0x7270] =	vst.add.f32.msk $0xffff, v0  }
0x1c8: {  	[tilespmem:s30+$0xB270] =	vst.add.f32.msk $0xffff, v0  }
0x1c9: {  	s18 =	rddreg [dreg:$0x12];
	[tilespmem:s30+$0xF270] =	vst.add.f32.msk $0xffff, v0  }
0x1ca: {  	[hbm4b:s18+s3] =	stream.linear.scatter [tilespmem:s9], [sflag:$0x7], $0x1000, $0x38;
	[tilespmem:$0x14200] =	vst v63  }
0x1cb: {  	s30 =	rddreg [dreg:$0x13]  }
0x1cc: {  	[hbm4b:s30+s3] =	stream.linear.scatter [tilespmem:s10], [sflag:$0x7], $0x1000, $0x38;
	[tilespmem:$0x14200] =	vst v63  }
0x1cd: {  	_ = 	snop  }
0x1ce: {  	[hbm4b:s20+s3] =	stream.linear.scatter [tilespmem:s11], [sflag:$0x7], $0x1000, $0x38;
	[tilespmem:$0x14200] =	vst v63  }
0x1cf: {  	_ = 	snop  }
0x1d0: {  	[hbm4b:s21+s3] =	stream.linear.scatter [tilespmem:s12], [sflag:$0x7], $0x1000, $0x38;
	[tilespmem:$0x14200] =	vst v63  }
0x1d1: {  	_ =	swait.ge [sflag:s16], $0x1000  }
0x1d2: {  	[sflag:s16] =	ssyncset.done $0x0  }
0x1d3: {  	[sflag:s16] =	ssyncadd.s32 $0xFFFFF000  }
0x1d4: {  	_ =	swait.ge [sflag:s16], $0x1000  }
0x1d5: {  	[sflag:s16] =	ssyncset.done $0x0  }
0x1d6: {  	[sflag:s16] =	ssyncadd.s32 $0xFFFFF000  }
0x1d7: {  	_ =	swait.ge [sflag:s16], $0x1000  }
0x1d8: {  	[sflag:s16] =	ssyncset.done $0x0  }
0x1d9: {  	[sflag:s16] =	ssyncadd.s32 $0xFFFFF000  }
0x1da: {  	_ =	swait.ge [sflag:s16], $0x1000  }
0x1db: {  	[sflag:s16] =	ssyncset.done $0x0  }
0x1dc: {  	[sflag:s16] =	ssyncadd.s32 $0xFFFFF000  }
0x1dd: {  	_ =	swait.ge [sflag:s16], $0x1000  }
0x1de: {  	[sflag:s16] =	ssyncset.done $0x0  }
0x1df: {  	[sflag:s16] =	ssyncadd.s32 $0xFFFFF000  }
0x1e0: {  	_ =	swait.ge [sflag:s16], $0x1000  }
0x1e1: {  	[sflag:s16] =	ssyncset.done $0x0  }
0x1e2: {  	[sflag:s16] =	ssyncadd.s32 $0xFFFFF000  }
0x1e3: {  	_ =	swait.ge [sflag:s16], $0x1000  }
0x1e4: {  	[sflag:s16] =	ssyncset.done $0x0  }
0x1e5: {  	[sflag:s16] =	ssyncadd.s32 $0xFFFFF000  }
0x1e6: {  	_ =	swait.ge [sflag:s16], $0x1000  }
0x1e7: {  	[sflag:s16] =	ssyncset.done $0x0  }
0x1e8: {  	[sflag:s16] =	ssyncadd.s32 $0xFFFFF000  }
0x1e9: {  	_ =	swait.ge [sflag:s16], $0x1000  }
0x1ea: {  	[sflag:s16] =	ssyncset.done $0x0  }
0x1eb: {  	[sflag:s16] =	ssyncadd.s32 $0xFFFFF000  }
0x1ec: {  	_ =	swait.ge [sflag:s16], $0x1000  }
0x1ed: {  	[sflag:s16] =	ssyncset.done $0x0  }
0x1ee: {  	[sflag:s16] =	ssyncadd.s32 $0xFFFFF000  }
0x1ef: {  	_ =	swait.ge [sflag:s16], $0x1000  }
0x1f0: {  	[sflag:s16] =	ssyncset.done $0x0  }
0x1f1: {  	[sflag:s16] =	ssyncadd.s32 $0xFFFFF000  }
0x1f2: {  	_ =	swait.ge [sflag:s16], $0x1000  }
0x1f3: {  	[sflag:s16] =	ssyncset.done $0x0  }
0x1f4: {  	[sflag:s16] =	ssyncadd.s32 $0xFFFFF000  }
0x1f5: {  	_ =	swait.ge [sflag:s16], $0x1000  }
0x1f6: {  	[sflag:s16] =	ssyncset.done $0x0  }
0x1f7: {  	[sflag:s16] =	ssyncadd.s32 $0xFFFFF000  }
0x1f8: {  	_ =	swait.ge [sflag:s16], $0x1000  }
0x1f9: {  	[sflag:s16] =	ssyncset.done $0x0  }
0x1fa: {  	s17 =	sadd.s32 $0x1, s17;
	[sflag:s16] =	ssyncadd.s32 $0xFFFFF000  }
0x1fb: {  	p0 =	sne.s32 s17, s22;
	_ =	swait.ge [sflag:s16], $0x1000  }
.Ltmp4:
0x1fc: {  	[sflag:s16] =	ssyncset.done $0x0;
	(pc) =	sbr.rel @p0 .LBB2_1-.Ltmp4, $4  }
0x1fd: {  	[sflag:s16] =	ssyncadd.s32 $0xFFFFF000  }
0x1fe: {  	_ =	swait.ge [sflag:s16], $0x1000  }
0x1ff: {  	[sflag:s16] =	ssyncset.done $0x0  }
0x200: {  	[sflag:s16] =	ssyncadd.s32 $0xFFFFF000  }
0x201: {  	_ =	sfence.sel $0x180000  }
0x202: {  	[bflag:$0x0] =	sbarrier.arrive $0xFFFF  }
0x203: {  	_ =	strace $0x90000047  }
0x204: {  	s0 =	stileid.u32;
	[bflag:$0x2] =	sbarrier.arrive $0xFFFF  }
0x205: {  	p0 =	sne.s32 s0, $0x0;
	s0 =	rddreg [dreg:$0x4]  }
0x206: {  	s0 =	sadd.s32 @!p0 $0x100000, s0  }
0x207: {  	[sflag:s0] =	ssyncadd.tile.s32 @!p0 $0x1;
	_ =	shalt  }
.Lfunc_end2:
_tile_overlayer_lowered:
.L_overlay_start_2:
0x208: {  	(tag) =	ssettag $0x2  }
0x209: {  	s0 =	rddreg [dreg:$0x0];
	s2 =	stileid.u32  }
0x20a: {  	s1 =	rddreg [dreg:$0x1];
	p0 =	sne.s32 s2, $0x0  }
0x20b: {  	s3 =	rddreg [dreg:$0x2];
	[bflag:$0x3] =	sbarrier.arrive $0xFFFF;
	s2 =	simm.s32 @!p0 $0x1C08  }
0x20c: {  	[timem:s3], [sflag:s2] =	dma.local @!p0 [hbm:s0], s1  }
0x20d: {  	s0 =	simm.s32 @!p0 $0x8  }
0x20e: {  	_ =	swait.ge @!p0 [sflag:s0], s1  }
0x20f: {  	s1 =	ssub.s32 @!p0 $0x0, s1;
	[sflag:s0] =	ssyncset.done @!p0 $0x0  }
0x210: {  	[sflag:s0] =	ssyncadd.s32 @!p0 s1  }
0x211: {  	[bflag:$0x3] =	sbarrier.arrive $0xFFFF  }
0x212: {  	_ =	shalt  }

</sc_bundles>
